<compile_context>
chip_gen: v7x
topology: tpu7x:2x2x1
jax: 0.10.2.dev20260603
libtpu: 0.0.44.dev20260713+nightly
codegen_flags: <defaults>
</compile_context>

<pallas_src>
import jax
import jax.numpy as jnp
from jax import lax
from jax.experimental import pallas as pl
from jax.experimental.pallas import tpu as pltpu
from jax.experimental.pallas import tpu_sc as plsc

_B = 16384
_F = 26
_FIELD_DIM = 40000
_NC = 2
_NS = 16
_NW = _NC * _NS
_RPW = _B // _NW
_EPW = _RPW * _F
_L = 16
_BBLK = _RPW // _L
_FSP = 17
_CHW = 43008
_NST = 16
_SPW = _NST * _CHW
_TPAD = 1040384


def _tec_body(x_hbm, table_hbm, out_hbm, xv, valv, outv, table_sp, sem, gsem, hsem, tsem):
    sid = lax.axis_index("s")
    wid = sid * _NC + lax.axis_index("c")
    base_row = wid * _RPW

    for f in range(_NST):
        @pl.when(sid == f)
        def _stage(f=f):
            pltpu.async_copy(
                table_hbm.at[pl.ds(f * _CHW, _CHW)],
                table_sp.at[pl.ds(f * _CHW, _CHW)],
                tsem,
            )

    xcopies = [
        pltpu.async_copy(
            x_hbm.at[f, pl.ds(base_row, _RPW)],
            xv.at[pl.ds(f * _RPW, _RPW)],
            sem,
        )
        for f in range(_F)
    ]

    for cp in xcopies:
        cp.wait()
    hcopies = []
    for f in range(_FSP, _F):
        hcopies.append(pltpu.async_copy(
            table_hbm.at[pl.ds(f * _FIELD_DIM, _FIELD_DIM)].at[
                xv.at[pl.ds(f * _RPW, _RPW)]],
            valv.at[pl.ds(f * _RPW, _RPW)],
            hsem,
        ))

    @pl.when(sid < _NST)
    def _drain_stage():
        pltpu.make_async_copy(
            table_hbm.at[pl.ds(0, _CHW)],
            table_sp.at[pl.ds(0, _CHW)],
            tsem,
        ).wait()

    plsc.subcore_barrier()
    scopies = []
    for f in range(_FSP):
        scopies.append(pltpu.async_copy(
            table_sp.at[pl.ds(f * _FIELD_DIM, _FIELD_DIM)].at[
                xv.at[pl.ds(f * _RPW, _RPW)]],
            valv.at[pl.ds(f * _RPW, _RPW)],
            gsem,
        ))
    for cp in scopies:
        cp.wait()
    for cp in hcopies:
        cp.wait()

    def reduce(bb, _):
        base = bb * _L
        acc = valv[pl.ds(base, _L)]
        for f in range(1, _F):
            acc = acc + valv[pl.ds(f * _RPW + base, _L)]
        outv[pl.ds(base, _L)] = acc
        return 0

    lax.fori_loop(0, _BBLK, reduce, 0)

    pltpu.sync_copy(outv, out_hbm.at[pl.ds(base_row, _RPW)])


@jax.jit
def _fmlinear(x_t, table_flat):
    mesh = plsc.VectorSubcoreMesh(
        core_axis_name="c", subcore_axis_name="s",
        num_cores=_NC, num_subcores=_NS,
    )
    return pl.kernel(
        _tec_body,
        out_type=jax.ShapeDtypeStruct((_B,), jnp.float32),
        mesh=mesh,
        scratch_types=[
            pltpu.VMEM((_EPW,), jnp.int32),
            pltpu.VMEM((_EPW,), jnp.float32),
            pltpu.VMEM((_RPW,), jnp.float32),
            pltpu.VMEM_SHARED((_SPW,), jnp.float32),
            pltpu.SemaphoreType.DMA,
            pltpu.SemaphoreType.DMA,
            pltpu.SemaphoreType.DMA,
            pltpu.SemaphoreType.DMA,
        ],
        compiler_params=pltpu.CompilerParams(
            needs_layout_passes=False, disable_bounds_checks=True,
        ),
    )(x_t, table_flat)


def kernel(x, table):
    table_flat = jnp.pad(table, ((0, _TPAD - table.shape[0]), (0, 0))).reshape(-1)
    out = _fmlinear(x.T, table_flat)
    return out.reshape(_B, 1)

# --- scband reference (transcript-rebuilt; emitter-appended) ---
"""Pipeline reference for scband-fmlinear-53025666236727 (READ-ONLY COPY).

The authoritative reference and input builder live on the scoring server;
editing this copy changes nothing except your own understanding.
"""

import jax, jax.numpy as jnp
import numpy as np

FIELD_DIMS = [40000] * 26
BATCH = 16384
OUTPUT_DIM = 1


def setup_inputs(seed: int = 0) -> dict:
    key = jax.random.key(seed)
    k1, k2 = jax.random.split(key)
    # indices per field, each value in [0, field_dim)
    x = jax.random.randint(k1, (BATCH, len(FIELD_DIMS)), 0, 40000, dtype=jnp.int32)
    # embedding table for linear term: [sum(field_dims), output_dim], init normal(0, 0.01)
    table = jax.random.normal(k2, (int(sum(FIELD_DIMS)), OUTPUT_DIM), dtype=jnp.float32) * 0.01
    return {"x": x, "table": table}


def reference(x, table):
    # offsets = (0, cumsum(field_dims)[:-1])
    offsets = jnp.asarray(np.concatenate([[0], np.cumsum(FIELD_DIMS)[:-1]]), dtype=x.dtype)
    idx = x + offsets[None, :]                     # [B, F]
    emb = jnp.take(table, idx, axis=0)             # [B, F, output_dim] gather
    return jnp.sum(emb, axis=1)                    # [B, output_dim]

if __name__ == "__main__":
    import jax
    _d = setup_inputs()
    print(jax.jit(kernel)(*tuple(_d.values())))

</pallas_src>

<mosaic_0001>
#map = affine_map<(d0, d1) -> (0, 0)>
#map1 = affine_map<(d0, d1) -> (0)>
module attributes {stable_mosaic.version = 14 : i64} {
  func.func @_tec_body(%arg0: i32, %arg1: i32, %arg2: memref<26x16384xi32, #tpu.memory_space<hbm>>, %arg3: memref<1040384xf32, #tpu.memory_space<hbm>>, %arg4: memref<16384xf32, #tpu.memory_space<hbm>>, %arg5: memref<13312xi32, #tpu.memory_space<vmem>>, %arg6: memref<13312xf32, #tpu.memory_space<vmem>>, %arg7: memref<512xf32, #tpu.memory_space<vmem>>, %arg8: memref<688128xf32, #tpu.memory_space<vmem_shared>>, %arg9: memref<!tpu.dma_semaphore, #tpu.memory_space<semaphore_mem>>, %arg10: memref<!tpu.dma_semaphore, #tpu.memory_space<semaphore_mem>>, %arg11: memref<!tpu.dma_semaphore, #tpu.memory_space<semaphore_mem>>, %arg12: memref<!tpu.dma_semaphore, #tpu.memory_space<semaphore_mem>>) attributes {dimension_semantics = [#tpu.dimension_semantics<core_parallel>, #tpu.dimension_semantics<subcore_parallel>], iteration_bounds = array<i64: 2, 16>, scalar_prefetch = 0 : i64, scratch_operands = 8 : i64, tpu.core_type = #tpu.core_type<sc_vector_subcore>, window_params = [{transform_indices = #map}, {transform_indices = #map1}, {transform_indices = #map1}]} {
    %mul3A = arith.constant 2 : i32
    %mul3A_0 = arith.muli %arg1, %mul3A : i32
    %add3A = arith.addi %mul3A_0, %arg0 : i32
    %mul3A_1 = arith.constant 512 : i32
    %mul3A_2 = arith.muli %add3A, %mul3A_1 : i32
    %eq3A = arith.constant 0 : i32
    %eq3A_3 = arith.cmpi eq, %arg1, %eq3A : i32
    %convert_element_type3A = arith.extui %eq3A_3 : i1 to i32
    %cond3A = arith.constant 0 : i32
    %cond3A_4 = arith.cmpi ne, %convert_element_type3A, %cond3A : i32
    scf.if %cond3A_4 {
      %dma_start3A_972 = arith.constant 0 : i32
      %dma_start3A_973 = tpu.memref_slice %arg8[%dma_start3A_972] : memref<688128xf32, #tpu.memory_space<vmem_shared>> -> memref<43008xf32, #tpu.memory_space<vmem_shared>>
      %dma_start3A_974 = arith.constant 0 : i32
      %dma_start3A_975 = tpu.memref_slice %arg3[%dma_start3A_974] : memref<1040384xf32, #tpu.memory_space<hbm>> -> memref<43008xf32, #tpu.memory_space<hbm>>
      tpu.enqueue_dma source(%dma_start3A_975 : memref<43008xf32, #tpu.memory_space<hbm>>) target(%dma_start3A_973 : memref<43008xf32, #tpu.memory_space<vmem_shared>>) target_semaphore(%arg12 : memref<!tpu.dma_semaphore, #tpu.memory_space<semaphore_mem>>)
    } else {
    }
    %eq3A_5 = arith.constant 1 : i32
    %eq3A_6 = arith.cmpi eq, %arg1, %eq3A_5 : i32
    %convert_element_type3A_7 = arith.extui %eq3A_6 : i1 to i32
    %cond3A_8 = arith.constant 0 : i32
    %cond3A_9 = arith.cmpi ne, %convert_element_type3A_7, %cond3A_8 : i32
    scf.if %cond3A_9 {
      %dma_start3A_972 = arith.constant 43008 : i32
      %dma_start3A_973 = tpu.memref_slice %arg8[%dma_start3A_972] : memref<688128xf32, #tpu.memory_space<vmem_shared>> -> memref<43008xf32, #tpu.memory_space<vmem_shared>>
      %dma_start3A_974 = arith.constant 43008 : i32
      %dma_start3A_975 = tpu.memref_slice %arg3[%dma_start3A_974] : memref<1040384xf32, #tpu.memory_space<hbm>> -> memref<43008xf32, #tpu.memory_space<hbm>>
      tpu.enqueue_dma source(%dma_start3A_975 : memref<43008xf32, #tpu.memory_space<hbm>>) target(%dma_start3A_973 : memref<43008xf32, #tpu.memory_space<vmem_shared>>) target_semaphore(%arg12 : memref<!tpu.dma_semaphore, #tpu.memory_space<semaphore_mem>>)
    } else {
    }
    %eq3A_10 = arith.constant 2 : i32
    %eq3A_11 = arith.cmpi eq, %arg1, %eq3A_10 : i32
    %convert_element_type3A_12 = arith.extui %eq3A_11 : i1 to i32
    %cond3A_13 = arith.constant 0 : i32
    %cond3A_14 = arith.cmpi ne, %convert_element_type3A_12, %cond3A_13 : i32
    scf.if %cond3A_14 {
      %dma_start3A_972 = arith.constant 86016 : i32
      %dma_start3A_973 = tpu.memref_slice %arg8[%dma_start3A_972] : memref<688128xf32, #tpu.memory_space<vmem_shared>> -> memref<43008xf32, #tpu.memory_space<vmem_shared>>
      %dma_start3A_974 = arith.constant 86016 : i32
      %dma_start3A_975 = tpu.memref_slice %arg3[%dma_start3A_974] : memref<1040384xf32, #tpu.memory_space<hbm>> -> memref<43008xf32, #tpu.memory_space<hbm>>
      tpu.enqueue_dma source(%dma_start3A_975 : memref<43008xf32, #tpu.memory_space<hbm>>) target(%dma_start3A_973 : memref<43008xf32, #tpu.memory_space<vmem_shared>>) target_semaphore(%arg12 : memref<!tpu.dma_semaphore, #tpu.memory_space<semaphore_mem>>)
    } else {
    }
    %eq3A_15 = arith.constant 3 : i32
    %eq3A_16 = arith.cmpi eq, %arg1, %eq3A_15 : i32
    %convert_element_type3A_17 = arith.extui %eq3A_16 : i1 to i32
    %cond3A_18 = arith.constant 0 : i32
    %cond3A_19 = arith.cmpi ne, %convert_element_type3A_17, %cond3A_18 : i32
    scf.if %cond3A_19 {
      %dma_start3A_972 = arith.constant 129024 : i32
      %dma_start3A_973 = tpu.memref_slice %arg8[%dma_start3A_972] : memref<688128xf32, #tpu.memory_space<vmem_shared>> -> memref<43008xf32, #tpu.memory_space<vmem_shared>>
      %dma_start3A_974 = arith.constant 129024 : i32
      %dma_start3A_975 = tpu.memref_slice %arg3[%dma_start3A_974] : memref<1040384xf32, #tpu.memory_space<hbm>> -> memref<43008xf32, #tpu.memory_space<hbm>>
      tpu.enqueue_dma source(%dma_start3A_975 : memref<43008xf32, #tpu.memory_space<hbm>>) target(%dma_start3A_973 : memref<43008xf32, #tpu.memory_space<vmem_shared>>) target_semaphore(%arg12 : memref<!tpu.dma_semaphore, #tpu.memory_space<semaphore_mem>>)
    } else {
    }
    %eq3A_20 = arith.constant 4 : i32
    %eq3A_21 = arith.cmpi eq, %arg1, %eq3A_20 : i32
    %convert_element_type3A_22 = arith.extui %eq3A_21 : i1 to i32
    %cond3A_23 = arith.constant 0 : i32
    %cond3A_24 = arith.cmpi ne, %convert_element_type3A_22, %cond3A_23 : i32
    scf.if %cond3A_24 {
      %dma_start3A_972 = arith.constant 172032 : i32
      %dma_start3A_973 = tpu.memref_slice %arg8[%dma_start3A_972] : memref<688128xf32, #tpu.memory_space<vmem_shared>> -> memref<43008xf32, #tpu.memory_space<vmem_shared>>
      %dma_start3A_974 = arith.constant 172032 : i32
      %dma_start3A_975 = tpu.memref_slice %arg3[%dma_start3A_974] : memref<1040384xf32, #tpu.memory_space<hbm>> -> memref<43008xf32, #tpu.memory_space<hbm>>
      tpu.enqueue_dma source(%dma_start3A_975 : memref<43008xf32, #tpu.memory_space<hbm>>) target(%dma_start3A_973 : memref<43008xf32, #tpu.memory_space<vmem_shared>>) target_semaphore(%arg12 : memref<!tpu.dma_semaphore, #tpu.memory_space<semaphore_mem>>)
    } else {
    }
    %eq3A_25 = arith.constant 5 : i32
    %eq3A_26 = arith.cmpi eq, %arg1, %eq3A_25 : i32
    %convert_element_type3A_27 = arith.extui %eq3A_26 : i1 to i32
    %cond3A_28 = arith.constant 0 : i32
    %cond3A_29 = arith.cmpi ne, %convert_element_type3A_27, %cond3A_28 : i32
    scf.if %cond3A_29 {
      %dma_start3A_972 = arith.constant 215040 : i32
      %dma_start3A_973 = tpu.memref_slice %arg8[%dma_start3A_972] : memref<688128xf32, #tpu.memory_space<vmem_shared>> -> memref<43008xf32, #tpu.memory_space<vmem_shared>>
      %dma_start3A_974 = arith.constant 215040 : i32
      %dma_start3A_975 = tpu.memref_slice %arg3[%dma_start3A_974] : memref<1040384xf32, #tpu.memory_space<hbm>> -> memref<43008xf32, #tpu.memory_space<hbm>>
      tpu.enqueue_dma source(%dma_start3A_975 : memref<43008xf32, #tpu.memory_space<hbm>>) target(%dma_start3A_973 : memref<43008xf32, #tpu.memory_space<vmem_shared>>) target_semaphore(%arg12 : memref<!tpu.dma_semaphore, #tpu.memory_space<semaphore_mem>>)
    } else {
    }
    %eq3A_30 = arith.constant 6 : i32
    %eq3A_31 = arith.cmpi eq, %arg1, %eq3A_30 : i32
    %convert_element_type3A_32 = arith.extui %eq3A_31 : i1 to i32
    %cond3A_33 = arith.constant 0 : i32
    %cond3A_34 = arith.cmpi ne, %convert_element_type3A_32, %cond3A_33 : i32
    scf.if %cond3A_34 {
      %dma_start3A_972 = arith.constant 258048 : i32
      %dma_start3A_973 = tpu.memref_slice %arg8[%dma_start3A_972] : memref<688128xf32, #tpu.memory_space<vmem_shared>> -> memref<43008xf32, #tpu.memory_space<vmem_shared>>
      %dma_start3A_974 = arith.constant 258048 : i32
      %dma_start3A_975 = tpu.memref_slice %arg3[%dma_start3A_974] : memref<1040384xf32, #tpu.memory_space<hbm>> -> memref<43008xf32, #tpu.memory_space<hbm>>
      tpu.enqueue_dma source(%dma_start3A_975 : memref<43008xf32, #tpu.memory_space<hbm>>) target(%dma_start3A_973 : memref<43008xf32, #tpu.memory_space<vmem_shared>>) target_semaphore(%arg12 : memref<!tpu.dma_semaphore, #tpu.memory_space<semaphore_mem>>)
    } else {
    }
    %eq3A_35 = arith.constant 7 : i32
    %eq3A_36 = arith.cmpi eq, %arg1, %eq3A_35 : i32
    %convert_element_type3A_37 = arith.extui %eq3A_36 : i1 to i32
    %cond3A_38 = arith.constant 0 : i32
    %cond3A_39 = arith.cmpi ne, %convert_element_type3A_37, %cond3A_38 : i32
    scf.if %cond3A_39 {
      %dma_start3A_972 = arith.constant 301056 : i32
      %dma_start3A_973 = tpu.memref_slice %arg8[%dma_start3A_972] : memref<688128xf32, #tpu.memory_space<vmem_shared>> -> memref<43008xf32, #tpu.memory_space<vmem_shared>>
      %dma_start3A_974 = arith.constant 301056 : i32
      %dma_start3A_975 = tpu.memref_slice %arg3[%dma_start3A_974] : memref<1040384xf32, #tpu.memory_space<hbm>> -> memref<43008xf32, #tpu.memory_space<hbm>>
      tpu.enqueue_dma source(%dma_start3A_975 : memref<43008xf32, #tpu.memory_space<hbm>>) target(%dma_start3A_973 : memref<43008xf32, #tpu.memory_space<vmem_shared>>) target_semaphore(%arg12 : memref<!tpu.dma_semaphore, #tpu.memory_space<semaphore_mem>>)
    } else {
    }
    %eq3A_40 = arith.constant 8 : i32
    %eq3A_41 = arith.cmpi eq, %arg1, %eq3A_40 : i32
    %convert_element_type3A_42 = arith.extui %eq3A_41 : i1 to i32
    %cond3A_43 = arith.constant 0 : i32
    %cond3A_44 = arith.cmpi ne, %convert_element_type3A_42, %cond3A_43 : i32
    scf.if %cond3A_44 {
      %dma_start3A_972 = arith.constant 344064 : i32
      %dma_start3A_973 = tpu.memref_slice %arg8[%dma_start3A_972] : memref<688128xf32, #tpu.memory_space<vmem_shared>> -> memref<43008xf32, #tpu.memory_space<vmem_shared>>
      %dma_start3A_974 = arith.constant 344064 : i32
      %dma_start3A_975 = tpu.memref_slice %arg3[%dma_start3A_974] : memref<1040384xf32, #tpu.memory_space<hbm>> -> memref<43008xf32, #tpu.memory_space<hbm>>
      tpu.enqueue_dma source(%dma_start3A_975 : memref<43008xf32, #tpu.memory_space<hbm>>) target(%dma_start3A_973 : memref<43008xf32, #tpu.memory_space<vmem_shared>>) target_semaphore(%arg12 : memref<!tpu.dma_semaphore, #tpu.memory_space<semaphore_mem>>)
    } else {
    }
    %eq3A_45 = arith.constant 9 : i32
    %eq3A_46 = arith.cmpi eq, %arg1, %eq3A_45 : i32
    %convert_element_type3A_47 = arith.extui %eq3A_46 : i1 to i32
    %cond3A_48 = arith.constant 0 : i32
    %cond3A_49 = arith.cmpi ne, %convert_element_type3A_47, %cond3A_48 : i32
    scf.if %cond3A_49 {
      %dma_start3A_972 = arith.constant 387072 : i32
      %dma_start3A_973 = tpu.memref_slice %arg8[%dma_start3A_972] : memref<688128xf32, #tpu.memory_space<vmem_shared>> -> memref<43008xf32, #tpu.memory_space<vmem_shared>>
      %dma_start3A_974 = arith.constant 387072 : i32
      %dma_start3A_975 = tpu.memref_slice %arg3[%dma_start3A_974] : memref<1040384xf32, #tpu.memory_space<hbm>> -> memref<43008xf32, #tpu.memory_space<hbm>>
      tpu.enqueue_dma source(%dma_start3A_975 : memref<43008xf32, #tpu.memory_space<hbm>>) target(%dma_start3A_973 : memref<43008xf32, #tpu.memory_space<vmem_shared>>) target_semaphore(%arg12 : memref<!tpu.dma_semaphore, #tpu.memory_space<semaphore_mem>>)
    } else {
    }
    %eq3A_50 = arith.constant 10 : i32
    %eq3A_51 = arith.cmpi eq, %arg1, %eq3A_50 : i32
    %convert_element_type3A_52 = arith.extui %eq3A_51 : i1 to i32
    %cond3A_53 = arith.constant 0 : i32
    %cond3A_54 = arith.cmpi ne, %convert_element_type3A_52, %cond3A_53 : i32
    scf.if %cond3A_54 {
      %dma_start3A_972 = arith.constant 430080 : i32
      %dma_start3A_973 = tpu.memref_slice %arg8[%dma_start3A_972] : memref<688128xf32, #tpu.memory_space<vmem_shared>> -> memref<43008xf32, #tpu.memory_space<vmem_shared>>
      %dma_start3A_974 = arith.constant 430080 : i32
      %dma_start3A_975 = tpu.memref_slice %arg3[%dma_start3A_974] : memref<1040384xf32, #tpu.memory_space<hbm>> -> memref<43008xf32, #tpu.memory_space<hbm>>
      tpu.enqueue_dma source(%dma_start3A_975 : memref<43008xf32, #tpu.memory_space<hbm>>) target(%dma_start3A_973 : memref<43008xf32, #tpu.memory_space<vmem_shared>>) target_semaphore(%arg12 : memref<!tpu.dma_semaphore, #tpu.memory_space<semaphore_mem>>)
    } else {
    }
    %eq3A_55 = arith.constant 11 : i32
    %eq3A_56 = arith.cmpi eq, %arg1, %eq3A_55 : i32
    %convert_element_type3A_57 = arith.extui %eq3A_56 : i1 to i32
    %cond3A_58 = arith.constant 0 : i32
    %cond3A_59 = arith.cmpi ne, %convert_element_type3A_57, %cond3A_58 : i32
    scf.if %cond3A_59 {
      %dma_start3A_972 = arith.constant 473088 : i32
      %dma_start3A_973 = tpu.memref_slice %arg8[%dma_start3A_972] : memref<688128xf32, #tpu.memory_space<vmem_shared>> -> memref<43008xf32, #tpu.memory_space<vmem_shared>>
      %dma_start3A_974 = arith.constant 473088 : i32
      %dma_start3A_975 = tpu.memref_slice %arg3[%dma_start3A_974] : memref<1040384xf32, #tpu.memory_space<hbm>> -> memref<43008xf32, #tpu.memory_space<hbm>>
      tpu.enqueue_dma source(%dma_start3A_975 : memref<43008xf32, #tpu.memory_space<hbm>>) target(%dma_start3A_973 : memref<43008xf32, #tpu.memory_space<vmem_shared>>) target_semaphore(%arg12 : memref<!tpu.dma_semaphore, #tpu.memory_space<semaphore_mem>>)
    } else {
    }
    %eq3A_60 = arith.constant 12 : i32
    %eq3A_61 = arith.cmpi eq, %arg1, %eq3A_60 : i32
    %convert_element_type3A_62 = arith.extui %eq3A_61 : i1 to i32
    %cond3A_63 = arith.constant 0 : i32
    %cond3A_64 = arith.cmpi ne, %convert_element_type3A_62, %cond3A_63 : i32
    scf.if %cond3A_64 {
      %dma_start3A_972 = arith.constant 516096 : i32
      %dma_start3A_973 = tpu.memref_slice %arg8[%dma_start3A_972] : memref<688128xf32, #tpu.memory_space<vmem_shared>> -> memref<43008xf32, #tpu.memory_space<vmem_shared>>
      %dma_start3A_974 = arith.constant 516096 : i32
      %dma_start3A_975 = tpu.memref_slice %arg3[%dma_start3A_974] : memref<1040384xf32, #tpu.memory_space<hbm>> -> memref<43008xf32, #tpu.memory_space<hbm>>
      tpu.enqueue_dma source(%dma_start3A_975 : memref<43008xf32, #tpu.memory_space<hbm>>) target(%dma_start3A_973 : memref<43008xf32, #tpu.memory_space<vmem_shared>>) target_semaphore(%arg12 : memref<!tpu.dma_semaphore, #tpu.memory_space<semaphore_mem>>)
    } else {
    }
    %eq3A_65 = arith.constant 13 : i32
    %eq3A_66 = arith.cmpi eq, %arg1, %eq3A_65 : i32
    %convert_element_type3A_67 = arith.extui %eq3A_66 : i1 to i32
    %cond3A_68 = arith.constant 0 : i32
    %cond3A_69 = arith.cmpi ne, %convert_element_type3A_67, %cond3A_68 : i32
    scf.if %cond3A_69 {
      %dma_start3A_972 = arith.constant 559104 : i32
      %dma_start3A_973 = tpu.memref_slice %arg8[%dma_start3A_972] : memref<688128xf32, #tpu.memory_space<vmem_shared>> -> memref<43008xf32, #tpu.memory_space<vmem_shared>>
      %dma_start3A_974 = arith.constant 559104 : i32
      %dma_start3A_975 = tpu.memref_slice %arg3[%dma_start3A_974] : memref<1040384xf32, #tpu.memory_space<hbm>> -> memref<43008xf32, #tpu.memory_space<hbm>>
      tpu.enqueue_dma source(%dma_start3A_975 : memref<43008xf32, #tpu.memory_space<hbm>>) target(%dma_start3A_973 : memref<43008xf32, #tpu.memory_space<vmem_shared>>) target_semaphore(%arg12 : memref<!tpu.dma_semaphore, #tpu.memory_space<semaphore_mem>>)
    } else {
    }
    %eq3A_70 = arith.constant 14 : i32
    %eq3A_71 = arith.cmpi eq, %arg1, %eq3A_70 : i32
    %convert_element_type3A_72 = arith.extui %eq3A_71 : i1 to i32
    %cond3A_73 = arith.constant 0 : i32
    %cond3A_74 = arith.cmpi ne, %convert_element_type3A_72, %cond3A_73 : i32
    scf.if %cond3A_74 {
      %dma_start3A_972 = arith.constant 602112 : i32
      %dma_start3A_973 = tpu.memref_slice %arg8[%dma_start3A_972] : memref<688128xf32, #tpu.memory_space<vmem_shared>> -> memref<43008xf32, #tpu.memory_space<vmem_shared>>
      %dma_start3A_974 = arith.constant 602112 : i32
      %dma_start3A_975 = tpu.memref_slice %arg3[%dma_start3A_974] : memref<1040384xf32, #tpu.memory_space<hbm>> -> memref<43008xf32, #tpu.memory_space<hbm>>
      tpu.enqueue_dma source(%dma_start3A_975 : memref<43008xf32, #tpu.memory_space<hbm>>) target(%dma_start3A_973 : memref<43008xf32, #tpu.memory_space<vmem_shared>>) target_semaphore(%arg12 : memref<!tpu.dma_semaphore, #tpu.memory_space<semaphore_mem>>)
    } else {
    }
    %eq3A_75 = arith.constant 15 : i32
    %eq3A_76 = arith.cmpi eq, %arg1, %eq3A_75 : i32
    %convert_element_type3A_77 = arith.extui %eq3A_76 : i1 to i32
    %cond3A_78 = arith.constant 0 : i32
    %cond3A_79 = arith.cmpi ne, %convert_element_type3A_77, %cond3A_78 : i32
    scf.if %cond3A_79 {
      %dma_start3A_972 = arith.constant 645120 : i32
      %dma_start3A_973 = tpu.memref_slice %arg8[%dma_start3A_972] : memref<688128xf32, #tpu.memory_space<vmem_shared>> -> memref<43008xf32, #tpu.memory_space<vmem_shared>>
      %dma_start3A_974 = arith.constant 645120 : i32
      %dma_start3A_975 = tpu.memref_slice %arg3[%dma_start3A_974] : memref<1040384xf32, #tpu.memory_space<hbm>> -> memref<43008xf32, #tpu.memory_space<hbm>>
      tpu.enqueue_dma source(%dma_start3A_975 : memref<43008xf32, #tpu.memory_space<hbm>>) target(%dma_start3A_973 : memref<43008xf32, #tpu.memory_space<vmem_shared>>) target_semaphore(%arg12 : memref<!tpu.dma_semaphore, #tpu.memory_space<semaphore_mem>>)
    } else {
    }
    %dma_start3A = arith.constant 0 : i32
    %dma_start3A_80 = arith.constant 0 : i32
    %dma_start3A_81 = tpu.memref_slice %arg5[%dma_start3A_80] : memref<13312xi32, #tpu.memory_space<vmem>> -> memref<512xi32, #tpu.memory_space<vmem>>
    %dma_start3A_82 = tpu.memref_slice %arg2[%dma_start3A, %mul3A_2] : memref<26x16384xi32, #tpu.memory_space<hbm>> -> memref<1x512xi32, #tpu.memory_space<hbm>>
    %dma_start3A_83 = tpu.memref_squeeze %dma_start3A_82 : memref<1x512xi32, #tpu.memory_space<hbm>> -> memref<512xi32, #tpu.memory_space<hbm>>
    %dma_start3A_84 = arith.constant 0 : i32
    %dma_start3A_85 = tpu.memref_slice %arg5[%dma_start3A_84] : memref<13312xi32, #tpu.memory_space<vmem>> -> memref<512xi32, #tpu.memory_space<vmem>>
    %dma_start3A_86 = tpu.memref_slice %arg2[%dma_start3A, %mul3A_2] : memref<26x16384xi32, #tpu.memory_space<hbm>> -> memref<1x512xi32, #tpu.memory_space<hbm>>
    %dma_start3A_87 = tpu.memref_squeeze %dma_start3A_86 : memref<1x512xi32, #tpu.memory_space<hbm>> -> memref<512xi32, #tpu.memory_space<hbm>>
    tpu.enqueue_dma source(%dma_start3A_87 : memref<512xi32, #tpu.memory_space<hbm>>) target(%dma_start3A_85 : memref<512xi32, #tpu.memory_space<vmem>>) target_semaphore(%arg9 : memref<!tpu.dma_semaphore, #tpu.memory_space<semaphore_mem>>)
    %dma_start3A_88 = arith.constant 1 : i32
    %dma_start3A_89 = arith.constant 512 : i32
    %dma_start3A_90 = tpu.memref_slice %arg5[%dma_start3A_89] : memref<13312xi32, #tpu.memory_space<vmem>> -> memref<512xi32, #tpu.memory_space<vmem>>
    %dma_start3A_91 = tpu.memref_slice %arg2[%dma_start3A_88, %mul3A_2] : memref<26x16384xi32, #tpu.memory_space<hbm>> -> memref<1x512xi32, #tpu.memory_space<hbm>>
    %dma_start3A_92 = tpu.memref_squeeze %dma_start3A_91 : memref<1x512xi32, #tpu.memory_space<hbm>> -> memref<512xi32, #tpu.memory_space<hbm>>
    %dma_start3A_93 = arith.constant 512 : i32
    %dma_start3A_94 = tpu.memref_slice %arg5[%dma_start3A_93] : memref<13312xi32, #tpu.memory_space<vmem>> -> memref<512xi32, #tpu.memory_space<vmem>>
    %dma_start3A_95 = tpu.memref_slice %arg2[%dma_start3A_88, %mul3A_2] : memref<26x16384xi32, #tpu.memory_space<hbm>> -> memref<1x512xi32, #tpu.memory_space<hbm>>
    %dma_start3A_96 = tpu.memref_squeeze %dma_start3A_95 : memref<1x512xi32, #tpu.memory_space<hbm>> -> memref<512xi32, #tpu.memory_space<hbm>>
    tpu.enqueue_dma source(%dma_start3A_96 : memref<512xi32, #tpu.memory_space<hbm>>) target(%dma_start3A_94 : memref<512xi32, #tpu.memory_space<vmem>>) target_semaphore(%arg9 : memref<!tpu.dma_semaphore, #tpu.memory_space<semaphore_mem>>)
    %dma_start3A_97 = arith.constant 2 : i32
    %dma_start3A_98 = arith.constant 1024 : i32
    %dma_start3A_99 = tpu.memref_slice %arg5[%dma_start3A_98] : memref<13312xi32, #tpu.memory_space<vmem>> -> memref<512xi32, #tpu.memory_space<vmem>>
    %dma_start3A_100 = tpu.memref_slice %arg2[%dma_start3A_97, %mul3A_2] : memref<26x16384xi32, #tpu.memory_space<hbm>> -> memref<1x512xi32, #tpu.memory_space<hbm>>
    %dma_start3A_101 = tpu.memref_squeeze %dma_start3A_100 : memref<1x512xi32, #tpu.memory_space<hbm>> -> memref<512xi32, #tpu.memory_space<hbm>>
    %dma_start3A_102 = arith.constant 1024 : i32
    %dma_start3A_103 = tpu.memref_slice %arg5[%dma_start3A_102] : memref<13312xi32, #tpu.memory_space<vmem>> -> memref<512xi32, #tpu.memory_space<vmem>>
    %dma_start3A_104 = tpu.memref_slice %arg2[%dma_start3A_97, %mul3A_2] : memref<26x16384xi32, #tpu.memory_space<hbm>> -> memref<1x512xi32, #tpu.memory_space<hbm>>
    %dma_start3A_105 = tpu.memref_squeeze %dma_start3A_104 : memref<1x512xi32, #tpu.memory_space<hbm>> -> memref<512xi32, #tpu.memory_space<hbm>>
    tpu.enqueue_dma source(%dma_start3A_105 : memref<512xi32, #tpu.memory_space<hbm>>) target(%dma_start3A_103 : memref<512xi32, #tpu.memory_space<vmem>>) target_semaphore(%arg9 : memref<!tpu.dma_semaphore, #tpu.memory_space<semaphore_mem>>)
    %dma_start3A_106 = arith.constant 3 : i32
    %dma_start3A_107 = arith.constant 1536 : i32
    %dma_start3A_108 = tpu.memref_slice %arg5[%dma_start3A_107] : memref<13312xi32, #tpu.memory_space<vmem>> -> memref<512xi32, #tpu.memory_space<vmem>>
    %dma_start3A_109 = tpu.memref_slice %arg2[%dma_start3A_106, %mul3A_2] : memref<26x16384xi32, #tpu.memory_space<hbm>> -> memref<1x512xi32, #tpu.memory_space<hbm>>
    %dma_start3A_110 = tpu.memref_squeeze %dma_start3A_109 : memref<1x512xi32, #tpu.memory_space<hbm>> -> memref<512xi32, #tpu.memory_space<hbm>>
    %dma_start3A_111 = arith.constant 1536 : i32
    %dma_start3A_112 = tpu.memref_slice %arg5[%dma_start3A_111] : memref<13312xi32, #tpu.memory_space<vmem>> -> memref<512xi32, #tpu.memory_space<vmem>>
    %dma_start3A_113 = tpu.memref_slice %arg2[%dma_start3A_106, %mul3A_2] : memref<26x16384xi32, #tpu.memory_space<hbm>> -> memref<1x512xi32, #tpu.memory_space<hbm>>
    %dma_start3A_114 = tpu.memref_squeeze %dma_start3A_113 : memref<1x512xi32, #tpu.memory_space<hbm>> -> memref<512xi32, #tpu.memory_space<hbm>>
    tpu.enqueue_dma source(%dma_start3A_114 : memref<512xi32, #tpu.memory_space<hbm>>) target(%dma_start3A_112 : memref<512xi32, #tpu.memory_space<vmem>>) target_semaphore(%arg9 : memref<!tpu.dma_semaphore, #tpu.memory_space<semaphore_mem>>)
    %dma_start3A_115 = arith.constant 4 : i32
    %dma_start3A_116 = arith.constant 2048 : i32
    %dma_start3A_117 = tpu.memref_slice %arg5[%dma_start3A_116] : memref<13312xi32, #tpu.memory_space<vmem>> -> memref<512xi32, #tpu.memory_space<vmem>>
    %dma_start3A_118 = tpu.memref_slice %arg2[%dma_start3A_115, %mul3A_2] : memref<26x16384xi32, #tpu.memory_space<hbm>> -> memref<1x512xi32, #tpu.memory_space<hbm>>
    %dma_start3A_119 = tpu.memref_squeeze %dma_start3A_118 : memref<1x512xi32, #tpu.memory_space<hbm>> -> memref<512xi32, #tpu.memory_space<hbm>>
    %dma_start3A_120 = arith.constant 2048 : i32
    %dma_start3A_121 = tpu.memref_slice %arg5[%dma_start3A_120] : memref<13312xi32, #tpu.memory_space<vmem>> -> memref<512xi32, #tpu.memory_space<vmem>>
    %dma_start3A_122 = tpu.memref_slice %arg2[%dma_start3A_115, %mul3A_2] : memref<26x16384xi32, #tpu.memory_space<hbm>> -> memref<1x512xi32, #tpu.memory_space<hbm>>
    %dma_start3A_123 = tpu.memref_squeeze %dma_start3A_122 : memref<1x512xi32, #tpu.memory_space<hbm>> -> memref<512xi32, #tpu.memory_space<hbm>>
    tpu.enqueue_dma source(%dma_start3A_123 : memref<512xi32, #tpu.memory_space<hbm>>) target(%dma_start3A_121 : memref<512xi32, #tpu.memory_space<vmem>>) target_semaphore(%arg9 : memref<!tpu.dma_semaphore, #tpu.memory_space<semaphore_mem>>)
    %dma_start3A_124 = arith.constant 5 : i32
    %dma_start3A_125 = arith.constant 2560 : i32
    %dma_start3A_126 = tpu.memref_slice %arg5[%dma_start3A_125] : memref<13312xi32, #tpu.memory_space<vmem>> -> memref<512xi32, #tpu.memory_space<vmem>>
    %dma_start3A_127 = tpu.memref_slice %arg2[%dma_start3A_124, %mul3A_2] : memref<26x16384xi32, #tpu.memory_space<hbm>> -> memref<1x512xi32, #tpu.memory_space<hbm>>
    %dma_start3A_128 = tpu.memref_squeeze %dma_start3A_127 : memref<1x512xi32, #tpu.memory_space<hbm>> -> memref<512xi32, #tpu.memory_space<hbm>>
    %dma_start3A_129 = arith.constant 2560 : i32
    %dma_start3A_130 = tpu.memref_slice %arg5[%dma_start3A_129] : memref<13312xi32, #tpu.memory_space<vmem>> -> memref<512xi32, #tpu.memory_space<vmem>>
    %dma_start3A_131 = tpu.memref_slice %arg2[%dma_start3A_124, %mul3A_2] : memref<26x16384xi32, #tpu.memory_space<hbm>> -> memref<1x512xi32, #tpu.memory_space<hbm>>
    %dma_start3A_132 = tpu.memref_squeeze %dma_start3A_131 : memref<1x512xi32, #tpu.memory_space<hbm>> -> memref<512xi32, #tpu.memory_space<hbm>>
    tpu.enqueue_dma source(%dma_start3A_132 : memref<512xi32, #tpu.memory_space<hbm>>) target(%dma_start3A_130 : memref<512xi32, #tpu.memory_space<vmem>>) target_semaphore(%arg9 : memref<!tpu.dma_semaphore, #tpu.memory_space<semaphore_mem>>)
    %dma_start3A_133 = arith.constant 6 : i32
    %dma_start3A_134 = arith.constant 3072 : i32
    %dma_start3A_135 = tpu.memref_slice %arg5[%dma_start3A_134] : memref<13312xi32, #tpu.memory_space<vmem>> -> memref<512xi32, #tpu.memory_space<vmem>>
    %dma_start3A_136 = tpu.memref_slice %arg2[%dma_start3A_133, %mul3A_2] : memref<26x16384xi32, #tpu.memory_space<hbm>> -> memref<1x512xi32, #tpu.memory_space<hbm>>
    %dma_start3A_137 = tpu.memref_squeeze %dma_start3A_136 : memref<1x512xi32, #tpu.memory_space<hbm>> -> memref<512xi32, #tpu.memory_space<hbm>>
    %dma_start3A_138 = arith.constant 3072 : i32
    %dma_start3A_139 = tpu.memref_slice %arg5[%dma_start3A_138] : memref<13312xi32, #tpu.memory_space<vmem>> -> memref<512xi32, #tpu.memory_space<vmem>>
    %dma_start3A_140 = tpu.memref_slice %arg2[%dma_start3A_133, %mul3A_2] : memref<26x16384xi32, #tpu.memory_space<hbm>> -> memref<1x512xi32, #tpu.memory_space<hbm>>
    %dma_start3A_141 = tpu.memref_squeeze %dma_start3A_140 : memref<1x512xi32, #tpu.memory_space<hbm>> -> memref<512xi32, #tpu.memory_space<hbm>>
    tpu.enqueue_dma source(%dma_start3A_141 : memref<512xi32, #tpu.memory_space<hbm>>) target(%dma_start3A_139 : memref<512xi32, #tpu.memory_space<vmem>>) target_semaphore(%arg9 : memref<!tpu.dma_semaphore, #tpu.memory_space<semaphore_mem>>)
    %dma_start3A_142 = arith.constant 7 : i32
    %dma_start3A_143 = arith.constant 3584 : i32
    %dma_start3A_144 = tpu.memref_slice %arg5[%dma_start3A_143] : memref<13312xi32, #tpu.memory_space<vmem>> -> memref<512xi32, #tpu.memory_space<vmem>>
    %dma_start3A_145 = tpu.memref_slice %arg2[%dma_start3A_142, %mul3A_2] : memref<26x16384xi32, #tpu.memory_space<hbm>> -> memref<1x512xi32, #tpu.memory_space<hbm>>
    %dma_start3A_146 = tpu.memref_squeeze %dma_start3A_145 : memref<1x512xi32, #tpu.memory_space<hbm>> -> memref<512xi32, #tpu.memory_space<hbm>>
    %dma_start3A_147 = arith.constant 3584 : i32
    %dma_start3A_148 = tpu.memref_slice %arg5[%dma_start3A_147] : memref<13312xi32, #tpu.memory_space<vmem>> -> memref<512xi32, #tpu.memory_space<vmem>>
    %dma_start3A_149 = tpu.memref_slice %arg2[%dma_start3A_142, %mul3A_2] : memref<26x16384xi32, #tpu.memory_space<hbm>> -> memref<1x512xi32, #tpu.memory_space<hbm>>
    %dma_start3A_150 = tpu.memref_squeeze %dma_start3A_149 : memref<1x512xi32, #tpu.memory_space<hbm>> -> memref<512xi32, #tpu.memory_space<hbm>>
    tpu.enqueue_dma source(%dma_start3A_150 : memref<512xi32, #tpu.memory_space<hbm>>) target(%dma_start3A_148 : memref<512xi32, #tpu.memory_space<vmem>>) target_semaphore(%arg9 : memref<!tpu.dma_semaphore, #tpu.memory_space<semaphore_mem>>)
    %dma_start3A_151 = arith.constant 8 : i32
    %dma_start3A_152 = arith.constant 4096 : i32
    %dma_start3A_153 = tpu.memref_slice %arg5[%dma_start3A_152] : memref<13312xi32, #tpu.memory_space<vmem>> -> memref<512xi32, #tpu.memory_space<vmem>>
    %dma_start3A_154 = tpu.memref_slice %arg2[%dma_start3A_151, %mul3A_2] : memref<26x16384xi32, #tpu.memory_space<hbm>> -> memref<1x512xi32, #tpu.memory_space<hbm>>
    %dma_start3A_155 = tpu.memref_squeeze %dma_start3A_154 : memref<1x512xi32, #tpu.memory_space<hbm>> -> memref<512xi32, #tpu.memory_space<hbm>>
    %dma_start3A_156 = arith.constant 4096 : i32
    %dma_start3A_157 = tpu.memref_slice %arg5[%dma_start3A_156] : memref<13312xi32, #tpu.memory_space<vmem>> -> memref<512xi32, #tpu.memory_space<vmem>>
    %dma_start3A_158 = tpu.memref_slice %arg2[%dma_start3A_151, %mul3A_2] : memref<26x16384xi32, #tpu.memory_space<hbm>> -> memref<1x512xi32, #tpu.memory_space<hbm>>
    %dma_start3A_159 = tpu.memref_squeeze %dma_start3A_158 : memref<1x512xi32, #tpu.memory_space<hbm>> -> memref<512xi32, #tpu.memory_space<hbm>>
    tpu.enqueue_dma source(%dma_start3A_159 : memref<512xi32, #tpu.memory_space<hbm>>) target(%dma_start3A_157 : memref<512xi32, #tpu.memory_space<vmem>>) target_semaphore(%arg9 : memref<!tpu.dma_semaphore, #tpu.memory_space<semaphore_mem>>)
    %dma_start3A_160 = arith.constant 9 : i32
    %dma_start3A_161 = arith.constant 4608 : i32
    %dma_start3A_162 = tpu.memref_slice %arg5[%dma_start3A_161] : memref<13312xi32, #tpu.memory_space<vmem>> -> memref<512xi32, #tpu.memory_space<vmem>>
    %dma_start3A_163 = tpu.memref_slice %arg2[%dma_start3A_160, %mul3A_2] : memref<26x16384xi32, #tpu.memory_space<hbm>> -> memref<1x512xi32, #tpu.memory_space<hbm>>
    %dma_start3A_164 = tpu.memref_squeeze %dma_start3A_163 : memref<1x512xi32, #tpu.memory_space<hbm>> -> memref<512xi32, #tpu.memory_space<hbm>>
    %dma_start3A_165 = arith.constant 4608 : i32
    %dma_start3A_166 = tpu.memref_slice %arg5[%dma_start3A_165] : memref<13312xi32, #tpu.memory_space<vmem>> -> memref<512xi32, #tpu.memory_space<vmem>>
    %dma_start3A_167 = tpu.memref_slice %arg2[%dma_start3A_160, %mul3A_2] : memref<26x16384xi32, #tpu.memory_space<hbm>> -> memref<1x512xi32, #tpu.memory_space<hbm>>
    %dma_start3A_168 = tpu.memref_squeeze %dma_start3A_167 : memref<1x512xi32, #tpu.memory_space<hbm>> -> memref<512xi32, #tpu.memory_space<hbm>>
    tpu.enqueue_dma source(%dma_start3A_168 : memref<512xi32, #tpu.memory_space<hbm>>) target(%dma_start3A_166 : memref<512xi32, #tpu.memory_space<vmem>>) target_semaphore(%arg9 : memref<!tpu.dma_semaphore, #tpu.memory_space<semaphore_mem>>)
    %dma_start3A_169 = arith.constant 10 : i32
    %dma_start3A_170 = arith.constant 5120 : i32
    %dma_start3A_171 = tpu.memref_slice %arg5[%dma_start3A_170] : memref<13312xi32, #tpu.memory_space<vmem>> -> memref<512xi32, #tpu.memory_space<vmem>>
    %dma_start3A_172 = tpu.memref_slice %arg2[%dma_start3A_169, %mul3A_2] : memref<26x16384xi32, #tpu.memory_space<hbm>> -> memref<1x512xi32, #tpu.memory_space<hbm>>
    %dma_start3A_173 = tpu.memref_squeeze %dma_start3A_172 : memref<1x512xi32, #tpu.memory_space<hbm>> -> memref<512xi32, #tpu.memory_space<hbm>>
    %dma_start3A_174 = arith.constant 5120 : i32
    %dma_start3A_175 = tpu.memref_slice %arg5[%dma_start3A_174] : memref<13312xi32, #tpu.memory_space<vmem>> -> memref<512xi32, #tpu.memory_space<vmem>>
    %dma_start3A_176 = tpu.memref_slice %arg2[%dma_start3A_169, %mul3A_2] : memref<26x16384xi32, #tpu.memory_space<hbm>> -> memref<1x512xi32, #tpu.memory_space<hbm>>
    %dma_start3A_177 = tpu.memref_squeeze %dma_start3A_176 : memref<1x512xi32, #tpu.memory_space<hbm>> -> memref<512xi32, #tpu.memory_space<hbm>>
    tpu.enqueue_dma source(%dma_start3A_177 : memref<512xi32, #tpu.memory_space<hbm>>) target(%dma_start3A_175 : memref<512xi32, #tpu.memory_space<vmem>>) target_semaphore(%arg9 : memref<!tpu.dma_semaphore, #tpu.memory_space<semaphore_mem>>)
    %dma_start3A_178 = arith.constant 11 : i32
    %dma_start3A_179 = arith.constant 5632 : i32
    %dma_start3A_180 = tpu.memref_slice %arg5[%dma_start3A_179] : memref<13312xi32, #tpu.memory_space<vmem>> -> memref<512xi32, #tpu.memory_space<vmem>>
    %dma_start3A_181 = tpu.memref_slice %arg2[%dma_start3A_178, %mul3A_2] : memref<26x16384xi32, #tpu.memory_space<hbm>> -> memref<1x512xi32, #tpu.memory_space<hbm>>
    %dma_start3A_182 = tpu.memref_squeeze %dma_start3A_181 : memref<1x512xi32, #tpu.memory_space<hbm>> -> memref<512xi32, #tpu.memory_space<hbm>>
    %dma_start3A_183 = arith.constant 5632 : i32
    %dma_start3A_184 = tpu.memref_slice %arg5[%dma_start3A_183] : memref<13312xi32, #tpu.memory_space<vmem>> -> memref<512xi32, #tpu.memory_space<vmem>>
    %dma_start3A_185 = tpu.memref_slice %arg2[%dma_start3A_178, %mul3A_2] : memref<26x16384xi32, #tpu.memory_space<hbm>> -> memref<1x512xi32, #tpu.memory_space<hbm>>
    %dma_start3A_186 = tpu.memref_squeeze %dma_start3A_185 : memref<1x512xi32, #tpu.memory_space<hbm>> -> memref<512xi32, #tpu.memory_space<hbm>>
    tpu.enqueue_dma source(%dma_start3A_186 : memref<512xi32, #tpu.memory_space<hbm>>) target(%dma_start3A_184 : memref<512xi32, #tpu.memory_space<vmem>>) target_semaphore(%arg9 : memref<!tpu.dma_semaphore, #tpu.memory_space<semaphore_mem>>)
    %dma_start3A_187 = arith.constant 12 : i32
    %dma_start3A_188 = arith.constant 6144 : i32
    %dma_start3A_189 = tpu.memref_slice %arg5[%dma_start3A_188] : memref<13312xi32, #tpu.memory_space<vmem>> -> memref<512xi32, #tpu.memory_space<vmem>>
    %dma_start3A_190 = tpu.memref_slice %arg2[%dma_start3A_187, %mul3A_2] : memref<26x16384xi32, #tpu.memory_space<hbm>> -> memref<1x512xi32, #tpu.memory_space<hbm>>
    %dma_start3A_191 = tpu.memref_squeeze %dma_start3A_190 : memref<1x512xi32, #tpu.memory_space<hbm>> -> memref<512xi32, #tpu.memory_space<hbm>>
    %dma_start3A_192 = arith.constant 6144 : i32
    %dma_start3A_193 = tpu.memref_slice %arg5[%dma_start3A_192] : memref<13312xi32, #tpu.memory_space<vmem>> -> memref<512xi32, #tpu.memory_space<vmem>>
    %dma_start3A_194 = tpu.memref_slice %arg2[%dma_start3A_187, %mul3A_2] : memref<26x16384xi32, #tpu.memory_space<hbm>> -> memref<1x512xi32, #tpu.memory_space<hbm>>
    %dma_start3A_195 = tpu.memref_squeeze %dma_start3A_194 : memref<1x512xi32, #tpu.memory_space<hbm>> -> memref<512xi32, #tpu.memory_space<hbm>>
    tpu.enqueue_dma source(%dma_start3A_195 : memref<512xi32, #tpu.memory_space<hbm>>) target(%dma_start3A_193 : memref<512xi32, #tpu.memory_space<vmem>>) target_semaphore(%arg9 : memref<!tpu.dma_semaphore, #tpu.memory_space<semaphore_mem>>)
    %dma_start3A_196 = arith.constant 13 : i32
    %dma_start3A_197 = arith.constant 6656 : i32
    %dma_start3A_198 = tpu.memref_slice %arg5[%dma_start3A_197] : memref<13312xi32, #tpu.memory_space<vmem>> -> memref<512xi32, #tpu.memory_space<vmem>>
    %dma_start3A_199 = tpu.memref_slice %arg2[%dma_start3A_196, %mul3A_2] : memref<26x16384xi32, #tpu.memory_space<hbm>> -> memref<1x512xi32, #tpu.memory_space<hbm>>
    %dma_start3A_200 = tpu.memref_squeeze %dma_start3A_199 : memref<1x512xi32, #tpu.memory_space<hbm>> -> memref<512xi32, #tpu.memory_space<hbm>>
    %dma_start3A_201 = arith.constant 6656 : i32
    %dma_start3A_202 = tpu.memref_slice %arg5[%dma_start3A_201] : memref<13312xi32, #tpu.memory_space<vmem>> -> memref<512xi32, #tpu.memory_space<vmem>>
    %dma_start3A_203 = tpu.memref_slice %arg2[%dma_start3A_196, %mul3A_2] : memref<26x16384xi32, #tpu.memory_space<hbm>> -> memref<1x512xi32, #tpu.memory_space<hbm>>
    %dma_start3A_204 = tpu.memref_squeeze %dma_start3A_203 : memref<1x512xi32, #tpu.memory_space<hbm>> -> memref<512xi32, #tpu.memory_space<hbm>>
    tpu.enqueue_dma source(%dma_start3A_204 : memref<512xi32, #tpu.memory_space<hbm>>) target(%dma_start3A_202 : memref<512xi32, #tpu.memory_space<vmem>>) target_semaphore(%arg9 : memref<!tpu.dma_semaphore, #tpu.memory_space<semaphore_mem>>)
    %dma_start3A_205 = arith.constant 14 : i32
    %dma_start3A_206 = arith.constant 7168 : i32
    %dma_start3A_207 = tpu.memref_slice %arg5[%dma_start3A_206] : memref<13312xi32, #tpu.memory_space<vmem>> -> memref<512xi32, #tpu.memory_space<vmem>>
    %dma_start3A_208 = tpu.memref_slice %arg2[%dma_start3A_205, %mul3A_2] : memref<26x16384xi32, #tpu.memory_space<hbm>> -> memref<1x512xi32, #tpu.memory_space<hbm>>
    %dma_start3A_209 = tpu.memref_squeeze %dma_start3A_208 : memref<1x512xi32, #tpu.memory_space<hbm>> -> memref<512xi32, #tpu.memory_space<hbm>>
    %dma_start3A_210 = arith.constant 7168 : i32
    %dma_start3A_211 = tpu.memref_slice %arg5[%dma_start3A_210] : memref<13312xi32, #tpu.memory_space<vmem>> -> memref<512xi32, #tpu.memory_space<vmem>>
    %dma_start3A_212 = tpu.memref_slice %arg2[%dma_start3A_205, %mul3A_2] : memref<26x16384xi32, #tpu.memory_space<hbm>> -> memref<1x512xi32, #tpu.memory_space<hbm>>
    %dma_start3A_213 = tpu.memref_squeeze %dma_start3A_212 : memref<1x512xi32, #tpu.memory_space<hbm>> -> memref<512xi32, #tpu.memory_space<hbm>>
    tpu.enqueue_dma source(%dma_start3A_213 : memref<512xi32, #tpu.memory_space<hbm>>) target(%dma_start3A_211 : memref<512xi32, #tpu.memory_space<vmem>>) target_semaphore(%arg9 : memref<!tpu.dma_semaphore, #tpu.memory_space<semaphore_mem>>)
    %dma_start3A_214 = arith.constant 15 : i32
    %dma_start3A_215 = arith.constant 7680 : i32
    %dma_start3A_216 = tpu.memref_slice %arg5[%dma_start3A_215] : memref<13312xi32, #tpu.memory_space<vmem>> -> memref<512xi32, #tpu.memory_space<vmem>>
    %dma_start3A_217 = tpu.memref_slice %arg2[%dma_start3A_214, %mul3A_2] : memref<26x16384xi32, #tpu.memory_space<hbm>> -> memref<1x512xi32, #tpu.memory_space<hbm>>
    %dma_start3A_218 = tpu.memref_squeeze %dma_start3A_217 : memref<1x512xi32, #tpu.memory_space<hbm>> -> memref<512xi32, #tpu.memory_space<hbm>>
    %dma_start3A_219 = arith.constant 7680 : i32
    %dma_start3A_220 = tpu.memref_slice %arg5[%dma_start3A_219] : memref<13312xi32, #tpu.memory_space<vmem>> -> memref<512xi32, #tpu.memory_space<vmem>>
    %dma_start3A_221 = tpu.memref_slice %arg2[%dma_start3A_214, %mul3A_2] : memref<26x16384xi32, #tpu.memory_space<hbm>> -> memref<1x512xi32, #tpu.memory_space<hbm>>
    %dma_start3A_222 = tpu.memref_squeeze %dma_start3A_221 : memref<1x512xi32, #tpu.memory_space<hbm>> -> memref<512xi32, #tpu.memory_space<hbm>>
    tpu.enqueue_dma source(%dma_start3A_222 : memref<512xi32, #tpu.memory_space<hbm>>) target(%dma_start3A_220 : memref<512xi32, #tpu.memory_space<vmem>>) target_semaphore(%arg9 : memref<!tpu.dma_semaphore, #tpu.memory_space<semaphore_mem>>)
    %dma_start3A_223 = arith.constant 16 : i32
    %dma_start3A_224 = arith.constant 8192 : i32
    %dma_start3A_225 = tpu.memref_slice %arg5[%dma_start3A_224] : memref<13312xi32, #tpu.memory_space<vmem>> -> memref<512xi32, #tpu.memory_space<vmem>>
    %dma_start3A_226 = tpu.memref_slice %arg2[%dma_start3A_223, %mul3A_2] : memref<26x16384xi32, #tpu.memory_space<hbm>> -> memref<1x512xi32, #tpu.memory_space<hbm>>
    %dma_start3A_227 = tpu.memref_squeeze %dma_start3A_226 : memref<1x512xi32, #tpu.memory_space<hbm>> -> memref<512xi32, #tpu.memory_space<hbm>>
    %dma_start3A_228 = arith.constant 8192 : i32
    %dma_start3A_229 = tpu.memref_slice %arg5[%dma_start3A_228] : memref<13312xi32, #tpu.memory_space<vmem>> -> memref<512xi32, #tpu.memory_space<vmem>>
    %dma_start3A_230 = tpu.memref_slice %arg2[%dma_start3A_223, %mul3A_2] : memref<26x16384xi32, #tpu.memory_space<hbm>> -> memref<1x512xi32, #tpu.memory_space<hbm>>
    %dma_start3A_231 = tpu.memref_squeeze %dma_start3A_230 : memref<1x512xi32, #tpu.memory_space<hbm>> -> memref<512xi32, #tpu.memory_space<hbm>>
    tpu.enqueue_dma source(%dma_start3A_231 : memref<512xi32, #tpu.memory_space<hbm>>) target(%dma_start3A_229 : memref<512xi32, #tpu.memory_space<vmem>>) target_semaphore(%arg9 : memref<!tpu.dma_semaphore, #tpu.memory_space<semaphore_mem>>)
    %dma_start3A_232 = arith.constant 17 : i32
    %dma_start3A_233 = arith.constant 8704 : i32
    %dma_start3A_234 = tpu.memref_slice %arg5[%dma_start3A_233] : memref<13312xi32, #tpu.memory_space<vmem>> -> memref<512xi32, #tpu.memory_space<vmem>>
    %dma_start3A_235 = tpu.memref_slice %arg2[%dma_start3A_232, %mul3A_2] : memref<26x16384xi32, #tpu.memory_space<hbm>> -> memref<1x512xi32, #tpu.memory_space<hbm>>
    %dma_start3A_236 = tpu.memref_squeeze %dma_start3A_235 : memref<1x512xi32, #tpu.memory_space<hbm>> -> memref<512xi32, #tpu.memory_space<hbm>>
    %dma_start3A_237 = arith.constant 8704 : i32
    %dma_start3A_238 = tpu.memref_slice %arg5[%dma_start3A_237] : memref<13312xi32, #tpu.memory_space<vmem>> -> memref<512xi32, #tpu.memory_space<vmem>>
    %dma_start3A_239 = tpu.memref_slice %arg2[%dma_start3A_232, %mul3A_2] : memref<26x16384xi32, #tpu.memory_space<hbm>> -> memref<1x512xi32, #tpu.memory_space<hbm>>
    %dma_start3A_240 = tpu.memref_squeeze %dma_start3A_239 : memref<1x512xi32, #tpu.memory_space<hbm>> -> memref<512xi32, #tpu.memory_space<hbm>>
    tpu.enqueue_dma source(%dma_start3A_240 : memref<512xi32, #tpu.memory_space<hbm>>) target(%dma_start3A_238 : memref<512xi32, #tpu.memory_space<vmem>>) target_semaphore(%arg9 : memref<!tpu.dma_semaphore, #tpu.memory_space<semaphore_mem>>)
    %dma_start3A_241 = arith.constant 18 : i32
    %dma_start3A_242 = arith.constant 9216 : i32
    %dma_start3A_243 = tpu.memref_slice %arg5[%dma_start3A_242] : memref<13312xi32, #tpu.memory_space<vmem>> -> memref<512xi32, #tpu.memory_space<vmem>>
    %dma_start3A_244 = tpu.memref_slice %arg2[%dma_start3A_241, %mul3A_2] : memref<26x16384xi32, #tpu.memory_space<hbm>> -> memref<1x512xi32, #tpu.memory_space<hbm>>
    %dma_start3A_245 = tpu.memref_squeeze %dma_start3A_244 : memref<1x512xi32, #tpu.memory_space<hbm>> -> memref<512xi32, #tpu.memory_space<hbm>>
    %dma_start3A_246 = arith.constant 9216 : i32
    %dma_start3A_247 = tpu.memref_slice %arg5[%dma_start3A_246] : memref<13312xi32, #tpu.memory_space<vmem>> -> memref<512xi32, #tpu.memory_space<vmem>>
    %dma_start3A_248 = tpu.memref_slice %arg2[%dma_start3A_241, %mul3A_2] : memref<26x16384xi32, #tpu.memory_space<hbm>> -> memref<1x512xi32, #tpu.memory_space<hbm>>
    %dma_start3A_249 = tpu.memref_squeeze %dma_start3A_248 : memref<1x512xi32, #tpu.memory_space<hbm>> -> memref<512xi32, #tpu.memory_space<hbm>>
    tpu.enqueue_dma source(%dma_start3A_249 : memref<512xi32, #tpu.memory_space<hbm>>) target(%dma_start3A_247 : memref<512xi32, #tpu.memory_space<vmem>>) target_semaphore(%arg9 : memref<!tpu.dma_semaphore, #tpu.memory_space<semaphore_mem>>)
    %dma_start3A_250 = arith.constant 19 : i32
    %dma_start3A_251 = arith.constant 9728 : i32
    %dma_start3A_252 = tpu.memref_slice %arg5[%dma_start3A_251] : memref<13312xi32, #tpu.memory_space<vmem>> -> memref<512xi32, #tpu.memory_space<vmem>>
    %dma_start3A_253 = tpu.memref_slice %arg2[%dma_start3A_250, %mul3A_2] : memref<26x16384xi32, #tpu.memory_space<hbm>> -> memref<1x512xi32, #tpu.memory_space<hbm>>
    %dma_start3A_254 = tpu.memref_squeeze %dma_start3A_253 : memref<1x512xi32, #tpu.memory_space<hbm>> -> memref<512xi32, #tpu.memory_space<hbm>>
    %dma_start3A_255 = arith.constant 9728 : i32
    %dma_start3A_256 = tpu.memref_slice %arg5[%dma_start3A_255] : memref<13312xi32, #tpu.memory_space<vmem>> -> memref<512xi32, #tpu.memory_space<vmem>>
    %dma_start3A_257 = tpu.memref_slice %arg2[%dma_start3A_250, %mul3A_2] : memref<26x16384xi32, #tpu.memory_space<hbm>> -> memref<1x512xi32, #tpu.memory_space<hbm>>
    %dma_start3A_258 = tpu.memref_squeeze %dma_start3A_257 : memref<1x512xi32, #tpu.memory_space<hbm>> -> memref<512xi32, #tpu.memory_space<hbm>>
    tpu.enqueue_dma source(%dma_start3A_258 : memref<512xi32, #tpu.memory_space<hbm>>) target(%dma_start3A_256 : memref<512xi32, #tpu.memory_space<vmem>>) target_semaphore(%arg9 : memref<!tpu.dma_semaphore, #tpu.memory_space<semaphore_mem>>)
    %dma_start3A_259 = arith.constant 20 : i32
    %dma_start3A_260 = arith.constant 10240 : i32
    %dma_start3A_261 = tpu.memref_slice %arg5[%dma_start3A_260] : memref<13312xi32, #tpu.memory_space<vmem>> -> memref<512xi32, #tpu.memory_space<vmem>>
    %dma_start3A_262 = tpu.memref_slice %arg2[%dma_start3A_259, %mul3A_2] : memref<26x16384xi32, #tpu.memory_space<hbm>> -> memref<1x512xi32, #tpu.memory_space<hbm>>
    %dma_start3A_263 = tpu.memref_squeeze %dma_start3A_262 : memref<1x512xi32, #tpu.memory_space<hbm>> -> memref<512xi32, #tpu.memory_space<hbm>>
    %dma_start3A_264 = arith.constant 10240 : i32
    %dma_start3A_265 = tpu.memref_slice %arg5[%dma_start3A_264] : memref<13312xi32, #tpu.memory_space<vmem>> -> memref<512xi32, #tpu.memory_space<vmem>>
    %dma_start3A_266 = tpu.memref_slice %arg2[%dma_start3A_259, %mul3A_2] : memref<26x16384xi32, #tpu.memory_space<hbm>> -> memref<1x512xi32, #tpu.memory_space<hbm>>
    %dma_start3A_267 = tpu.memref_squeeze %dma_start3A_266 : memref<1x512xi32, #tpu.memory_space<hbm>> -> memref<512xi32, #tpu.memory_space<hbm>>
    tpu.enqueue_dma source(%dma_start3A_267 : memref<512xi32, #tpu.memory_space<hbm>>) target(%dma_start3A_265 : memref<512xi32, #tpu.memory_space<vmem>>) target_semaphore(%arg9 : memref<!tpu.dma_semaphore, #tpu.memory_space<semaphore_mem>>)
    %dma_start3A_268 = arith.constant 21 : i32
    %dma_start3A_269 = arith.constant 10752 : i32
    %dma_start3A_270 = tpu.memref_slice %arg5[%dma_start3A_269] : memref<13312xi32, #tpu.memory_space<vmem>> -> memref<512xi32, #tpu.memory_space<vmem>>
    %dma_start3A_271 = tpu.memref_slice %arg2[%dma_start3A_268, %mul3A_2] : memref<26x16384xi32, #tpu.memory_space<hbm>> -> memref<1x512xi32, #tpu.memory_space<hbm>>
    %dma_start3A_272 = tpu.memref_squeeze %dma_start3A_271 : memref<1x512xi32, #tpu.memory_space<hbm>> -> memref<512xi32, #tpu.memory_space<hbm>>
    %dma_start3A_273 = arith.constant 10752 : i32
    %dma_start3A_274 = tpu.memref_slice %arg5[%dma_start3A_273] : memref<13312xi32, #tpu.memory_space<vmem>> -> memref<512xi32, #tpu.memory_space<vmem>>
    %dma_start3A_275 = tpu.memref_slice %arg2[%dma_start3A_268, %mul3A_2] : memref<26x16384xi32, #tpu.memory_space<hbm>> -> memref<1x512xi32, #tpu.memory_space<hbm>>
    %dma_start3A_276 = tpu.memref_squeeze %dma_start3A_275 : memref<1x512xi32, #tpu.memory_space<hbm>> -> memref<512xi32, #tpu.memory_space<hbm>>
    tpu.enqueue_dma source(%dma_start3A_276 : memref<512xi32, #tpu.memory_space<hbm>>) target(%dma_start3A_274 : memref<512xi32, #tpu.memory_space<vmem>>) target_semaphore(%arg9 : memref<!tpu.dma_semaphore, #tpu.memory_space<semaphore_mem>>)
    %dma_start3A_277 = arith.constant 22 : i32
    %dma_start3A_278 = arith.constant 11264 : i32
    %dma_start3A_279 = tpu.memref_slice %arg5[%dma_start3A_278] : memref<13312xi32, #tpu.memory_space<vmem>> -> memref<512xi32, #tpu.memory_space<vmem>>
    %dma_start3A_280 = tpu.memref_slice %arg2[%dma_start3A_277, %mul3A_2] : memref<26x16384xi32, #tpu.memory_space<hbm>> -> memref<1x512xi32, #tpu.memory_space<hbm>>
    %dma_start3A_281 = tpu.memref_squeeze %dma_start3A_280 : memref<1x512xi32, #tpu.memory_space<hbm>> -> memref<512xi32, #tpu.memory_space<hbm>>
    %dma_start3A_282 = arith.constant 11264 : i32
    %dma_start3A_283 = tpu.memref_slice %arg5[%dma_start3A_282] : memref<13312xi32, #tpu.memory_space<vmem>> -> memref<512xi32, #tpu.memory_space<vmem>>
    %dma_start3A_284 = tpu.memref_slice %arg2[%dma_start3A_277, %mul3A_2] : memref<26x16384xi32, #tpu.memory_space<hbm>> -> memref<1x512xi32, #tpu.memory_space<hbm>>
    %dma_start3A_285 = tpu.memref_squeeze %dma_start3A_284 : memref<1x512xi32, #tpu.memory_space<hbm>> -> memref<512xi32, #tpu.memory_space<hbm>>
    tpu.enqueue_dma source(%dma_start3A_285 : memref<512xi32, #tpu.memory_space<hbm>>) target(%dma_start3A_283 : memref<512xi32, #tpu.memory_space<vmem>>) target_semaphore(%arg9 : memref<!tpu.dma_semaphore, #tpu.memory_space<semaphore_mem>>)
    %dma_start3A_286 = arith.constant 23 : i32
    %dma_start3A_287 = arith.constant 11776 : i32
    %dma_start3A_288 = tpu.memref_slice %arg5[%dma_start3A_287] : memref<13312xi32, #tpu.memory_space<vmem>> -> memref<512xi32, #tpu.memory_space<vmem>>
    %dma_start3A_289 = tpu.memref_slice %arg2[%dma_start3A_286, %mul3A_2] : memref<26x16384xi32, #tpu.memory_space<hbm>> -> memref<1x512xi32, #tpu.memory_space<hbm>>
    %dma_start3A_290 = tpu.memref_squeeze %dma_start3A_289 : memref<1x512xi32, #tpu.memory_space<hbm>> -> memref<512xi32, #tpu.memory_space<hbm>>
    %dma_start3A_291 = arith.constant 11776 : i32
    %dma_start3A_292 = tpu.memref_slice %arg5[%dma_start3A_291] : memref<13312xi32, #tpu.memory_space<vmem>> -> memref<512xi32, #tpu.memory_space<vmem>>
    %dma_start3A_293 = tpu.memref_slice %arg2[%dma_start3A_286, %mul3A_2] : memref<26x16384xi32, #tpu.memory_space<hbm>> -> memref<1x512xi32, #tpu.memory_space<hbm>>
    %dma_start3A_294 = tpu.memref_squeeze %dma_start3A_293 : memref<1x512xi32, #tpu.memory_space<hbm>> -> memref<512xi32, #tpu.memory_space<hbm>>
    tpu.enqueue_dma source(%dma_start3A_294 : memref<512xi32, #tpu.memory_space<hbm>>) target(%dma_start3A_292 : memref<512xi32, #tpu.memory_space<vmem>>) target_semaphore(%arg9 : memref<!tpu.dma_semaphore, #tpu.memory_space<semaphore_mem>>)
    %dma_start3A_295 = arith.constant 24 : i32
    %dma_start3A_296 = arith.constant 12288 : i32
    %dma_start3A_297 = tpu.memref_slice %arg5[%dma_start3A_296] : memref<13312xi32, #tpu.memory_space<vmem>> -> memref<512xi32, #tpu.memory_space<vmem>>
    %dma_start3A_298 = tpu.memref_slice %arg2[%dma_start3A_295, %mul3A_2] : memref<26x16384xi32, #tpu.memory_space<hbm>> -> memref<1x512xi32, #tpu.memory_space<hbm>>
    %dma_start3A_299 = tpu.memref_squeeze %dma_start3A_298 : memref<1x512xi32, #tpu.memory_space<hbm>> -> memref<512xi32, #tpu.memory_space<hbm>>
    %dma_start3A_300 = arith.constant 12288 : i32
    %dma_start3A_301 = tpu.memref_slice %arg5[%dma_start3A_300] : memref<13312xi32, #tpu.memory_space<vmem>> -> memref<512xi32, #tpu.memory_space<vmem>>
    %dma_start3A_302 = tpu.memref_slice %arg2[%dma_start3A_295, %mul3A_2] : memref<26x16384xi32, #tpu.memory_space<hbm>> -> memref<1x512xi32, #tpu.memory_space<hbm>>
    %dma_start3A_303 = tpu.memref_squeeze %dma_start3A_302 : memref<1x512xi32, #tpu.memory_space<hbm>> -> memref<512xi32, #tpu.memory_space<hbm>>
    tpu.enqueue_dma source(%dma_start3A_303 : memref<512xi32, #tpu.memory_space<hbm>>) target(%dma_start3A_301 : memref<512xi32, #tpu.memory_space<vmem>>) target_semaphore(%arg9 : memref<!tpu.dma_semaphore, #tpu.memory_space<semaphore_mem>>)
    %dma_start3A_304 = arith.constant 25 : i32
    %dma_start3A_305 = arith.constant 12800 : i32
    %dma_start3A_306 = tpu.memref_slice %arg5[%dma_start3A_305] : memref<13312xi32, #tpu.memory_space<vmem>> -> memref<512xi32, #tpu.memory_space<vmem>>
    %dma_start3A_307 = tpu.memref_slice %arg2[%dma_start3A_304, %mul3A_2] : memref<26x16384xi32, #tpu.memory_space<hbm>> -> memref<1x512xi32, #tpu.memory_space<hbm>>
    %dma_start3A_308 = tpu.memref_squeeze %dma_start3A_307 : memref<1x512xi32, #tpu.memory_space<hbm>> -> memref<512xi32, #tpu.memory_space<hbm>>
    %dma_start3A_309 = arith.constant 12800 : i32
    %dma_start3A_310 = tpu.memref_slice %arg5[%dma_start3A_309] : memref<13312xi32, #tpu.memory_space<vmem>> -> memref<512xi32, #tpu.memory_space<vmem>>
    %dma_start3A_311 = tpu.memref_slice %arg2[%dma_start3A_304, %mul3A_2] : memref<26x16384xi32, #tpu.memory_space<hbm>> -> memref<1x512xi32, #tpu.memory_space<hbm>>
    %dma_start3A_312 = tpu.memref_squeeze %dma_start3A_311 : memref<1x512xi32, #tpu.memory_space<hbm>> -> memref<512xi32, #tpu.memory_space<hbm>>
    tpu.enqueue_dma source(%dma_start3A_312 : memref<512xi32, #tpu.memory_space<hbm>>) target(%dma_start3A_310 : memref<512xi32, #tpu.memory_space<vmem>>) target_semaphore(%arg9 : memref<!tpu.dma_semaphore, #tpu.memory_space<semaphore_mem>>)
    %dma_wait3A = arith.constant 0 : i32
    %dma_wait3A_313 = arith.constant 0 : i32
    %dma_wait3A_314 = tpu.memref_slice %arg5[%dma_wait3A_313] : memref<13312xi32, #tpu.memory_space<vmem>> -> memref<512xi32, #tpu.memory_space<vmem>>
    %dma_wait3A_315 = tpu.memref_slice %arg2[%dma_wait3A, %mul3A_2] : memref<26x16384xi32, #tpu.memory_space<hbm>> -> memref<1x512xi32, #tpu.memory_space<hbm>>
    %dma_wait3A_316 = tpu.memref_squeeze %dma_wait3A_315 : memref<1x512xi32, #tpu.memory_space<hbm>> -> memref<512xi32, #tpu.memory_space<hbm>>
    %dma_wait3A_317 = arith.constant 0 : i32
    %dma_wait3A_318 = tpu.memref_slice %arg5[%dma_wait3A_317] : memref<13312xi32, #tpu.memory_space<vmem>> -> memref<512xi32, #tpu.memory_space<vmem>>
    %dma_wait3A_319 = tpu.memref_slice %arg2[%dma_wait3A, %mul3A_2] : memref<26x16384xi32, #tpu.memory_space<hbm>> -> memref<1x512xi32, #tpu.memory_space<hbm>>
    %dma_wait3A_320 = tpu.memref_squeeze %dma_wait3A_319 : memref<1x512xi32, #tpu.memory_space<hbm>> -> memref<512xi32, #tpu.memory_space<hbm>>
    tpu.wait_dma2 semaphore(%arg9 : memref<!tpu.dma_semaphore, #tpu.memory_space<semaphore_mem>>) src(%dma_wait3A_320 : memref<512xi32, #tpu.memory_space<hbm>>) dst(%dma_wait3A_318 : memref<512xi32, #tpu.memory_space<vmem>>)
    %dma_wait3A_321 = arith.constant 1 : i32
    %dma_wait3A_322 = arith.constant 512 : i32
    %dma_wait3A_323 = tpu.memref_slice %arg5[%dma_wait3A_322] : memref<13312xi32, #tpu.memory_space<vmem>> -> memref<512xi32, #tpu.memory_space<vmem>>
    %dma_wait3A_324 = tpu.memref_slice %arg2[%dma_wait3A_321, %mul3A_2] : memref<26x16384xi32, #tpu.memory_space<hbm>> -> memref<1x512xi32, #tpu.memory_space<hbm>>
    %dma_wait3A_325 = tpu.memref_squeeze %dma_wait3A_324 : memref<1x512xi32, #tpu.memory_space<hbm>> -> memref<512xi32, #tpu.memory_space<hbm>>
    %dma_wait3A_326 = arith.constant 512 : i32
    %dma_wait3A_327 = tpu.memref_slice %arg5[%dma_wait3A_326] : memref<13312xi32, #tpu.memory_space<vmem>> -> memref<512xi32, #tpu.memory_space<vmem>>
    %dma_wait3A_328 = tpu.memref_slice %arg2[%dma_wait3A_321, %mul3A_2] : memref<26x16384xi32, #tpu.memory_space<hbm>> -> memref<1x512xi32, #tpu.memory_space<hbm>>
    %dma_wait3A_329 = tpu.memref_squeeze %dma_wait3A_328 : memref<1x512xi32, #tpu.memory_space<hbm>> -> memref<512xi32, #tpu.memory_space<hbm>>
    tpu.wait_dma2 semaphore(%arg9 : memref<!tpu.dma_semaphore, #tpu.memory_space<semaphore_mem>>) src(%dma_wait3A_329 : memref<512xi32, #tpu.memory_space<hbm>>) dst(%dma_wait3A_327 : memref<512xi32, #tpu.memory_space<vmem>>)
    %dma_wait3A_330 = arith.constant 2 : i32
    %dma_wait3A_331 = arith.constant 1024 : i32
    %dma_wait3A_332 = tpu.memref_slice %arg5[%dma_wait3A_331] : memref<13312xi32, #tpu.memory_space<vmem>> -> memref<512xi32, #tpu.memory_space<vmem>>
    %dma_wait3A_333 = tpu.memref_slice %arg2[%dma_wait3A_330, %mul3A_2] : memref<26x16384xi32, #tpu.memory_space<hbm>> -> memref<1x512xi32, #tpu.memory_space<hbm>>
    %dma_wait3A_334 = tpu.memref_squeeze %dma_wait3A_333 : memref<1x512xi32, #tpu.memory_space<hbm>> -> memref<512xi32, #tpu.memory_space<hbm>>
    %dma_wait3A_335 = arith.constant 1024 : i32
    %dma_wait3A_336 = tpu.memref_slice %arg5[%dma_wait3A_335] : memref<13312xi32, #tpu.memory_space<vmem>> -> memref<512xi32, #tpu.memory_space<vmem>>
    %dma_wait3A_337 = tpu.memref_slice %arg2[%dma_wait3A_330, %mul3A_2] : memref<26x16384xi32, #tpu.memory_space<hbm>> -> memref<1x512xi32, #tpu.memory_space<hbm>>
    %dma_wait3A_338 = tpu.memref_squeeze %dma_wait3A_337 : memref<1x512xi32, #tpu.memory_space<hbm>> -> memref<512xi32, #tpu.memory_space<hbm>>
    tpu.wait_dma2 semaphore(%arg9 : memref<!tpu.dma_semaphore, #tpu.memory_space<semaphore_mem>>) src(%dma_wait3A_338 : memref<512xi32, #tpu.memory_space<hbm>>) dst(%dma_wait3A_336 : memref<512xi32, #tpu.memory_space<vmem>>)
    %dma_wait3A_339 = arith.constant 3 : i32
    %dma_wait3A_340 = arith.constant 1536 : i32
    %dma_wait3A_341 = tpu.memref_slice %arg5[%dma_wait3A_340] : memref<13312xi32, #tpu.memory_space<vmem>> -> memref<512xi32, #tpu.memory_space<vmem>>
    %dma_wait3A_342 = tpu.memref_slice %arg2[%dma_wait3A_339, %mul3A_2] : memref<26x16384xi32, #tpu.memory_space<hbm>> -> memref<1x512xi32, #tpu.memory_space<hbm>>
    %dma_wait3A_343 = tpu.memref_squeeze %dma_wait3A_342 : memref<1x512xi32, #tpu.memory_space<hbm>> -> memref<512xi32, #tpu.memory_space<hbm>>
    %dma_wait3A_344 = arith.constant 1536 : i32
    %dma_wait3A_345 = tpu.memref_slice %arg5[%dma_wait3A_344] : memref<13312xi32, #tpu.memory_space<vmem>> -> memref<512xi32, #tpu.memory_space<vmem>>
    %dma_wait3A_346 = tpu.memref_slice %arg2[%dma_wait3A_339, %mul3A_2] : memref<26x16384xi32, #tpu.memory_space<hbm>> -> memref<1x512xi32, #tpu.memory_space<hbm>>
    %dma_wait3A_347 = tpu.memref_squeeze %dma_wait3A_346 : memref<1x512xi32, #tpu.memory_space<hbm>> -> memref<512xi32, #tpu.memory_space<hbm>>
    tpu.wait_dma2 semaphore(%arg9 : memref<!tpu.dma_semaphore, #tpu.memory_space<semaphore_mem>>) src(%dma_wait3A_347 : memref<512xi32, #tpu.memory_space<hbm>>) dst(%dma_wait3A_345 : memref<512xi32, #tpu.memory_space<vmem>>)
    %dma_wait3A_348 = arith.constant 4 : i32
    %dma_wait3A_349 = arith.constant 2048 : i32
    %dma_wait3A_350 = tpu.memref_slice %arg5[%dma_wait3A_349] : memref<13312xi32, #tpu.memory_space<vmem>> -> memref<512xi32, #tpu.memory_space<vmem>>
    %dma_wait3A_351 = tpu.memref_slice %arg2[%dma_wait3A_348, %mul3A_2] : memref<26x16384xi32, #tpu.memory_space<hbm>> -> memref<1x512xi32, #tpu.memory_space<hbm>>
    %dma_wait3A_352 = tpu.memref_squeeze %dma_wait3A_351 : memref<1x512xi32, #tpu.memory_space<hbm>> -> memref<512xi32, #tpu.memory_space<hbm>>
    %dma_wait3A_353 = arith.constant 2048 : i32
    %dma_wait3A_354 = tpu.memref_slice %arg5[%dma_wait3A_353] : memref<13312xi32, #tpu.memory_space<vmem>> -> memref<512xi32, #tpu.memory_space<vmem>>
    %dma_wait3A_355 = tpu.memref_slice %arg2[%dma_wait3A_348, %mul3A_2] : memref<26x16384xi32, #tpu.memory_space<hbm>> -> memref<1x512xi32, #tpu.memory_space<hbm>>
    %dma_wait3A_356 = tpu.memref_squeeze %dma_wait3A_355 : memref<1x512xi32, #tpu.memory_space<hbm>> -> memref<512xi32, #tpu.memory_space<hbm>>
    tpu.wait_dma2 semaphore(%arg9 : memref<!tpu.dma_semaphore, #tpu.memory_space<semaphore_mem>>) src(%dma_wait3A_356 : memref<512xi32, #tpu.memory_space<hbm>>) dst(%dma_wait3A_354 : memref<512xi32, #tpu.memory_space<vmem>>)
    %dma_wait3A_357 = arith.constant 5 : i32
    %dma_wait3A_358 = arith.constant 2560 : i32
    %dma_wait3A_359 = tpu.memref_slice %arg5[%dma_wait3A_358] : memref<13312xi32, #tpu.memory_space<vmem>> -> memref<512xi32, #tpu.memory_space<vmem>>
    %dma_wait3A_360 = tpu.memref_slice %arg2[%dma_wait3A_357, %mul3A_2] : memref<26x16384xi32, #tpu.memory_space<hbm>> -> memref<1x512xi32, #tpu.memory_space<hbm>>
    %dma_wait3A_361 = tpu.memref_squeeze %dma_wait3A_360 : memref<1x512xi32, #tpu.memory_space<hbm>> -> memref<512xi32, #tpu.memory_space<hbm>>
    %dma_wait3A_362 = arith.constant 2560 : i32
    %dma_wait3A_363 = tpu.memref_slice %arg5[%dma_wait3A_362] : memref<13312xi32, #tpu.memory_space<vmem>> -> memref<512xi32, #tpu.memory_space<vmem>>
    %dma_wait3A_364 = tpu.memref_slice %arg2[%dma_wait3A_357, %mul3A_2] : memref<26x16384xi32, #tpu.memory_space<hbm>> -> memref<1x512xi32, #tpu.memory_space<hbm>>
    %dma_wait3A_365 = tpu.memref_squeeze %dma_wait3A_364 : memref<1x512xi32, #tpu.memory_space<hbm>> -> memref<512xi32, #tpu.memory_space<hbm>>
    tpu.wait_dma2 semaphore(%arg9 : memref<!tpu.dma_semaphore, #tpu.memory_space<semaphore_mem>>) src(%dma_wait3A_365 : memref<512xi32, #tpu.memory_space<hbm>>) dst(%dma_wait3A_363 : memref<512xi32, #tpu.memory_space<vmem>>)
    %dma_wait3A_366 = arith.constant 6 : i32
    %dma_wait3A_367 = arith.constant 3072 : i32
    %dma_wait3A_368 = tpu.memref_slice %arg5[%dma_wait3A_367] : memref<13312xi32, #tpu.memory_space<vmem>> -> memref<512xi32, #tpu.memory_space<vmem>>
    %dma_wait3A_369 = tpu.memref_slice %arg2[%dma_wait3A_366, %mul3A_2] : memref<26x16384xi32, #tpu.memory_space<hbm>> -> memref<1x512xi32, #tpu.memory_space<hbm>>
    %dma_wait3A_370 = tpu.memref_squeeze %dma_wait3A_369 : memref<1x512xi32, #tpu.memory_space<hbm>> -> memref<512xi32, #tpu.memory_space<hbm>>
    %dma_wait3A_371 = arith.constant 3072 : i32
    %dma_wait3A_372 = tpu.memref_slice %arg5[%dma_wait3A_371] : memref<13312xi32, #tpu.memory_space<vmem>> -> memref<512xi32, #tpu.memory_space<vmem>>
    %dma_wait3A_373 = tpu.memref_slice %arg2[%dma_wait3A_366, %mul3A_2] : memref<26x16384xi32, #tpu.memory_space<hbm>> -> memref<1x512xi32, #tpu.memory_space<hbm>>
    %dma_wait3A_374 = tpu.memref_squeeze %dma_wait3A_373 : memref<1x512xi32, #tpu.memory_space<hbm>> -> memref<512xi32, #tpu.memory_space<hbm>>
    tpu.wait_dma2 semaphore(%arg9 : memref<!tpu.dma_semaphore, #tpu.memory_space<semaphore_mem>>) src(%dma_wait3A_374 : memref<512xi32, #tpu.memory_space<hbm>>) dst(%dma_wait3A_372 : memref<512xi32, #tpu.memory_space<vmem>>)
    %dma_wait3A_375 = arith.constant 7 : i32
    %dma_wait3A_376 = arith.constant 3584 : i32
    %dma_wait3A_377 = tpu.memref_slice %arg5[%dma_wait3A_376] : memref<13312xi32, #tpu.memory_space<vmem>> -> memref<512xi32, #tpu.memory_space<vmem>>
    %dma_wait3A_378 = tpu.memref_slice %arg2[%dma_wait3A_375, %mul3A_2] : memref<26x16384xi32, #tpu.memory_space<hbm>> -> memref<1x512xi32, #tpu.memory_space<hbm>>
    %dma_wait3A_379 = tpu.memref_squeeze %dma_wait3A_378 : memref<1x512xi32, #tpu.memory_space<hbm>> -> memref<512xi32, #tpu.memory_space<hbm>>
    %dma_wait3A_380 = arith.constant 3584 : i32
    %dma_wait3A_381 = tpu.memref_slice %arg5[%dma_wait3A_380] : memref<13312xi32, #tpu.memory_space<vmem>> -> memref<512xi32, #tpu.memory_space<vmem>>
    %dma_wait3A_382 = tpu.memref_slice %arg2[%dma_wait3A_375, %mul3A_2] : memref<26x16384xi32, #tpu.memory_space<hbm>> -> memref<1x512xi32, #tpu.memory_space<hbm>>
    %dma_wait3A_383 = tpu.memref_squeeze %dma_wait3A_382 : memref<1x512xi32, #tpu.memory_space<hbm>> -> memref<512xi32, #tpu.memory_space<hbm>>
    tpu.wait_dma2 semaphore(%arg9 : memref<!tpu.dma_semaphore, #tpu.memory_space<semaphore_mem>>) src(%dma_wait3A_383 : memref<512xi32, #tpu.memory_space<hbm>>) dst(%dma_wait3A_381 : memref<512xi32, #tpu.memory_space<vmem>>)
    %dma_wait3A_384 = arith.constant 8 : i32
    %dma_wait3A_385 = arith.constant 4096 : i32
    %dma_wait3A_386 = tpu.memref_slice %arg5[%dma_wait3A_385] : memref<13312xi32, #tpu.memory_space<vmem>> -> memref<512xi32, #tpu.memory_space<vmem>>
    %dma_wait3A_387 = tpu.memref_slice %arg2[%dma_wait3A_384, %mul3A_2] : memref<26x16384xi32, #tpu.memory_space<hbm>> -> memref<1x512xi32, #tpu.memory_space<hbm>>
    %dma_wait3A_388 = tpu.memref_squeeze %dma_wait3A_387 : memref<1x512xi32, #tpu.memory_space<hbm>> -> memref<512xi32, #tpu.memory_space<hbm>>
    %dma_wait3A_389 = arith.constant 4096 : i32
    %dma_wait3A_390 = tpu.memref_slice %arg5[%dma_wait3A_389] : memref<13312xi32, #tpu.memory_space<vmem>> -> memref<512xi32, #tpu.memory_space<vmem>>
    %dma_wait3A_391 = tpu.memref_slice %arg2[%dma_wait3A_384, %mul3A_2] : memref<26x16384xi32, #tpu.memory_space<hbm>> -> memref<1x512xi32, #tpu.memory_space<hbm>>
    %dma_wait3A_392 = tpu.memref_squeeze %dma_wait3A_391 : memref<1x512xi32, #tpu.memory_space<hbm>> -> memref<512xi32, #tpu.memory_space<hbm>>
    tpu.wait_dma2 semaphore(%arg9 : memref<!tpu.dma_semaphore, #tpu.memory_space<semaphore_mem>>) src(%dma_wait3A_392 : memref<512xi32, #tpu.memory_space<hbm>>) dst(%dma_wait3A_390 : memref<512xi32, #tpu.memory_space<vmem>>)
    %dma_wait3A_393 = arith.constant 9 : i32
    %dma_wait3A_394 = arith.constant 4608 : i32
    %dma_wait3A_395 = tpu.memref_slice %arg5[%dma_wait3A_394] : memref<13312xi32, #tpu.memory_space<vmem>> -> memref<512xi32, #tpu.memory_space<vmem>>
    %dma_wait3A_396 = tpu.memref_slice %arg2[%dma_wait3A_393, %mul3A_2] : memref<26x16384xi32, #tpu.memory_space<hbm>> -> memref<1x512xi32, #tpu.memory_space<hbm>>
    %dma_wait3A_397 = tpu.memref_squeeze %dma_wait3A_396 : memref<1x512xi32, #tpu.memory_space<hbm>> -> memref<512xi32, #tpu.memory_space<hbm>>
    %dma_wait3A_398 = arith.constant 4608 : i32
    %dma_wait3A_399 = tpu.memref_slice %arg5[%dma_wait3A_398] : memref<13312xi32, #tpu.memory_space<vmem>> -> memref<512xi32, #tpu.memory_space<vmem>>
    %dma_wait3A_400 = tpu.memref_slice %arg2[%dma_wait3A_393, %mul3A_2] : memref<26x16384xi32, #tpu.memory_space<hbm>> -> memref<1x512xi32, #tpu.memory_space<hbm>>
    %dma_wait3A_401 = tpu.memref_squeeze %dma_wait3A_400 : memref<1x512xi32, #tpu.memory_space<hbm>> -> memref<512xi32, #tpu.memory_space<hbm>>
    tpu.wait_dma2 semaphore(%arg9 : memref<!tpu.dma_semaphore, #tpu.memory_space<semaphore_mem>>) src(%dma_wait3A_401 : memref<512xi32, #tpu.memory_space<hbm>>) dst(%dma_wait3A_399 : memref<512xi32, #tpu.memory_space<vmem>>)
    %dma_wait3A_402 = arith.constant 10 : i32
    %dma_wait3A_403 = arith.constant 5120 : i32
    %dma_wait3A_404 = tpu.memref_slice %arg5[%dma_wait3A_403] : memref<13312xi32, #tpu.memory_space<vmem>> -> memref<512xi32, #tpu.memory_space<vmem>>
    %dma_wait3A_405 = tpu.memref_slice %arg2[%dma_wait3A_402, %mul3A_2] : memref<26x16384xi32, #tpu.memory_space<hbm>> -> memref<1x512xi32, #tpu.memory_space<hbm>>
    %dma_wait3A_406 = tpu.memref_squeeze %dma_wait3A_405 : memref<1x512xi32, #tpu.memory_space<hbm>> -> memref<512xi32, #tpu.memory_space<hbm>>
    %dma_wait3A_407 = arith.constant 5120 : i32
    %dma_wait3A_408 = tpu.memref_slice %arg5[%dma_wait3A_407] : memref<13312xi32, #tpu.memory_space<vmem>> -> memref<512xi32, #tpu.memory_space<vmem>>
    %dma_wait3A_409 = tpu.memref_slice %arg2[%dma_wait3A_402, %mul3A_2] : memref<26x16384xi32, #tpu.memory_space<hbm>> -> memref<1x512xi32, #tpu.memory_space<hbm>>
    %dma_wait3A_410 = tpu.memref_squeeze %dma_wait3A_409 : memref<1x512xi32, #tpu.memory_space<hbm>> -> memref<512xi32, #tpu.memory_space<hbm>>
    tpu.wait_dma2 semaphore(%arg9 : memref<!tpu.dma_semaphore, #tpu.memory_space<semaphore_mem>>) src(%dma_wait3A_410 : memref<512xi32, #tpu.memory_space<hbm>>) dst(%dma_wait3A_408 : memref<512xi32, #tpu.memory_space<vmem>>)
    %dma_wait3A_411 = arith.constant 11 : i32
    %dma_wait3A_412 = arith.constant 5632 : i32
    %dma_wait3A_413 = tpu.memref_slice %arg5[%dma_wait3A_412] : memref<13312xi32, #tpu.memory_space<vmem>> -> memref<512xi32, #tpu.memory_space<vmem>>
    %dma_wait3A_414 = tpu.memref_slice %arg2[%dma_wait3A_411, %mul3A_2] : memref<26x16384xi32, #tpu.memory_space<hbm>> -> memref<1x512xi32, #tpu.memory_space<hbm>>
    %dma_wait3A_415 = tpu.memref_squeeze %dma_wait3A_414 : memref<1x512xi32, #tpu.memory_space<hbm>> -> memref<512xi32, #tpu.memory_space<hbm>>
    %dma_wait3A_416 = arith.constant 5632 : i32
    %dma_wait3A_417 = tpu.memref_slice %arg5[%dma_wait3A_416] : memref<13312xi32, #tpu.memory_space<vmem>> -> memref<512xi32, #tpu.memory_space<vmem>>
    %dma_wait3A_418 = tpu.memref_slice %arg2[%dma_wait3A_411, %mul3A_2] : memref<26x16384xi32, #tpu.memory_space<hbm>> -> memref<1x512xi32, #tpu.memory_space<hbm>>
    %dma_wait3A_419 = tpu.memref_squeeze %dma_wait3A_418 : memref<1x512xi32, #tpu.memory_space<hbm>> -> memref<512xi32, #tpu.memory_space<hbm>>
    tpu.wait_dma2 semaphore(%arg9 : memref<!tpu.dma_semaphore, #tpu.memory_space<semaphore_mem>>) src(%dma_wait3A_419 : memref<512xi32, #tpu.memory_space<hbm>>) dst(%dma_wait3A_417 : memref<512xi32, #tpu.memory_space<vmem>>)
    %dma_wait3A_420 = arith.constant 12 : i32
    %dma_wait3A_421 = arith.constant 6144 : i32
    %dma_wait3A_422 = tpu.memref_slice %arg5[%dma_wait3A_421] : memref<13312xi32, #tpu.memory_space<vmem>> -> memref<512xi32, #tpu.memory_space<vmem>>
    %dma_wait3A_423 = tpu.memref_slice %arg2[%dma_wait3A_420, %mul3A_2] : memref<26x16384xi32, #tpu.memory_space<hbm>> -> memref<1x512xi32, #tpu.memory_space<hbm>>
    %dma_wait3A_424 = tpu.memref_squeeze %dma_wait3A_423 : memref<1x512xi32, #tpu.memory_space<hbm>> -> memref<512xi32, #tpu.memory_space<hbm>>
    %dma_wait3A_425 = arith.constant 6144 : i32
    %dma_wait3A_426 = tpu.memref_slice %arg5[%dma_wait3A_425] : memref<13312xi32, #tpu.memory_space<vmem>> -> memref<512xi32, #tpu.memory_space<vmem>>
    %dma_wait3A_427 = tpu.memref_slice %arg2[%dma_wait3A_420, %mul3A_2] : memref<26x16384xi32, #tpu.memory_space<hbm>> -> memref<1x512xi32, #tpu.memory_space<hbm>>
    %dma_wait3A_428 = tpu.memref_squeeze %dma_wait3A_427 : memref<1x512xi32, #tpu.memory_space<hbm>> -> memref<512xi32, #tpu.memory_space<hbm>>
    tpu.wait_dma2 semaphore(%arg9 : memref<!tpu.dma_semaphore, #tpu.memory_space<semaphore_mem>>) src(%dma_wait3A_428 : memref<512xi32, #tpu.memory_space<hbm>>) dst(%dma_wait3A_426 : memref<512xi32, #tpu.memory_space<vmem>>)
    %dma_wait3A_429 = arith.constant 13 : i32
    %dma_wait3A_430 = arith.constant 6656 : i32
    %dma_wait3A_431 = tpu.memref_slice %arg5[%dma_wait3A_430] : memref<13312xi32, #tpu.memory_space<vmem>> -> memref<512xi32, #tpu.memory_space<vmem>>
    %dma_wait3A_432 = tpu.memref_slice %arg2[%dma_wait3A_429, %mul3A_2] : memref<26x16384xi32, #tpu.memory_space<hbm>> -> memref<1x512xi32, #tpu.memory_space<hbm>>
    %dma_wait3A_433 = tpu.memref_squeeze %dma_wait3A_432 : memref<1x512xi32, #tpu.memory_space<hbm>> -> memref<512xi32, #tpu.memory_space<hbm>>
    %dma_wait3A_434 = arith.constant 6656 : i32
    %dma_wait3A_435 = tpu.memref_slice %arg5[%dma_wait3A_434] : memref<13312xi32, #tpu.memory_space<vmem>> -> memref<512xi32, #tpu.memory_space<vmem>>
    %dma_wait3A_436 = tpu.memref_slice %arg2[%dma_wait3A_429, %mul3A_2] : memref<26x16384xi32, #tpu.memory_space<hbm>> -> memref<1x512xi32, #tpu.memory_space<hbm>>
    %dma_wait3A_437 = tpu.memref_squeeze %dma_wait3A_436 : memref<1x512xi32, #tpu.memory_space<hbm>> -> memref<512xi32, #tpu.memory_space<hbm>>
    tpu.wait_dma2 semaphore(%arg9 : memref<!tpu.dma_semaphore, #tpu.memory_space<semaphore_mem>>) src(%dma_wait3A_437 : memref<512xi32, #tpu.memory_space<hbm>>) dst(%dma_wait3A_435 : memref<512xi32, #tpu.memory_space<vmem>>)
    %dma_wait3A_438 = arith.constant 14 : i32
    %dma_wait3A_439 = arith.constant 7168 : i32
    %dma_wait3A_440 = tpu.memref_slice %arg5[%dma_wait3A_439] : memref<13312xi32, #tpu.memory_space<vmem>> -> memref<512xi32, #tpu.memory_space<vmem>>
    %dma_wait3A_441 = tpu.memref_slice %arg2[%dma_wait3A_438, %mul3A_2] : memref<26x16384xi32, #tpu.memory_space<hbm>> -> memref<1x512xi32, #tpu.memory_space<hbm>>
    %dma_wait3A_442 = tpu.memref_squeeze %dma_wait3A_441 : memref<1x512xi32, #tpu.memory_space<hbm>> -> memref<512xi32, #tpu.memory_space<hbm>>
    %dma_wait3A_443 = arith.constant 7168 : i32
    %dma_wait3A_444 = tpu.memref_slice %arg5[%dma_wait3A_443] : memref<13312xi32, #tpu.memory_space<vmem>> -> memref<512xi32, #tpu.memory_space<vmem>>
    %dma_wait3A_445 = tpu.memref_slice %arg2[%dma_wait3A_438, %mul3A_2] : memref<26x16384xi32, #tpu.memory_space<hbm>> -> memref<1x512xi32, #tpu.memory_space<hbm>>
    %dma_wait3A_446 = tpu.memref_squeeze %dma_wait3A_445 : memref<1x512xi32, #tpu.memory_space<hbm>> -> memref<512xi32, #tpu.memory_space<hbm>>
    tpu.wait_dma2 semaphore(%arg9 : memref<!tpu.dma_semaphore, #tpu.memory_space<semaphore_mem>>) src(%dma_wait3A_446 : memref<512xi32, #tpu.memory_space<hbm>>) dst(%dma_wait3A_444 : memref<512xi32, #tpu.memory_space<vmem>>)
    %dma_wait3A_447 = arith.constant 15 : i32
    %dma_wait3A_448 = arith.constant 7680 : i32
    %dma_wait3A_449 = tpu.memref_slice %arg5[%dma_wait3A_448] : memref<13312xi32, #tpu.memory_space<vmem>> -> memref<512xi32, #tpu.memory_space<vmem>>
    %dma_wait3A_450 = tpu.memref_slice %arg2[%dma_wait3A_447, %mul3A_2] : memref<26x16384xi32, #tpu.memory_space<hbm>> -> memref<1x512xi32, #tpu.memory_space<hbm>>
    %dma_wait3A_451 = tpu.memref_squeeze %dma_wait3A_450 : memref<1x512xi32, #tpu.memory_space<hbm>> -> memref<512xi32, #tpu.memory_space<hbm>>
    %dma_wait3A_452 = arith.constant 7680 : i32
    %dma_wait3A_453 = tpu.memref_slice %arg5[%dma_wait3A_452] : memref<13312xi32, #tpu.memory_space<vmem>> -> memref<512xi32, #tpu.memory_space<vmem>>
    %dma_wait3A_454 = tpu.memref_slice %arg2[%dma_wait3A_447, %mul3A_2] : memref<26x16384xi32, #tpu.memory_space<hbm>> -> memref<1x512xi32, #tpu.memory_space<hbm>>
    %dma_wait3A_455 = tpu.memref_squeeze %dma_wait3A_454 : memref<1x512xi32, #tpu.memory_space<hbm>> -> memref<512xi32, #tpu.memory_space<hbm>>
    tpu.wait_dma2 semaphore(%arg9 : memref<!tpu.dma_semaphore, #tpu.memory_space<semaphore_mem>>) src(%dma_wait3A_455 : memref<512xi32, #tpu.memory_space<hbm>>) dst(%dma_wait3A_453 : memref<512xi32, #tpu.memory_space<vmem>>)
    %dma_wait3A_456 = arith.constant 16 : i32
    %dma_wait3A_457 = arith.constant 8192 : i32
    %dma_wait3A_458 = tpu.memref_slice %arg5[%dma_wait3A_457] : memref<13312xi32, #tpu.memory_space<vmem>> -> memref<512xi32, #tpu.memory_space<vmem>>
    %dma_wait3A_459 = tpu.memref_slice %arg2[%dma_wait3A_456, %mul3A_2] : memref<26x16384xi32, #tpu.memory_space<hbm>> -> memref<1x512xi32, #tpu.memory_space<hbm>>
    %dma_wait3A_460 = tpu.memref_squeeze %dma_wait3A_459 : memref<1x512xi32, #tpu.memory_space<hbm>> -> memref<512xi32, #tpu.memory_space<hbm>>
    %dma_wait3A_461 = arith.constant 8192 : i32
    %dma_wait3A_462 = tpu.memref_slice %arg5[%dma_wait3A_461] : memref<13312xi32, #tpu.memory_space<vmem>> -> memref<512xi32, #tpu.memory_space<vmem>>
    %dma_wait3A_463 = tpu.memref_slice %arg2[%dma_wait3A_456, %mul3A_2] : memref<26x16384xi32, #tpu.memory_space<hbm>> -> memref<1x512xi32, #tpu.memory_space<hbm>>
    %dma_wait3A_464 = tpu.memref_squeeze %dma_wait3A_463 : memref<1x512xi32, #tpu.memory_space<hbm>> -> memref<512xi32, #tpu.memory_space<hbm>>
    tpu.wait_dma2 semaphore(%arg9 : memref<!tpu.dma_semaphore, #tpu.memory_space<semaphore_mem>>) src(%dma_wait3A_464 : memref<512xi32, #tpu.memory_space<hbm>>) dst(%dma_wait3A_462 : memref<512xi32, #tpu.memory_space<vmem>>)
    %dma_wait3A_465 = arith.constant 17 : i32
    %dma_wait3A_466 = arith.constant 8704 : i32
    %dma_wait3A_467 = tpu.memref_slice %arg5[%dma_wait3A_466] : memref<13312xi32, #tpu.memory_space<vmem>> -> memref<512xi32, #tpu.memory_space<vmem>>
    %dma_wait3A_468 = tpu.memref_slice %arg2[%dma_wait3A_465, %mul3A_2] : memref<26x16384xi32, #tpu.memory_space<hbm>> -> memref<1x512xi32, #tpu.memory_space<hbm>>
    %dma_wait3A_469 = tpu.memref_squeeze %dma_wait3A_468 : memref<1x512xi32, #tpu.memory_space<hbm>> -> memref<512xi32, #tpu.memory_space<hbm>>
    %dma_wait3A_470 = arith.constant 8704 : i32
    %dma_wait3A_471 = tpu.memref_slice %arg5[%dma_wait3A_470] : memref<13312xi32, #tpu.memory_space<vmem>> -> memref<512xi32, #tpu.memory_space<vmem>>
    %dma_wait3A_472 = tpu.memref_slice %arg2[%dma_wait3A_465, %mul3A_2] : memref<26x16384xi32, #tpu.memory_space<hbm>> -> memref<1x512xi32, #tpu.memory_space<hbm>>
    %dma_wait3A_473 = tpu.memref_squeeze %dma_wait3A_472 : memref<1x512xi32, #tpu.memory_space<hbm>> -> memref<512xi32, #tpu.memory_space<hbm>>
    tpu.wait_dma2 semaphore(%arg9 : memref<!tpu.dma_semaphore, #tpu.memory_space<semaphore_mem>>) src(%dma_wait3A_473 : memref<512xi32, #tpu.memory_space<hbm>>) dst(%dma_wait3A_471 : memref<512xi32, #tpu.memory_space<vmem>>)
    %dma_wait3A_474 = arith.constant 18 : i32
    %dma_wait3A_475 = arith.constant 9216 : i32
    %dma_wait3A_476 = tpu.memref_slice %arg5[%dma_wait3A_475] : memref<13312xi32, #tpu.memory_space<vmem>> -> memref<512xi32, #tpu.memory_space<vmem>>
    %dma_wait3A_477 = tpu.memref_slice %arg2[%dma_wait3A_474, %mul3A_2] : memref<26x16384xi32, #tpu.memory_space<hbm>> -> memref<1x512xi32, #tpu.memory_space<hbm>>
    %dma_wait3A_478 = tpu.memref_squeeze %dma_wait3A_477 : memref<1x512xi32, #tpu.memory_space<hbm>> -> memref<512xi32, #tpu.memory_space<hbm>>
    %dma_wait3A_479 = arith.constant 9216 : i32
    %dma_wait3A_480 = tpu.memref_slice %arg5[%dma_wait3A_479] : memref<13312xi32, #tpu.memory_space<vmem>> -> memref<512xi32, #tpu.memory_space<vmem>>
    %dma_wait3A_481 = tpu.memref_slice %arg2[%dma_wait3A_474, %mul3A_2] : memref<26x16384xi32, #tpu.memory_space<hbm>> -> memref<1x512xi32, #tpu.memory_space<hbm>>
    %dma_wait3A_482 = tpu.memref_squeeze %dma_wait3A_481 : memref<1x512xi32, #tpu.memory_space<hbm>> -> memref<512xi32, #tpu.memory_space<hbm>>
    tpu.wait_dma2 semaphore(%arg9 : memref<!tpu.dma_semaphore, #tpu.memory_space<semaphore_mem>>) src(%dma_wait3A_482 : memref<512xi32, #tpu.memory_space<hbm>>) dst(%dma_wait3A_480 : memref<512xi32, #tpu.memory_space<vmem>>)
    %dma_wait3A_483 = arith.constant 19 : i32
    %dma_wait3A_484 = arith.constant 9728 : i32
    %dma_wait3A_485 = tpu.memref_slice %arg5[%dma_wait3A_484] : memref<13312xi32, #tpu.memory_space<vmem>> -> memref<512xi32, #tpu.memory_space<vmem>>
    %dma_wait3A_486 = tpu.memref_slice %arg2[%dma_wait3A_483, %mul3A_2] : memref<26x16384xi32, #tpu.memory_space<hbm>> -> memref<1x512xi32, #tpu.memory_space<hbm>>
    %dma_wait3A_487 = tpu.memref_squeeze %dma_wait3A_486 : memref<1x512xi32, #tpu.memory_space<hbm>> -> memref<512xi32, #tpu.memory_space<hbm>>
    %dma_wait3A_488 = arith.constant 9728 : i32
    %dma_wait3A_489 = tpu.memref_slice %arg5[%dma_wait3A_488] : memref<13312xi32, #tpu.memory_space<vmem>> -> memref<512xi32, #tpu.memory_space<vmem>>
    %dma_wait3A_490 = tpu.memref_slice %arg2[%dma_wait3A_483, %mul3A_2] : memref<26x16384xi32, #tpu.memory_space<hbm>> -> memref<1x512xi32, #tpu.memory_space<hbm>>
    %dma_wait3A_491 = tpu.memref_squeeze %dma_wait3A_490 : memref<1x512xi32, #tpu.memory_space<hbm>> -> memref<512xi32, #tpu.memory_space<hbm>>
    tpu.wait_dma2 semaphore(%arg9 : memref<!tpu.dma_semaphore, #tpu.memory_space<semaphore_mem>>) src(%dma_wait3A_491 : memref<512xi32, #tpu.memory_space<hbm>>) dst(%dma_wait3A_489 : memref<512xi32, #tpu.memory_space<vmem>>)
    %dma_wait3A_492 = arith.constant 20 : i32
    %dma_wait3A_493 = arith.constant 10240 : i32
    %dma_wait3A_494 = tpu.memref_slice %arg5[%dma_wait3A_493] : memref<13312xi32, #tpu.memory_space<vmem>> -> memref<512xi32, #tpu.memory_space<vmem>>
    %dma_wait3A_495 = tpu.memref_slice %arg2[%dma_wait3A_492, %mul3A_2] : memref<26x16384xi32, #tpu.memory_space<hbm>> -> memref<1x512xi32, #tpu.memory_space<hbm>>
    %dma_wait3A_496 = tpu.memref_squeeze %dma_wait3A_495 : memref<1x512xi32, #tpu.memory_space<hbm>> -> memref<512xi32, #tpu.memory_space<hbm>>
    %dma_wait3A_497 = arith.constant 10240 : i32
    %dma_wait3A_498 = tpu.memref_slice %arg5[%dma_wait3A_497] : memref<13312xi32, #tpu.memory_space<vmem>> -> memref<512xi32, #tpu.memory_space<vmem>>
    %dma_wait3A_499 = tpu.memref_slice %arg2[%dma_wait3A_492, %mul3A_2] : memref<26x16384xi32, #tpu.memory_space<hbm>> -> memref<1x512xi32, #tpu.memory_space<hbm>>
    %dma_wait3A_500 = tpu.memref_squeeze %dma_wait3A_499 : memref<1x512xi32, #tpu.memory_space<hbm>> -> memref<512xi32, #tpu.memory_space<hbm>>
    tpu.wait_dma2 semaphore(%arg9 : memref<!tpu.dma_semaphore, #tpu.memory_space<semaphore_mem>>) src(%dma_wait3A_500 : memref<512xi32, #tpu.memory_space<hbm>>) dst(%dma_wait3A_498 : memref<512xi32, #tpu.memory_space<vmem>>)
    %dma_wait3A_501 = arith.constant 21 : i32
    %dma_wait3A_502 = arith.constant 10752 : i32
    %dma_wait3A_503 = tpu.memref_slice %arg5[%dma_wait3A_502] : memref<13312xi32, #tpu.memory_space<vmem>> -> memref<512xi32, #tpu.memory_space<vmem>>
    %dma_wait3A_504 = tpu.memref_slice %arg2[%dma_wait3A_501, %mul3A_2] : memref<26x16384xi32, #tpu.memory_space<hbm>> -> memref<1x512xi32, #tpu.memory_space<hbm>>
    %dma_wait3A_505 = tpu.memref_squeeze %dma_wait3A_504 : memref<1x512xi32, #tpu.memory_space<hbm>> -> memref<512xi32, #tpu.memory_space<hbm>>
    %dma_wait3A_506 = arith.constant 10752 : i32
    %dma_wait3A_507 = tpu.memref_slice %arg5[%dma_wait3A_506] : memref<13312xi32, #tpu.memory_space<vmem>> -> memref<512xi32, #tpu.memory_space<vmem>>
    %dma_wait3A_508 = tpu.memref_slice %arg2[%dma_wait3A_501, %mul3A_2] : memref<26x16384xi32, #tpu.memory_space<hbm>> -> memref<1x512xi32, #tpu.memory_space<hbm>>
    %dma_wait3A_509 = tpu.memref_squeeze %dma_wait3A_508 : memref<1x512xi32, #tpu.memory_space<hbm>> -> memref<512xi32, #tpu.memory_space<hbm>>
    tpu.wait_dma2 semaphore(%arg9 : memref<!tpu.dma_semaphore, #tpu.memory_space<semaphore_mem>>) src(%dma_wait3A_509 : memref<512xi32, #tpu.memory_space<hbm>>) dst(%dma_wait3A_507 : memref<512xi32, #tpu.memory_space<vmem>>)
    %dma_wait3A_510 = arith.constant 22 : i32
    %dma_wait3A_511 = arith.constant 11264 : i32
    %dma_wait3A_512 = tpu.memref_slice %arg5[%dma_wait3A_511] : memref<13312xi32, #tpu.memory_space<vmem>> -> memref<512xi32, #tpu.memory_space<vmem>>
    %dma_wait3A_513 = tpu.memref_slice %arg2[%dma_wait3A_510, %mul3A_2] : memref<26x16384xi32, #tpu.memory_space<hbm>> -> memref<1x512xi32, #tpu.memory_space<hbm>>
    %dma_wait3A_514 = tpu.memref_squeeze %dma_wait3A_513 : memref<1x512xi32, #tpu.memory_space<hbm>> -> memref<512xi32, #tpu.memory_space<hbm>>
    %dma_wait3A_515 = arith.constant 11264 : i32
    %dma_wait3A_516 = tpu.memref_slice %arg5[%dma_wait3A_515] : memref<13312xi32, #tpu.memory_space<vmem>> -> memref<512xi32, #tpu.memory_space<vmem>>
    %dma_wait3A_517 = tpu.memref_slice %arg2[%dma_wait3A_510, %mul3A_2] : memref<26x16384xi32, #tpu.memory_space<hbm>> -> memref<1x512xi32, #tpu.memory_space<hbm>>
    %dma_wait3A_518 = tpu.memref_squeeze %dma_wait3A_517 : memref<1x512xi32, #tpu.memory_space<hbm>> -> memref<512xi32, #tpu.memory_space<hbm>>
    tpu.wait_dma2 semaphore(%arg9 : memref<!tpu.dma_semaphore, #tpu.memory_space<semaphore_mem>>) src(%dma_wait3A_518 : memref<512xi32, #tpu.memory_space<hbm>>) dst(%dma_wait3A_516 : memref<512xi32, #tpu.memory_space<vmem>>)
    %dma_wait3A_519 = arith.constant 23 : i32
    %dma_wait3A_520 = arith.constant 11776 : i32
    %dma_wait3A_521 = tpu.memref_slice %arg5[%dma_wait3A_520] : memref<13312xi32, #tpu.memory_space<vmem>> -> memref<512xi32, #tpu.memory_space<vmem>>
    %dma_wait3A_522 = tpu.memref_slice %arg2[%dma_wait3A_519, %mul3A_2] : memref<26x16384xi32, #tpu.memory_space<hbm>> -> memref<1x512xi32, #tpu.memory_space<hbm>>
    %dma_wait3A_523 = tpu.memref_squeeze %dma_wait3A_522 : memref<1x512xi32, #tpu.memory_space<hbm>> -> memref<512xi32, #tpu.memory_space<hbm>>
    %dma_wait3A_524 = arith.constant 11776 : i32
    %dma_wait3A_525 = tpu.memref_slice %arg5[%dma_wait3A_524] : memref<13312xi32, #tpu.memory_space<vmem>> -> memref<512xi32, #tpu.memory_space<vmem>>
    %dma_wait3A_526 = tpu.memref_slice %arg2[%dma_wait3A_519, %mul3A_2] : memref<26x16384xi32, #tpu.memory_space<hbm>> -> memref<1x512xi32, #tpu.memory_space<hbm>>
    %dma_wait3A_527 = tpu.memref_squeeze %dma_wait3A_526 : memref<1x512xi32, #tpu.memory_space<hbm>> -> memref<512xi32, #tpu.memory_space<hbm>>
    tpu.wait_dma2 semaphore(%arg9 : memref<!tpu.dma_semaphore, #tpu.memory_space<semaphore_mem>>) src(%dma_wait3A_527 : memref<512xi32, #tpu.memory_space<hbm>>) dst(%dma_wait3A_525 : memref<512xi32, #tpu.memory_space<vmem>>)
    %dma_wait3A_528 = arith.constant 24 : i32
    %dma_wait3A_529 = arith.constant 12288 : i32
    %dma_wait3A_530 = tpu.memref_slice %arg5[%dma_wait3A_529] : memref<13312xi32, #tpu.memory_space<vmem>> -> memref<512xi32, #tpu.memory_space<vmem>>
    %dma_wait3A_531 = tpu.memref_slice %arg2[%dma_wait3A_528, %mul3A_2] : memref<26x16384xi32, #tpu.memory_space<hbm>> -> memref<1x512xi32, #tpu.memory_space<hbm>>
    %dma_wait3A_532 = tpu.memref_squeeze %dma_wait3A_531 : memref<1x512xi32, #tpu.memory_space<hbm>> -> memref<512xi32, #tpu.memory_space<hbm>>
    %dma_wait3A_533 = arith.constant 12288 : i32
    %dma_wait3A_534 = tpu.memref_slice %arg5[%dma_wait3A_533] : memref<13312xi32, #tpu.memory_space<vmem>> -> memref<512xi32, #tpu.memory_space<vmem>>
    %dma_wait3A_535 = tpu.memref_slice %arg2[%dma_wait3A_528, %mul3A_2] : memref<26x16384xi32, #tpu.memory_space<hbm>> -> memref<1x512xi32, #tpu.memory_space<hbm>>
    %dma_wait3A_536 = tpu.memref_squeeze %dma_wait3A_535 : memref<1x512xi32, #tpu.memory_space<hbm>> -> memref<512xi32, #tpu.memory_space<hbm>>
    tpu.wait_dma2 semaphore(%arg9 : memref<!tpu.dma_semaphore, #tpu.memory_space<semaphore_mem>>) src(%dma_wait3A_536 : memref<512xi32, #tpu.memory_space<hbm>>) dst(%dma_wait3A_534 : memref<512xi32, #tpu.memory_space<vmem>>)
    %dma_wait3A_537 = arith.constant 25 : i32
    %dma_wait3A_538 = arith.constant 12800 : i32
    %dma_wait3A_539 = tpu.memref_slice %arg5[%dma_wait3A_538] : memref<13312xi32, #tpu.memory_space<vmem>> -> memref<512xi32, #tpu.memory_space<vmem>>
    %dma_wait3A_540 = tpu.memref_slice %arg2[%dma_wait3A_537, %mul3A_2] : memref<26x16384xi32, #tpu.memory_space<hbm>> -> memref<1x512xi32, #tpu.memory_space<hbm>>
    %dma_wait3A_541 = tpu.memref_squeeze %dma_wait3A_540 : memref<1x512xi32, #tpu.memory_space<hbm>> -> memref<512xi32, #tpu.memory_space<hbm>>
    %dma_wait3A_542 = arith.constant 12800 : i32
    %dma_wait3A_543 = tpu.memref_slice %arg5[%dma_wait3A_542] : memref<13312xi32, #tpu.memory_space<vmem>> -> memref<512xi32, #tpu.memory_space<vmem>>
    %dma_wait3A_544 = tpu.memref_slice %arg2[%dma_wait3A_537, %mul3A_2] : memref<26x16384xi32, #tpu.memory_space<hbm>> -> memref<1x512xi32, #tpu.memory_space<hbm>>
    %dma_wait3A_545 = tpu.memref_squeeze %dma_wait3A_544 : memref<1x512xi32, #tpu.memory_space<hbm>> -> memref<512xi32, #tpu.memory_space<hbm>>
    tpu.wait_dma2 semaphore(%arg9 : memref<!tpu.dma_semaphore, #tpu.memory_space<semaphore_mem>>) src(%dma_wait3A_545 : memref<512xi32, #tpu.memory_space<hbm>>) dst(%dma_wait3A_543 : memref<512xi32, #tpu.memory_space<vmem>>)
    %dma_start3A_546 = arith.constant 8704 : i32
    %dma_start3A_547 = tpu.memref_slice %arg6[%dma_start3A_546] : memref<13312xf32, #tpu.memory_space<vmem>> -> memref<512xf32, #tpu.memory_space<vmem>>
    %dma_start3A_548 = arith.constant 8704 : i32
    %dma_start3A_549 = tpu.memref_slice %arg5[%dma_start3A_548] : memref<13312xi32, #tpu.memory_space<vmem>> -> memref<512xi32, #tpu.memory_space<vmem>>
    %dma_start3A_550 = arith.constant 680000 : i32
    %dma_start3A_551 = tpu.memref_slice %arg3[%dma_start3A_550] : memref<1040384xf32, #tpu.memory_space<hbm>> -> memref<40000xf32, #tpu.memory_space<hbm>>
    %dma_start3A_552 = arith.constant 0 : i32
    %dma_start3A_553 = tpu.memref_slice %dma_start3A_551[%dma_start3A_552] : memref<40000xf32, #tpu.memory_space<hbm>> -> memref<40000xf32, #tpu.memory_space<hbm>>
    tpu.enqueue_indirect_dma source(%dma_start3A_553 : memref<40000xf32, #tpu.memory_space<hbm>>) target(%dma_start3A_547 : memref<512xf32, #tpu.memory_space<vmem>>) offsets(%dma_start3A_549 : memref<512xi32, #tpu.memory_space<vmem>>) semaphore(%arg11 : memref<!tpu.dma_semaphore, #tpu.memory_space<semaphore_mem>>)
    %dma_start3A_554 = arith.constant 9216 : i32
    %dma_start3A_555 = tpu.memref_slice %arg6[%dma_start3A_554] : memref<13312xf32, #tpu.memory_space<vmem>> -> memref<512xf32, #tpu.memory_space<vmem>>
    %dma_start3A_556 = arith.constant 9216 : i32
    %dma_start3A_557 = tpu.memref_slice %arg5[%dma_start3A_556] : memref<13312xi32, #tpu.memory_space<vmem>> -> memref<512xi32, #tpu.memory_space<vmem>>
    %dma_start3A_558 = arith.constant 720000 : i32
    %dma_start3A_559 = tpu.memref_slice %arg3[%dma_start3A_558] : memref<1040384xf32, #tpu.memory_space<hbm>> -> memref<40000xf32, #tpu.memory_space<hbm>>
    %dma_start3A_560 = arith.constant 0 : i32
    %dma_start3A_561 = tpu.memref_slice %dma_start3A_559[%dma_start3A_560] : memref<40000xf32, #tpu.memory_space<hbm>> -> memref<40000xf32, #tpu.memory_space<hbm>>
    tpu.enqueue_indirect_dma source(%dma_start3A_561 : memref<40000xf32, #tpu.memory_space<hbm>>) target(%dma_start3A_555 : memref<512xf32, #tpu.memory_space<vmem>>) offsets(%dma_start3A_557 : memref<512xi32, #tpu.memory_space<vmem>>) semaphore(%arg11 : memref<!tpu.dma_semaphore, #tpu.memory_space<semaphore_mem>>)
    %dma_start3A_562 = arith.constant 9728 : i32
    %dma_start3A_563 = tpu.memref_slice %arg6[%dma_start3A_562] : memref<13312xf32, #tpu.memory_space<vmem>> -> memref<512xf32, #tpu.memory_space<vmem>>
    %dma_start3A_564 = arith.constant 9728 : i32
    %dma_start3A_565 = tpu.memref_slice %arg5[%dma_start3A_564] : memref<13312xi32, #tpu.memory_space<vmem>> -> memref<512xi32, #tpu.memory_space<vmem>>
    %dma_start3A_566 = arith.constant 760000 : i32
    %dma_start3A_567 = tpu.memref_slice %arg3[%dma_start3A_566] : memref<1040384xf32, #tpu.memory_space<hbm>> -> memref<40000xf32, #tpu.memory_space<hbm>>
    %dma_start3A_568 = arith.constant 0 : i32
    %dma_start3A_569 = tpu.memref_slice %dma_start3A_567[%dma_start3A_568] : memref<40000xf32, #tpu.memory_space<hbm>> -> memref<40000xf32, #tpu.memory_space<hbm>>
    tpu.enqueue_indirect_dma source(%dma_start3A_569 : memref<40000xf32, #tpu.memory_space<hbm>>) target(%dma_start3A_563 : memref<512xf32, #tpu.memory_space<vmem>>) offsets(%dma_start3A_565 : memref<512xi32, #tpu.memory_space<vmem>>) semaphore(%arg11 : memref<!tpu.dma_semaphore, #tpu.memory_space<semaphore_mem>>)
    %dma_start3A_570 = arith.constant 10240 : i32
    %dma_start3A_571 = tpu.memref_slice %arg6[%dma_start3A_570] : memref<13312xf32, #tpu.memory_space<vmem>> -> memref<512xf32, #tpu.memory_space<vmem>>
    %dma_start3A_572 = arith.constant 10240 : i32
    %dma_start3A_573 = tpu.memref_slice %arg5[%dma_start3A_572] : memref<13312xi32, #tpu.memory_space<vmem>> -> memref<512xi32, #tpu.memory_space<vmem>>
    %dma_start3A_574 = arith.constant 800000 : i32
    %dma_start3A_575 = tpu.memref_slice %arg3[%dma_start3A_574] : memref<1040384xf32, #tpu.memory_space<hbm>> -> memref<40000xf32, #tpu.memory_space<hbm>>
    %dma_start3A_576 = arith.constant 0 : i32
    %dma_start3A_577 = tpu.memref_slice %dma_start3A_575[%dma_start3A_576] : memref<40000xf32, #tpu.memory_space<hbm>> -> memref<40000xf32, #tpu.memory_space<hbm>>
    tpu.enqueue_indirect_dma source(%dma_start3A_577 : memref<40000xf32, #tpu.memory_space<hbm>>) target(%dma_start3A_571 : memref<512xf32, #tpu.memory_space<vmem>>) offsets(%dma_start3A_573 : memref<512xi32, #tpu.memory_space<vmem>>) semaphore(%arg11 : memref<!tpu.dma_semaphore, #tpu.memory_space<semaphore_mem>>)
    %dma_start3A_578 = arith.constant 10752 : i32
    %dma_start3A_579 = tpu.memref_slice %arg6[%dma_start3A_578] : memref<13312xf32, #tpu.memory_space<vmem>> -> memref<512xf32, #tpu.memory_space<vmem>>
    %dma_start3A_580 = arith.constant 10752 : i32
    %dma_start3A_581 = tpu.memref_slice %arg5[%dma_start3A_580] : memref<13312xi32, #tpu.memory_space<vmem>> -> memref<512xi32, #tpu.memory_space<vmem>>
    %dma_start3A_582 = arith.constant 840000 : i32
    %dma_start3A_583 = tpu.memref_slice %arg3[%dma_start3A_582] : memref<1040384xf32, #tpu.memory_space<hbm>> -> memref<40000xf32, #tpu.memory_space<hbm>>
    %dma_start3A_584 = arith.constant 0 : i32
    %dma_start3A_585 = tpu.memref_slice %dma_start3A_583[%dma_start3A_584] : memref<40000xf32, #tpu.memory_space<hbm>> -> memref<40000xf32, #tpu.memory_space<hbm>>
    tpu.enqueue_indirect_dma source(%dma_start3A_585 : memref<40000xf32, #tpu.memory_space<hbm>>) target(%dma_start3A_579 : memref<512xf32, #tpu.memory_space<vmem>>) offsets(%dma_start3A_581 : memref<512xi32, #tpu.memory_space<vmem>>) semaphore(%arg11 : memref<!tpu.dma_semaphore, #tpu.memory_space<semaphore_mem>>)
    %dma_start3A_586 = arith.constant 11264 : i32
    %dma_start3A_587 = tpu.memref_slice %arg6[%dma_start3A_586] : memref<13312xf32, #tpu.memory_space<vmem>> -> memref<512xf32, #tpu.memory_space<vmem>>
    %dma_start3A_588 = arith.constant 11264 : i32
    %dma_start3A_589 = tpu.memref_slice %arg5[%dma_start3A_588] : memref<13312xi32, #tpu.memory_space<vmem>> -> memref<512xi32, #tpu.memory_space<vmem>>
    %dma_start3A_590 = arith.constant 880000 : i32
    %dma_start3A_591 = tpu.memref_slice %arg3[%dma_start3A_590] : memref<1040384xf32, #tpu.memory_space<hbm>> -> memref<40000xf32, #tpu.memory_space<hbm>>
    %dma_start3A_592 = arith.constant 0 : i32
    %dma_start3A_593 = tpu.memref_slice %dma_start3A_591[%dma_start3A_592] : memref<40000xf32, #tpu.memory_space<hbm>> -> memref<40000xf32, #tpu.memory_space<hbm>>
    tpu.enqueue_indirect_dma source(%dma_start3A_593 : memref<40000xf32, #tpu.memory_space<hbm>>) target(%dma_start3A_587 : memref<512xf32, #tpu.memory_space<vmem>>) offsets(%dma_start3A_589 : memref<512xi32, #tpu.memory_space<vmem>>) semaphore(%arg11 : memref<!tpu.dma_semaphore, #tpu.memory_space<semaphore_mem>>)
    %dma_start3A_594 = arith.constant 11776 : i32
    %dma_start3A_595 = tpu.memref_slice %arg6[%dma_start3A_594] : memref<13312xf32, #tpu.memory_space<vmem>> -> memref<512xf32, #tpu.memory_space<vmem>>
    %dma_start3A_596 = arith.constant 11776 : i32
    %dma_start3A_597 = tpu.memref_slice %arg5[%dma_start3A_596] : memref<13312xi32, #tpu.memory_space<vmem>> -> memref<512xi32, #tpu.memory_space<vmem>>
    %dma_start3A_598 = arith.constant 920000 : i32
    %dma_start3A_599 = tpu.memref_slice %arg3[%dma_start3A_598] : memref<1040384xf32, #tpu.memory_space<hbm>> -> memref<40000xf32, #tpu.memory_space<hbm>>
    %dma_start3A_600 = arith.constant 0 : i32
    %dma_start3A_601 = tpu.memref_slice %dma_start3A_599[%dma_start3A_600] : memref<40000xf32, #tpu.memory_space<hbm>> -> memref<40000xf32, #tpu.memory_space<hbm>>
    tpu.enqueue_indirect_dma source(%dma_start3A_601 : memref<40000xf32, #tpu.memory_space<hbm>>) target(%dma_start3A_595 : memref<512xf32, #tpu.memory_space<vmem>>) offsets(%dma_start3A_597 : memref<512xi32, #tpu.memory_space<vmem>>) semaphore(%arg11 : memref<!tpu.dma_semaphore, #tpu.memory_space<semaphore_mem>>)
    %dma_start3A_602 = arith.constant 12288 : i32
    %dma_start3A_603 = tpu.memref_slice %arg6[%dma_start3A_602] : memref<13312xf32, #tpu.memory_space<vmem>> -> memref<512xf32, #tpu.memory_space<vmem>>
    %dma_start3A_604 = arith.constant 12288 : i32
    %dma_start3A_605 = tpu.memref_slice %arg5[%dma_start3A_604] : memref<13312xi32, #tpu.memory_space<vmem>> -> memref<512xi32, #tpu.memory_space<vmem>>
    %dma_start3A_606 = arith.constant 960000 : i32
    %dma_start3A_607 = tpu.memref_slice %arg3[%dma_start3A_606] : memref<1040384xf32, #tpu.memory_space<hbm>> -> memref<40000xf32, #tpu.memory_space<hbm>>
    %dma_start3A_608 = arith.constant 0 : i32
    %dma_start3A_609 = tpu.memref_slice %dma_start3A_607[%dma_start3A_608] : memref<40000xf32, #tpu.memory_space<hbm>> -> memref<40000xf32, #tpu.memory_space<hbm>>
    tpu.enqueue_indirect_dma source(%dma_start3A_609 : memref<40000xf32, #tpu.memory_space<hbm>>) target(%dma_start3A_603 : memref<512xf32, #tpu.memory_space<vmem>>) offsets(%dma_start3A_605 : memref<512xi32, #tpu.memory_space<vmem>>) semaphore(%arg11 : memref<!tpu.dma_semaphore, #tpu.memory_space<semaphore_mem>>)
    %dma_start3A_610 = arith.constant 12800 : i32
    %dma_start3A_611 = tpu.memref_slice %arg6[%dma_start3A_610] : memref<13312xf32, #tpu.memory_space<vmem>> -> memref<512xf32, #tpu.memory_space<vmem>>
    %dma_start3A_612 = arith.constant 12800 : i32
    %dma_start3A_613 = tpu.memref_slice %arg5[%dma_start3A_612] : memref<13312xi32, #tpu.memory_space<vmem>> -> memref<512xi32, #tpu.memory_space<vmem>>
    %dma_start3A_614 = arith.constant 1000000 : i32
    %dma_start3A_615 = tpu.memref_slice %arg3[%dma_start3A_614] : memref<1040384xf32, #tpu.memory_space<hbm>> -> memref<40000xf32, #tpu.memory_space<hbm>>
    %dma_start3A_616 = arith.constant 0 : i32
    %dma_start3A_617 = tpu.memref_slice %dma_start3A_615[%dma_start3A_616] : memref<40000xf32, #tpu.memory_space<hbm>> -> memref<40000xf32, #tpu.memory_space<hbm>>
    tpu.enqueue_indirect_dma source(%dma_start3A_617 : memref<40000xf32, #tpu.memory_space<hbm>>) target(%dma_start3A_611 : memref<512xf32, #tpu.memory_space<vmem>>) offsets(%dma_start3A_613 : memref<512xi32, #tpu.memory_space<vmem>>) semaphore(%arg11 : memref<!tpu.dma_semaphore, #tpu.memory_space<semaphore_mem>>)
    %lt3A = arith.constant 16 : i32
    %lt3A_618 = arith.cmpi slt, %arg1, %lt3A : i32
    %convert_element_type3A_619 = arith.extui %lt3A_618 : i1 to i32
    %cond3A_620 = arith.constant 0 : i32
    %cond3A_621 = arith.cmpi ne, %convert_element_type3A_619, %cond3A_620 : i32
    scf.if %cond3A_621 {
      %dma_wait3A_972 = arith.constant 0 : i32
      %dma_wait3A_973 = tpu.memref_slice %arg8[%dma_wait3A_972] : memref<688128xf32, #tpu.memory_space<vmem_shared>> -> memref<43008xf32, #tpu.memory_space<vmem_shared>>
      %dma_wait3A_974 = arith.constant 0 : i32
      %dma_wait3A_975 = tpu.memref_slice %arg3[%dma_wait3A_974] : memref<1040384xf32, #tpu.memory_space<hbm>> -> memref<43008xf32, #tpu.memory_space<hbm>>
      tpu.wait_dma2 semaphore(%arg12 : memref<!tpu.dma_semaphore, #tpu.memory_space<semaphore_mem>>) src(%dma_wait3A_975 : memref<43008xf32, #tpu.memory_space<hbm>>) dst(%dma_wait3A_973 : memref<43008xf32, #tpu.memory_space<vmem_shared>>)
    } else {
    }
    %barrier3A = arith.constant 0 : index
    tpu.barrier barrier_id(%barrier3A)
    %dma_start3A_622 = arith.constant 0 : i32
    %dma_start3A_623 = tpu.memref_slice %arg6[%dma_start3A_622] : memref<13312xf32, #tpu.memory_space<vmem>> -> memref<512xf32, #tpu.memory_space<vmem>>
    %dma_start3A_624 = arith.constant 0 : i32
    %dma_start3A_625 = tpu.memref_slice %arg5[%dma_start3A_624] : memref<13312xi32, #tpu.memory_space<vmem>> -> memref<512xi32, #tpu.memory_space<vmem>>
    %dma_start3A_626 = arith.constant 0 : i32
    %dma_start3A_627 = tpu.memref_slice %arg8[%dma_start3A_626] : memref<688128xf32, #tpu.memory_space<vmem_shared>> -> memref<40000xf32, #tpu.memory_space<vmem_shared>>
    %dma_start3A_628 = arith.constant 0 : i32
    %dma_start3A_629 = tpu.memref_slice %dma_start3A_627[%dma_start3A_628] : memref<40000xf32, #tpu.memory_space<vmem_shared>> -> memref<40000xf32, #tpu.memory_space<vmem_shared>>
    tpu.enqueue_indirect_dma source(%dma_start3A_629 : memref<40000xf32, #tpu.memory_space<vmem_shared>>) target(%dma_start3A_623 : memref<512xf32, #tpu.memory_space<vmem>>) offsets(%dma_start3A_625 : memref<512xi32, #tpu.memory_space<vmem>>) semaphore(%arg10 : memref<!tpu.dma_semaphore, #tpu.memory_space<semaphore_mem>>)
    %dma_start3A_630 = arith.constant 512 : i32
    %dma_start3A_631 = tpu.memref_slice %arg6[%dma_start3A_630] : memref<13312xf32, #tpu.memory_space<vmem>> -> memref<512xf32, #tpu.memory_space<vmem>>
    %dma_start3A_632 = arith.constant 512 : i32
    %dma_start3A_633 = tpu.memref_slice %arg5[%dma_start3A_632] : memref<13312xi32, #tpu.memory_space<vmem>> -> memref<512xi32, #tpu.memory_space<vmem>>
    %dma_start3A_634 = arith.constant 40000 : i32
    %dma_start3A_635 = tpu.memref_slice %arg8[%dma_start3A_634] : memref<688128xf32, #tpu.memory_space<vmem_shared>> -> memref<40000xf32, #tpu.memory_space<vmem_shared>>
    %dma_start3A_636 = arith.constant 0 : i32
    %dma_start3A_637 = tpu.memref_slice %dma_start3A_635[%dma_start3A_636] : memref<40000xf32, #tpu.memory_space<vmem_shared>> -> memref<40000xf32, #tpu.memory_space<vmem_shared>>
    tpu.enqueue_indirect_dma source(%dma_start3A_637 : memref<40000xf32, #tpu.memory_space<vmem_shared>>) target(%dma_start3A_631 : memref<512xf32, #tpu.memory_space<vmem>>) offsets(%dma_start3A_633 : memref<512xi32, #tpu.memory_space<vmem>>) semaphore(%arg10 : memref<!tpu.dma_semaphore, #tpu.memory_space<semaphore_mem>>)
    %dma_start3A_638 = arith.constant 1024 : i32
    %dma_start3A_639 = tpu.memref_slice %arg6[%dma_start3A_638] : memref<13312xf32, #tpu.memory_space<vmem>> -> memref<512xf32, #tpu.memory_space<vmem>>
    %dma_start3A_640 = arith.constant 1024 : i32
    %dma_start3A_641 = tpu.memref_slice %arg5[%dma_start3A_640] : memref<13312xi32, #tpu.memory_space<vmem>> -> memref<512xi32, #tpu.memory_space<vmem>>
    %dma_start3A_642 = arith.constant 80000 : i32
    %dma_start3A_643 = tpu.memref_slice %arg8[%dma_start3A_642] : memref<688128xf32, #tpu.memory_space<vmem_shared>> -> memref<40000xf32, #tpu.memory_space<vmem_shared>>
    %dma_start3A_644 = arith.constant 0 : i32
    %dma_start3A_645 = tpu.memref_slice %dma_start3A_643[%dma_start3A_644] : memref<40000xf32, #tpu.memory_space<vmem_shared>> -> memref<40000xf32, #tpu.memory_space<vmem_shared>>
    tpu.enqueue_indirect_dma source(%dma_start3A_645 : memref<40000xf32, #tpu.memory_space<vmem_shared>>) target(%dma_start3A_639 : memref<512xf32, #tpu.memory_space<vmem>>) offsets(%dma_start3A_641 : memref<512xi32, #tpu.memory_space<vmem>>) semaphore(%arg10 : memref<!tpu.dma_semaphore, #tpu.memory_space<semaphore_mem>>)
    %dma_start3A_646 = arith.constant 1536 : i32
    %dma_start3A_647 = tpu.memref_slice %arg6[%dma_start3A_646] : memref<13312xf32, #tpu.memory_space<vmem>> -> memref<512xf32, #tpu.memory_space<vmem>>
    %dma_start3A_648 = arith.constant 1536 : i32
    %dma_start3A_649 = tpu.memref_slice %arg5[%dma_start3A_648] : memref<13312xi32, #tpu.memory_space<vmem>> -> memref<512xi32, #tpu.memory_space<vmem>>
    %dma_start3A_650 = arith.constant 120000 : i32
    %dma_start3A_651 = tpu.memref_slice %arg8[%dma_start3A_650] : memref<688128xf32, #tpu.memory_space<vmem_shared>> -> memref<40000xf32, #tpu.memory_space<vmem_shared>>
    %dma_start3A_652 = arith.constant 0 : i32
    %dma_start3A_653 = tpu.memref_slice %dma_start3A_651[%dma_start3A_652] : memref<40000xf32, #tpu.memory_space<vmem_shared>> -> memref<40000xf32, #tpu.memory_space<vmem_shared>>
    tpu.enqueue_indirect_dma source(%dma_start3A_653 : memref<40000xf32, #tpu.memory_space<vmem_shared>>) target(%dma_start3A_647 : memref<512xf32, #tpu.memory_space<vmem>>) offsets(%dma_start3A_649 : memref<512xi32, #tpu.memory_space<vmem>>) semaphore(%arg10 : memref<!tpu.dma_semaphore, #tpu.memory_space<semaphore_mem>>)
    %dma_start3A_654 = arith.constant 2048 : i32
    %dma_start3A_655 = tpu.memref_slice %arg6[%dma_start3A_654] : memref<13312xf32, #tpu.memory_space<vmem>> -> memref<512xf32, #tpu.memory_space<vmem>>
    %dma_start3A_656 = arith.constant 2048 : i32
    %dma_start3A_657 = tpu.memref_slice %arg5[%dma_start3A_656] : memref<13312xi32, #tpu.memory_space<vmem>> -> memref<512xi32, #tpu.memory_space<vmem>>
    %dma_start3A_658 = arith.constant 160000 : i32
    %dma_start3A_659 = tpu.memref_slice %arg8[%dma_start3A_658] : memref<688128xf32, #tpu.memory_space<vmem_shared>> -> memref<40000xf32, #tpu.memory_space<vmem_shared>>
    %dma_start3A_660 = arith.constant 0 : i32
    %dma_start3A_661 = tpu.memref_slice %dma_start3A_659[%dma_start3A_660] : memref<40000xf32, #tpu.memory_space<vmem_shared>> -> memref<40000xf32, #tpu.memory_space<vmem_shared>>
    tpu.enqueue_indirect_dma source(%dma_start3A_661 : memref<40000xf32, #tpu.memory_space<vmem_shared>>) target(%dma_start3A_655 : memref<512xf32, #tpu.memory_space<vmem>>) offsets(%dma_start3A_657 : memref<512xi32, #tpu.memory_space<vmem>>) semaphore(%arg10 : memref<!tpu.dma_semaphore, #tpu.memory_space<semaphore_mem>>)
    %dma_start3A_662 = arith.constant 2560 : i32
    %dma_start3A_663 = tpu.memref_slice %arg6[%dma_start3A_662] : memref<13312xf32, #tpu.memory_space<vmem>> -> memref<512xf32, #tpu.memory_space<vmem>>
    %dma_start3A_664 = arith.constant 2560 : i32
    %dma_start3A_665 = tpu.memref_slice %arg5[%dma_start3A_664] : memref<13312xi32, #tpu.memory_space<vmem>> -> memref<512xi32, #tpu.memory_space<vmem>>
    %dma_start3A_666 = arith.constant 200000 : i32
    %dma_start3A_667 = tpu.memref_slice %arg8[%dma_start3A_666] : memref<688128xf32, #tpu.memory_space<vmem_shared>> -> memref<40000xf32, #tpu.memory_space<vmem_shared>>
    %dma_start3A_668 = arith.constant 0 : i32
    %dma_start3A_669 = tpu.memref_slice %dma_start3A_667[%dma_start3A_668] : memref<40000xf32, #tpu.memory_space<vmem_shared>> -> memref<40000xf32, #tpu.memory_space<vmem_shared>>
    tpu.enqueue_indirect_dma source(%dma_start3A_669 : memref<40000xf32, #tpu.memory_space<vmem_shared>>) target(%dma_start3A_663 : memref<512xf32, #tpu.memory_space<vmem>>) offsets(%dma_start3A_665 : memref<512xi32, #tpu.memory_space<vmem>>) semaphore(%arg10 : memref<!tpu.dma_semaphore, #tpu.memory_space<semaphore_mem>>)
    %dma_start3A_670 = arith.constant 3072 : i32
    %dma_start3A_671 = tpu.memref_slice %arg6[%dma_start3A_670] : memref<13312xf32, #tpu.memory_space<vmem>> -> memref<512xf32, #tpu.memory_space<vmem>>
    %dma_start3A_672 = arith.constant 3072 : i32
    %dma_start3A_673 = tpu.memref_slice %arg5[%dma_start3A_672] : memref<13312xi32, #tpu.memory_space<vmem>> -> memref<512xi32, #tpu.memory_space<vmem>>
    %dma_start3A_674 = arith.constant 240000 : i32
    %dma_start3A_675 = tpu.memref_slice %arg8[%dma_start3A_674] : memref<688128xf32, #tpu.memory_space<vmem_shared>> -> memref<40000xf32, #tpu.memory_space<vmem_shared>>
    %dma_start3A_676 = arith.constant 0 : i32
    %dma_start3A_677 = tpu.memref_slice %dma_start3A_675[%dma_start3A_676] : memref<40000xf32, #tpu.memory_space<vmem_shared>> -> memref<40000xf32, #tpu.memory_space<vmem_shared>>
    tpu.enqueue_indirect_dma source(%dma_start3A_677 : memref<40000xf32, #tpu.memory_space<vmem_shared>>) target(%dma_start3A_671 : memref<512xf32, #tpu.memory_space<vmem>>) offsets(%dma_start3A_673 : memref<512xi32, #tpu.memory_space<vmem>>) semaphore(%arg10 : memref<!tpu.dma_semaphore, #tpu.memory_space<semaphore_mem>>)
    %dma_start3A_678 = arith.constant 3584 : i32
    %dma_start3A_679 = tpu.memref_slice %arg6[%dma_start3A_678] : memref<13312xf32, #tpu.memory_space<vmem>> -> memref<512xf32, #tpu.memory_space<vmem>>
    %dma_start3A_680 = arith.constant 3584 : i32
    %dma_start3A_681 = tpu.memref_slice %arg5[%dma_start3A_680] : memref<13312xi32, #tpu.memory_space<vmem>> -> memref<512xi32, #tpu.memory_space<vmem>>
    %dma_start3A_682 = arith.constant 280000 : i32
    %dma_start3A_683 = tpu.memref_slice %arg8[%dma_start3A_682] : memref<688128xf32, #tpu.memory_space<vmem_shared>> -> memref<40000xf32, #tpu.memory_space<vmem_shared>>
    %dma_start3A_684 = arith.constant 0 : i32
    %dma_start3A_685 = tpu.memref_slice %dma_start3A_683[%dma_start3A_684] : memref<40000xf32, #tpu.memory_space<vmem_shared>> -> memref<40000xf32, #tpu.memory_space<vmem_shared>>
    tpu.enqueue_indirect_dma source(%dma_start3A_685 : memref<40000xf32, #tpu.memory_space<vmem_shared>>) target(%dma_start3A_679 : memref<512xf32, #tpu.memory_space<vmem>>) offsets(%dma_start3A_681 : memref<512xi32, #tpu.memory_space<vmem>>) semaphore(%arg10 : memref<!tpu.dma_semaphore, #tpu.memory_space<semaphore_mem>>)
    %dma_start3A_686 = arith.constant 4096 : i32
    %dma_start3A_687 = tpu.memref_slice %arg6[%dma_start3A_686] : memref<13312xf32, #tpu.memory_space<vmem>> -> memref<512xf32, #tpu.memory_space<vmem>>
    %dma_start3A_688 = arith.constant 4096 : i32
    %dma_start3A_689 = tpu.memref_slice %arg5[%dma_start3A_688] : memref<13312xi32, #tpu.memory_space<vmem>> -> memref<512xi32, #tpu.memory_space<vmem>>
    %dma_start3A_690 = arith.constant 320000 : i32
    %dma_start3A_691 = tpu.memref_slice %arg8[%dma_start3A_690] : memref<688128xf32, #tpu.memory_space<vmem_shared>> -> memref<40000xf32, #tpu.memory_space<vmem_shared>>
    %dma_start3A_692 = arith.constant 0 : i32
    %dma_start3A_693 = tpu.memref_slice %dma_start3A_691[%dma_start3A_692] : memref<40000xf32, #tpu.memory_space<vmem_shared>> -> memref<40000xf32, #tpu.memory_space<vmem_shared>>
    tpu.enqueue_indirect_dma source(%dma_start3A_693 : memref<40000xf32, #tpu.memory_space<vmem_shared>>) target(%dma_start3A_687 : memref<512xf32, #tpu.memory_space<vmem>>) offsets(%dma_start3A_689 : memref<512xi32, #tpu.memory_space<vmem>>) semaphore(%arg10 : memref<!tpu.dma_semaphore, #tpu.memory_space<semaphore_mem>>)
    %dma_start3A_694 = arith.constant 4608 : i32
    %dma_start3A_695 = tpu.memref_slice %arg6[%dma_start3A_694] : memref<13312xf32, #tpu.memory_space<vmem>> -> memref<512xf32, #tpu.memory_space<vmem>>
    %dma_start3A_696 = arith.constant 4608 : i32
    %dma_start3A_697 = tpu.memref_slice %arg5[%dma_start3A_696] : memref<13312xi32, #tpu.memory_space<vmem>> -> memref<512xi32, #tpu.memory_space<vmem>>
    %dma_start3A_698 = arith.constant 360000 : i32
    %dma_start3A_699 = tpu.memref_slice %arg8[%dma_start3A_698] : memref<688128xf32, #tpu.memory_space<vmem_shared>> -> memref<40000xf32, #tpu.memory_space<vmem_shared>>
    %dma_start3A_700 = arith.constant 0 : i32
    %dma_start3A_701 = tpu.memref_slice %dma_start3A_699[%dma_start3A_700] : memref<40000xf32, #tpu.memory_space<vmem_shared>> -> memref<40000xf32, #tpu.memory_space<vmem_shared>>
    tpu.enqueue_indirect_dma source(%dma_start3A_701 : memref<40000xf32, #tpu.memory_space<vmem_shared>>) target(%dma_start3A_695 : memref<512xf32, #tpu.memory_space<vmem>>) offsets(%dma_start3A_697 : memref<512xi32, #tpu.memory_space<vmem>>) semaphore(%arg10 : memref<!tpu.dma_semaphore, #tpu.memory_space<semaphore_mem>>)
    %dma_start3A_702 = arith.constant 5120 : i32
    %dma_start3A_703 = tpu.memref_slice %arg6[%dma_start3A_702] : memref<13312xf32, #tpu.memory_space<vmem>> -> memref<512xf32, #tpu.memory_space<vmem>>
    %dma_start3A_704 = arith.constant 5120 : i32
    %dma_start3A_705 = tpu.memref_slice %arg5[%dma_start3A_704] : memref<13312xi32, #tpu.memory_space<vmem>> -> memref<512xi32, #tpu.memory_space<vmem>>
    %dma_start3A_706 = arith.constant 400000 : i32
    %dma_start3A_707 = tpu.memref_slice %arg8[%dma_start3A_706] : memref<688128xf32, #tpu.memory_space<vmem_shared>> -> memref<40000xf32, #tpu.memory_space<vmem_shared>>
    %dma_start3A_708 = arith.constant 0 : i32
    %dma_start3A_709 = tpu.memref_slice %dma_start3A_707[%dma_start3A_708] : memref<40000xf32, #tpu.memory_space<vmem_shared>> -> memref<40000xf32, #tpu.memory_space<vmem_shared>>
    tpu.enqueue_indirect_dma source(%dma_start3A_709 : memref<40000xf32, #tpu.memory_space<vmem_shared>>) target(%dma_start3A_703 : memref<512xf32, #tpu.memory_space<vmem>>) offsets(%dma_start3A_705 : memref<512xi32, #tpu.memory_space<vmem>>) semaphore(%arg10 : memref<!tpu.dma_semaphore, #tpu.memory_space<semaphore_mem>>)
    %dma_start3A_710 = arith.constant 5632 : i32
    %dma_start3A_711 = tpu.memref_slice %arg6[%dma_start3A_710] : memref<13312xf32, #tpu.memory_space<vmem>> -> memref<512xf32, #tpu.memory_space<vmem>>
    %dma_start3A_712 = arith.constant 5632 : i32
    %dma_start3A_713 = tpu.memref_slice %arg5[%dma_start3A_712] : memref<13312xi32, #tpu.memory_space<vmem>> -> memref<512xi32, #tpu.memory_space<vmem>>
    %dma_start3A_714 = arith.constant 440000 : i32
    %dma_start3A_715 = tpu.memref_slice %arg8[%dma_start3A_714] : memref<688128xf32, #tpu.memory_space<vmem_shared>> -> memref<40000xf32, #tpu.memory_space<vmem_shared>>
    %dma_start3A_716 = arith.constant 0 : i32
    %dma_start3A_717 = tpu.memref_slice %dma_start3A_715[%dma_start3A_716] : memref<40000xf32, #tpu.memory_space<vmem_shared>> -> memref<40000xf32, #tpu.memory_space<vmem_shared>>
    tpu.enqueue_indirect_dma source(%dma_start3A_717 : memref<40000xf32, #tpu.memory_space<vmem_shared>>) target(%dma_start3A_711 : memref<512xf32, #tpu.memory_space<vmem>>) offsets(%dma_start3A_713 : memref<512xi32, #tpu.memory_space<vmem>>) semaphore(%arg10 : memref<!tpu.dma_semaphore, #tpu.memory_space<semaphore_mem>>)
    %dma_start3A_718 = arith.constant 6144 : i32
    %dma_start3A_719 = tpu.memref_slice %arg6[%dma_start3A_718] : memref<13312xf32, #tpu.memory_space<vmem>> -> memref<512xf32, #tpu.memory_space<vmem>>
    %dma_start3A_720 = arith.constant 6144 : i32
    %dma_start3A_721 = tpu.memref_slice %arg5[%dma_start3A_720] : memref<13312xi32, #tpu.memory_space<vmem>> -> memref<512xi32, #tpu.memory_space<vmem>>
    %dma_start3A_722 = arith.constant 480000 : i32
    %dma_start3A_723 = tpu.memref_slice %arg8[%dma_start3A_722] : memref<688128xf32, #tpu.memory_space<vmem_shared>> -> memref<40000xf32, #tpu.memory_space<vmem_shared>>
    %dma_start3A_724 = arith.constant 0 : i32
    %dma_start3A_725 = tpu.memref_slice %dma_start3A_723[%dma_start3A_724] : memref<40000xf32, #tpu.memory_space<vmem_shared>> -> memref<40000xf32, #tpu.memory_space<vmem_shared>>
    tpu.enqueue_indirect_dma source(%dma_start3A_725 : memref<40000xf32, #tpu.memory_space<vmem_shared>>) target(%dma_start3A_719 : memref<512xf32, #tpu.memory_space<vmem>>) offsets(%dma_start3A_721 : memref<512xi32, #tpu.memory_space<vmem>>) semaphore(%arg10 : memref<!tpu.dma_semaphore, #tpu.memory_space<semaphore_mem>>)
    %dma_start3A_726 = arith.constant 6656 : i32
    %dma_start3A_727 = tpu.memref_slice %arg6[%dma_start3A_726] : memref<13312xf32, #tpu.memory_space<vmem>> -> memref<512xf32, #tpu.memory_space<vmem>>
    %dma_start3A_728 = arith.constant 6656 : i32
    %dma_start3A_729 = tpu.memref_slice %arg5[%dma_start3A_728] : memref<13312xi32, #tpu.memory_space<vmem>> -> memref<512xi32, #tpu.memory_space<vmem>>
    %dma_start3A_730 = arith.constant 520000 : i32
    %dma_start3A_731 = tpu.memref_slice %arg8[%dma_start3A_730] : memref<688128xf32, #tpu.memory_space<vmem_shared>> -> memref<40000xf32, #tpu.memory_space<vmem_shared>>
    %dma_start3A_732 = arith.constant 0 : i32
    %dma_start3A_733 = tpu.memref_slice %dma_start3A_731[%dma_start3A_732] : memref<40000xf32, #tpu.memory_space<vmem_shared>> -> memref<40000xf32, #tpu.memory_space<vmem_shared>>
    tpu.enqueue_indirect_dma source(%dma_start3A_733 : memref<40000xf32, #tpu.memory_space<vmem_shared>>) target(%dma_start3A_727 : memref<512xf32, #tpu.memory_space<vmem>>) offsets(%dma_start3A_729 : memref<512xi32, #tpu.memory_space<vmem>>) semaphore(%arg10 : memref<!tpu.dma_semaphore, #tpu.memory_space<semaphore_mem>>)
    %dma_start3A_734 = arith.constant 7168 : i32
    %dma_start3A_735 = tpu.memref_slice %arg6[%dma_start3A_734] : memref<13312xf32, #tpu.memory_space<vmem>> -> memref<512xf32, #tpu.memory_space<vmem>>
    %dma_start3A_736 = arith.constant 7168 : i32
    %dma_start3A_737 = tpu.memref_slice %arg5[%dma_start3A_736] : memref<13312xi32, #tpu.memory_space<vmem>> -> memref<512xi32, #tpu.memory_space<vmem>>
    %dma_start3A_738 = arith.constant 560000 : i32
    %dma_start3A_739 = tpu.memref_slice %arg8[%dma_start3A_738] : memref<688128xf32, #tpu.memory_space<vmem_shared>> -> memref<40000xf32, #tpu.memory_space<vmem_shared>>
    %dma_start3A_740 = arith.constant 0 : i32
    %dma_start3A_741 = tpu.memref_slice %dma_start3A_739[%dma_start3A_740] : memref<40000xf32, #tpu.memory_space<vmem_shared>> -> memref<40000xf32, #tpu.memory_space<vmem_shared>>
    tpu.enqueue_indirect_dma source(%dma_start3A_741 : memref<40000xf32, #tpu.memory_space<vmem_shared>>) target(%dma_start3A_735 : memref<512xf32, #tpu.memory_space<vmem>>) offsets(%dma_start3A_737 : memref<512xi32, #tpu.memory_space<vmem>>) semaphore(%arg10 : memref<!tpu.dma_semaphore, #tpu.memory_space<semaphore_mem>>)
    %dma_start3A_742 = arith.constant 7680 : i32
    %dma_start3A_743 = tpu.memref_slice %arg6[%dma_start3A_742] : memref<13312xf32, #tpu.memory_space<vmem>> -> memref<512xf32, #tpu.memory_space<vmem>>
    %dma_start3A_744 = arith.constant 7680 : i32
    %dma_start3A_745 = tpu.memref_slice %arg5[%dma_start3A_744] : memref<13312xi32, #tpu.memory_space<vmem>> -> memref<512xi32, #tpu.memory_space<vmem>>
    %dma_start3A_746 = arith.constant 600000 : i32
    %dma_start3A_747 = tpu.memref_slice %arg8[%dma_start3A_746] : memref<688128xf32, #tpu.memory_space<vmem_shared>> -> memref<40000xf32, #tpu.memory_space<vmem_shared>>
    %dma_start3A_748 = arith.constant 0 : i32
    %dma_start3A_749 = tpu.memref_slice %dma_start3A_747[%dma_start3A_748] : memref<40000xf32, #tpu.memory_space<vmem_shared>> -> memref<40000xf32, #tpu.memory_space<vmem_shared>>
    tpu.enqueue_indirect_dma source(%dma_start3A_749 : memref<40000xf32, #tpu.memory_space<vmem_shared>>) target(%dma_start3A_743 : memref<512xf32, #tpu.memory_space<vmem>>) offsets(%dma_start3A_745 : memref<512xi32, #tpu.memory_space<vmem>>) semaphore(%arg10 : memref<!tpu.dma_semaphore, #tpu.memory_space<semaphore_mem>>)
    %dma_start3A_750 = arith.constant 8192 : i32
    %dma_start3A_751 = tpu.memref_slice %arg6[%dma_start3A_750] : memref<13312xf32, #tpu.memory_space<vmem>> -> memref<512xf32, #tpu.memory_space<vmem>>
    %dma_start3A_752 = arith.constant 8192 : i32
    %dma_start3A_753 = tpu.memref_slice %arg5[%dma_start3A_752] : memref<13312xi32, #tpu.memory_space<vmem>> -> memref<512xi32, #tpu.memory_space<vmem>>
    %dma_start3A_754 = arith.constant 640000 : i32
    %dma_start3A_755 = tpu.memref_slice %arg8[%dma_start3A_754] : memref<688128xf32, #tpu.memory_space<vmem_shared>> -> memref<40000xf32, #tpu.memory_space<vmem_shared>>
    %dma_start3A_756 = arith.constant 0 : i32
    %dma_start3A_757 = tpu.memref_slice %dma_start3A_755[%dma_start3A_756] : memref<40000xf32, #tpu.memory_space<vmem_shared>> -> memref<40000xf32, #tpu.memory_space<vmem_shared>>
    tpu.enqueue_indirect_dma source(%dma_start3A_757 : memref<40000xf32, #tpu.memory_space<vmem_shared>>) target(%dma_start3A_751 : memref<512xf32, #tpu.memory_space<vmem>>) offsets(%dma_start3A_753 : memref<512xi32, #tpu.memory_space<vmem>>) semaphore(%arg10 : memref<!tpu.dma_semaphore, #tpu.memory_space<semaphore_mem>>)
    %dma_wait3A_758 = arith.constant 0 : i32
    %dma_wait3A_759 = tpu.memref_slice %arg6[%dma_wait3A_758] : memref<13312xf32, #tpu.memory_space<vmem>> -> memref<512xf32, #tpu.memory_space<vmem>>
    %dma_wait3A_760 = arith.constant 0 : i32
    %dma_wait3A_761 = tpu.memref_slice %arg5[%dma_wait3A_760] : memref<13312xi32, #tpu.memory_space<vmem>> -> memref<512xi32, #tpu.memory_space<vmem>>
    %dma_wait3A_762 = arith.constant 0 : i32
    %dma_wait3A_763 = tpu.memref_slice %arg8[%dma_wait3A_762] : memref<688128xf32, #tpu.memory_space<vmem_shared>> -> memref<40000xf32, #tpu.memory_space<vmem_shared>>
    %dma_wait3A_764 = arith.constant 0 : i32
    %dma_wait3A_765 = tpu.memref_slice %dma_wait3A_763[%dma_wait3A_764] : memref<40000xf32, #tpu.memory_space<vmem_shared>> -> memref<40000xf32, #tpu.memory_space<vmem_shared>>
    tpu.wait_indirect_dma semaphore(%arg10 : memref<!tpu.dma_semaphore, #tpu.memory_space<semaphore_mem>>) src(%dma_wait3A_765 : memref<40000xf32, #tpu.memory_space<vmem_shared>>) dst(%dma_wait3A_759 : memref<512xf32, #tpu.memory_space<vmem>>)
    %dma_wait3A_766 = arith.constant 512 : i32
    %dma_wait3A_767 = tpu.memref_slice %arg6[%dma_wait3A_766] : memref<13312xf32, #tpu.memory_space<vmem>> -> memref<512xf32, #tpu.memory_space<vmem>>
    %dma_wait3A_768 = arith.constant 512 : i32
    %dma_wait3A_769 = tpu.memref_slice %arg5[%dma_wait3A_768] : memref<13312xi32, #tpu.memory_space<vmem>> -> memref<512xi32, #tpu.memory_space<vmem>>
    %dma_wait3A_770 = arith.constant 40000 : i32
    %dma_wait3A_771 = tpu.memref_slice %arg8[%dma_wait3A_770] : memref<688128xf32, #tpu.memory_space<vmem_shared>> -> memref<40000xf32, #tpu.memory_space<vmem_shared>>
    %dma_wait3A_772 = arith.constant 0 : i32
    %dma_wait3A_773 = tpu.memref_slice %dma_wait3A_771[%dma_wait3A_772] : memref<40000xf32, #tpu.memory_space<vmem_shared>> -> memref<40000xf32, #tpu.memory_space<vmem_shared>>
    tpu.wait_indirect_dma semaphore(%arg10 : memref<!tpu.dma_semaphore, #tpu.memory_space<semaphore_mem>>) src(%dma_wait3A_773 : memref<40000xf32, #tpu.memory_space<vmem_shared>>) dst(%dma_wait3A_767 : memref<512xf32, #tpu.memory_space<vmem>>)
    %dma_wait3A_774 = arith.constant 1024 : i32
    %dma_wait3A_775 = tpu.memref_slice %arg6[%dma_wait3A_774] : memref<13312xf32, #tpu.memory_space<vmem>> -> memref<512xf32, #tpu.memory_space<vmem>>
    %dma_wait3A_776 = arith.constant 1024 : i32
    %dma_wait3A_777 = tpu.memref_slice %arg5[%dma_wait3A_776] : memref<13312xi32, #tpu.memory_space<vmem>> -> memref<512xi32, #tpu.memory_space<vmem>>
    %dma_wait3A_778 = arith.constant 80000 : i32
    %dma_wait3A_779 = tpu.memref_slice %arg8[%dma_wait3A_778] : memref<688128xf32, #tpu.memory_space<vmem_shared>> -> memref<40000xf32, #tpu.memory_space<vmem_shared>>
    %dma_wait3A_780 = arith.constant 0 : i32
    %dma_wait3A_781 = tpu.memref_slice %dma_wait3A_779[%dma_wait3A_780] : memref<40000xf32, #tpu.memory_space<vmem_shared>> -> memref<40000xf32, #tpu.memory_space<vmem_shared>>
    tpu.wait_indirect_dma semaphore(%arg10 : memref<!tpu.dma_semaphore, #tpu.memory_space<semaphore_mem>>) src(%dma_wait3A_781 : memref<40000xf32, #tpu.memory_space<vmem_shared>>) dst(%dma_wait3A_775 : memref<512xf32, #tpu.memory_space<vmem>>)
    %dma_wait3A_782 = arith.constant 1536 : i32
    %dma_wait3A_783 = tpu.memref_slice %arg6[%dma_wait3A_782] : memref<13312xf32, #tpu.memory_space<vmem>> -> memref<512xf32, #tpu.memory_space<vmem>>
    %dma_wait3A_784 = arith.constant 1536 : i32
    %dma_wait3A_785 = tpu.memref_slice %arg5[%dma_wait3A_784] : memref<13312xi32, #tpu.memory_space<vmem>> -> memref<512xi32, #tpu.memory_space<vmem>>
    %dma_wait3A_786 = arith.constant 120000 : i32
    %dma_wait3A_787 = tpu.memref_slice %arg8[%dma_wait3A_786] : memref<688128xf32, #tpu.memory_space<vmem_shared>> -> memref<40000xf32, #tpu.memory_space<vmem_shared>>
    %dma_wait3A_788 = arith.constant 0 : i32
    %dma_wait3A_789 = tpu.memref_slice %dma_wait3A_787[%dma_wait3A_788] : memref<40000xf32, #tpu.memory_space<vmem_shared>> -> memref<40000xf32, #tpu.memory_space<vmem_shared>>
    tpu.wait_indirect_dma semaphore(%arg10 : memref<!tpu.dma_semaphore, #tpu.memory_space<semaphore_mem>>) src(%dma_wait3A_789 : memref<40000xf32, #tpu.memory_space<vmem_shared>>) dst(%dma_wait3A_783 : memref<512xf32, #tpu.memory_space<vmem>>)
    %dma_wait3A_790 = arith.constant 2048 : i32
    %dma_wait3A_791 = tpu.memref_slice %arg6[%dma_wait3A_790] : memref<13312xf32, #tpu.memory_space<vmem>> -> memref<512xf32, #tpu.memory_space<vmem>>
    %dma_wait3A_792 = arith.constant 2048 : i32
    %dma_wait3A_793 = tpu.memref_slice %arg5[%dma_wait3A_792] : memref<13312xi32, #tpu.memory_space<vmem>> -> memref<512xi32, #tpu.memory_space<vmem>>
    %dma_wait3A_794 = arith.constant 160000 : i32
    %dma_wait3A_795 = tpu.memref_slice %arg8[%dma_wait3A_794] : memref<688128xf32, #tpu.memory_space<vmem_shared>> -> memref<40000xf32, #tpu.memory_space<vmem_shared>>
    %dma_wait3A_796 = arith.constant 0 : i32
    %dma_wait3A_797 = tpu.memref_slice %dma_wait3A_795[%dma_wait3A_796] : memref<40000xf32, #tpu.memory_space<vmem_shared>> -> memref<40000xf32, #tpu.memory_space<vmem_shared>>
    tpu.wait_indirect_dma semaphore(%arg10 : memref<!tpu.dma_semaphore, #tpu.memory_space<semaphore_mem>>) src(%dma_wait3A_797 : memref<40000xf32, #tpu.memory_space<vmem_shared>>) dst(%dma_wait3A_791 : memref<512xf32, #tpu.memory_space<vmem>>)
    %dma_wait3A_798 = arith.constant 2560 : i32
    %dma_wait3A_799 = tpu.memref_slice %arg6[%dma_wait3A_798] : memref<13312xf32, #tpu.memory_space<vmem>> -> memref<512xf32, #tpu.memory_space<vmem>>
    %dma_wait3A_800 = arith.constant 2560 : i32
    %dma_wait3A_801 = tpu.memref_slice %arg5[%dma_wait3A_800] : memref<13312xi32, #tpu.memory_space<vmem>> -> memref<512xi32, #tpu.memory_space<vmem>>
    %dma_wait3A_802 = arith.constant 200000 : i32
    %dma_wait3A_803 = tpu.memref_slice %arg8[%dma_wait3A_802] : memref<688128xf32, #tpu.memory_space<vmem_shared>> -> memref<40000xf32, #tpu.memory_space<vmem_shared>>
    %dma_wait3A_804 = arith.constant 0 : i32
    %dma_wait3A_805 = tpu.memref_slice %dma_wait3A_803[%dma_wait3A_804] : memref<40000xf32, #tpu.memory_space<vmem_shared>> -> memref<40000xf32, #tpu.memory_space<vmem_shared>>
    tpu.wait_indirect_dma semaphore(%arg10 : memref<!tpu.dma_semaphore, #tpu.memory_space<semaphore_mem>>) src(%dma_wait3A_805 : memref<40000xf32, #tpu.memory_space<vmem_shared>>) dst(%dma_wait3A_799 : memref<512xf32, #tpu.memory_space<vmem>>)
    %dma_wait3A_806 = arith.constant 3072 : i32
    %dma_wait3A_807 = tpu.memref_slice %arg6[%dma_wait3A_806] : memref<13312xf32, #tpu.memory_space<vmem>> -> memref<512xf32, #tpu.memory_space<vmem>>
    %dma_wait3A_808 = arith.constant 3072 : i32
    %dma_wait3A_809 = tpu.memref_slice %arg5[%dma_wait3A_808] : memref<13312xi32, #tpu.memory_space<vmem>> -> memref<512xi32, #tpu.memory_space<vmem>>
    %dma_wait3A_810 = arith.constant 240000 : i32
    %dma_wait3A_811 = tpu.memref_slice %arg8[%dma_wait3A_810] : memref<688128xf32, #tpu.memory_space<vmem_shared>> -> memref<40000xf32, #tpu.memory_space<vmem_shared>>
    %dma_wait3A_812 = arith.constant 0 : i32
    %dma_wait3A_813 = tpu.memref_slice %dma_wait3A_811[%dma_wait3A_812] : memref<40000xf32, #tpu.memory_space<vmem_shared>> -> memref<40000xf32, #tpu.memory_space<vmem_shared>>
    tpu.wait_indirect_dma semaphore(%arg10 : memref<!tpu.dma_semaphore, #tpu.memory_space<semaphore_mem>>) src(%dma_wait3A_813 : memref<40000xf32, #tpu.memory_space<vmem_shared>>) dst(%dma_wait3A_807 : memref<512xf32, #tpu.memory_space<vmem>>)
    %dma_wait3A_814 = arith.constant 3584 : i32
    %dma_wait3A_815 = tpu.memref_slice %arg6[%dma_wait3A_814] : memref<13312xf32, #tpu.memory_space<vmem>> -> memref<512xf32, #tpu.memory_space<vmem>>
    %dma_wait3A_816 = arith.constant 3584 : i32
    %dma_wait3A_817 = tpu.memref_slice %arg5[%dma_wait3A_816] : memref<13312xi32, #tpu.memory_space<vmem>> -> memref<512xi32, #tpu.memory_space<vmem>>
    %dma_wait3A_818 = arith.constant 280000 : i32
    %dma_wait3A_819 = tpu.memref_slice %arg8[%dma_wait3A_818] : memref<688128xf32, #tpu.memory_space<vmem_shared>> -> memref<40000xf32, #tpu.memory_space<vmem_shared>>
    %dma_wait3A_820 = arith.constant 0 : i32
    %dma_wait3A_821 = tpu.memref_slice %dma_wait3A_819[%dma_wait3A_820] : memref<40000xf32, #tpu.memory_space<vmem_shared>> -> memref<40000xf32, #tpu.memory_space<vmem_shared>>
    tpu.wait_indirect_dma semaphore(%arg10 : memref<!tpu.dma_semaphore, #tpu.memory_space<semaphore_mem>>) src(%dma_wait3A_821 : memref<40000xf32, #tpu.memory_space<vmem_shared>>) dst(%dma_wait3A_815 : memref<512xf32, #tpu.memory_space<vmem>>)
    %dma_wait3A_822 = arith.constant 4096 : i32
    %dma_wait3A_823 = tpu.memref_slice %arg6[%dma_wait3A_822] : memref<13312xf32, #tpu.memory_space<vmem>> -> memref<512xf32, #tpu.memory_space<vmem>>
    %dma_wait3A_824 = arith.constant 4096 : i32
    %dma_wait3A_825 = tpu.memref_slice %arg5[%dma_wait3A_824] : memref<13312xi32, #tpu.memory_space<vmem>> -> memref<512xi32, #tpu.memory_space<vmem>>
    %dma_wait3A_826 = arith.constant 320000 : i32
    %dma_wait3A_827 = tpu.memref_slice %arg8[%dma_wait3A_826] : memref<688128xf32, #tpu.memory_space<vmem_shared>> -> memref<40000xf32, #tpu.memory_space<vmem_shared>>
    %dma_wait3A_828 = arith.constant 0 : i32
    %dma_wait3A_829 = tpu.memref_slice %dma_wait3A_827[%dma_wait3A_828] : memref<40000xf32, #tpu.memory_space<vmem_shared>> -> memref<40000xf32, #tpu.memory_space<vmem_shared>>
    tpu.wait_indirect_dma semaphore(%arg10 : memref<!tpu.dma_semaphore, #tpu.memory_space<semaphore_mem>>) src(%dma_wait3A_829 : memref<40000xf32, #tpu.memory_space<vmem_shared>>) dst(%dma_wait3A_823 : memref<512xf32, #tpu.memory_space<vmem>>)
    %dma_wait3A_830 = arith.constant 4608 : i32
    %dma_wait3A_831 = tpu.memref_slice %arg6[%dma_wait3A_830] : memref<13312xf32, #tpu.memory_space<vmem>> -> memref<512xf32, #tpu.memory_space<vmem>>
    %dma_wait3A_832 = arith.constant 4608 : i32
    %dma_wait3A_833 = tpu.memref_slice %arg5[%dma_wait3A_832] : memref<13312xi32, #tpu.memory_space<vmem>> -> memref<512xi32, #tpu.memory_space<vmem>>
    %dma_wait3A_834 = arith.constant 360000 : i32
    %dma_wait3A_835 = tpu.memref_slice %arg8[%dma_wait3A_834] : memref<688128xf32, #tpu.memory_space<vmem_shared>> -> memref<40000xf32, #tpu.memory_space<vmem_shared>>
    %dma_wait3A_836 = arith.constant 0 : i32
    %dma_wait3A_837 = tpu.memref_slice %dma_wait3A_835[%dma_wait3A_836] : memref<40000xf32, #tpu.memory_space<vmem_shared>> -> memref<40000xf32, #tpu.memory_space<vmem_shared>>
    tpu.wait_indirect_dma semaphore(%arg10 : memref<!tpu.dma_semaphore, #tpu.memory_space<semaphore_mem>>) src(%dma_wait3A_837 : memref<40000xf32, #tpu.memory_space<vmem_shared>>) dst(%dma_wait3A_831 : memref<512xf32, #tpu.memory_space<vmem>>)
    %dma_wait3A_838 = arith.constant 5120 : i32
    %dma_wait3A_839 = tpu.memref_slice %arg6[%dma_wait3A_838] : memref<13312xf32, #tpu.memory_space<vmem>> -> memref<512xf32, #tpu.memory_space<vmem>>
    %dma_wait3A_840 = arith.constant 5120 : i32
    %dma_wait3A_841 = tpu.memref_slice %arg5[%dma_wait3A_840] : memref<13312xi32, #tpu.memory_space<vmem>> -> memref<512xi32, #tpu.memory_space<vmem>>
    %dma_wait3A_842 = arith.constant 400000 : i32
    %dma_wait3A_843 = tpu.memref_slice %arg8[%dma_wait3A_842] : memref<688128xf32, #tpu.memory_space<vmem_shared>> -> memref<40000xf32, #tpu.memory_space<vmem_shared>>
    %dma_wait3A_844 = arith.constant 0 : i32
    %dma_wait3A_845 = tpu.memref_slice %dma_wait3A_843[%dma_wait3A_844] : memref<40000xf32, #tpu.memory_space<vmem_shared>> -> memref<40000xf32, #tpu.memory_space<vmem_shared>>
    tpu.wait_indirect_dma semaphore(%arg10 : memref<!tpu.dma_semaphore, #tpu.memory_space<semaphore_mem>>) src(%dma_wait3A_845 : memref<40000xf32, #tpu.memory_space<vmem_shared>>) dst(%dma_wait3A_839 : memref<512xf32, #tpu.memory_space<vmem>>)
    %dma_wait3A_846 = arith.constant 5632 : i32
    %dma_wait3A_847 = tpu.memref_slice %arg6[%dma_wait3A_846] : memref<13312xf32, #tpu.memory_space<vmem>> -> memref<512xf32, #tpu.memory_space<vmem>>
    %dma_wait3A_848 = arith.constant 5632 : i32
    %dma_wait3A_849 = tpu.memref_slice %arg5[%dma_wait3A_848] : memref<13312xi32, #tpu.memory_space<vmem>> -> memref<512xi32, #tpu.memory_space<vmem>>
    %dma_wait3A_850 = arith.constant 440000 : i32
    %dma_wait3A_851 = tpu.memref_slice %arg8[%dma_wait3A_850] : memref<688128xf32, #tpu.memory_space<vmem_shared>> -> memref<40000xf32, #tpu.memory_space<vmem_shared>>
    %dma_wait3A_852 = arith.constant 0 : i32
    %dma_wait3A_853 = tpu.memref_slice %dma_wait3A_851[%dma_wait3A_852] : memref<40000xf32, #tpu.memory_space<vmem_shared>> -> memref<40000xf32, #tpu.memory_space<vmem_shared>>
    tpu.wait_indirect_dma semaphore(%arg10 : memref<!tpu.dma_semaphore, #tpu.memory_space<semaphore_mem>>) src(%dma_wait3A_853 : memref<40000xf32, #tpu.memory_space<vmem_shared>>) dst(%dma_wait3A_847 : memref<512xf32, #tpu.memory_space<vmem>>)
    %dma_wait3A_854 = arith.constant 6144 : i32
    %dma_wait3A_855 = tpu.memref_slice %arg6[%dma_wait3A_854] : memref<13312xf32, #tpu.memory_space<vmem>> -> memref<512xf32, #tpu.memory_space<vmem>>
    %dma_wait3A_856 = arith.constant 6144 : i32
    %dma_wait3A_857 = tpu.memref_slice %arg5[%dma_wait3A_856] : memref<13312xi32, #tpu.memory_space<vmem>> -> memref<512xi32, #tpu.memory_space<vmem>>
    %dma_wait3A_858 = arith.constant 480000 : i32
    %dma_wait3A_859 = tpu.memref_slice %arg8[%dma_wait3A_858] : memref<688128xf32, #tpu.memory_space<vmem_shared>> -> memref<40000xf32, #tpu.memory_space<vmem_shared>>
    %dma_wait3A_860 = arith.constant 0 : i32
    %dma_wait3A_861 = tpu.memref_slice %dma_wait3A_859[%dma_wait3A_860] : memref<40000xf32, #tpu.memory_space<vmem_shared>> -> memref<40000xf32, #tpu.memory_space<vmem_shared>>
    tpu.wait_indirect_dma semaphore(%arg10 : memref<!tpu.dma_semaphore, #tpu.memory_space<semaphore_mem>>) src(%dma_wait3A_861 : memref<40000xf32, #tpu.memory_space<vmem_shared>>) dst(%dma_wait3A_855 : memref<512xf32, #tpu.memory_space<vmem>>)
    %dma_wait3A_862 = arith.constant 6656 : i32
    %dma_wait3A_863 = tpu.memref_slice %arg6[%dma_wait3A_862] : memref<13312xf32, #tpu.memory_space<vmem>> -> memref<512xf32, #tpu.memory_space<vmem>>
    %dma_wait3A_864 = arith.constant 6656 : i32
    %dma_wait3A_865 = tpu.memref_slice %arg5[%dma_wait3A_864] : memref<13312xi32, #tpu.memory_space<vmem>> -> memref<512xi32, #tpu.memory_space<vmem>>
    %dma_wait3A_866 = arith.constant 520000 : i32
    %dma_wait3A_867 = tpu.memref_slice %arg8[%dma_wait3A_866] : memref<688128xf32, #tpu.memory_space<vmem_shared>> -> memref<40000xf32, #tpu.memory_space<vmem_shared>>
    %dma_wait3A_868 = arith.constant 0 : i32
    %dma_wait3A_869 = tpu.memref_slice %dma_wait3A_867[%dma_wait3A_868] : memref<40000xf32, #tpu.memory_space<vmem_shared>> -> memref<40000xf32, #tpu.memory_space<vmem_shared>>
    tpu.wait_indirect_dma semaphore(%arg10 : memref<!tpu.dma_semaphore, #tpu.memory_space<semaphore_mem>>) src(%dma_wait3A_869 : memref<40000xf32, #tpu.memory_space<vmem_shared>>) dst(%dma_wait3A_863 : memref<512xf32, #tpu.memory_space<vmem>>)
    %dma_wait3A_870 = arith.constant 7168 : i32
    %dma_wait3A_871 = tpu.memref_slice %arg6[%dma_wait3A_870] : memref<13312xf32, #tpu.memory_space<vmem>> -> memref<512xf32, #tpu.memory_space<vmem>>
    %dma_wait3A_872 = arith.constant 7168 : i32
    %dma_wait3A_873 = tpu.memref_slice %arg5[%dma_wait3A_872] : memref<13312xi32, #tpu.memory_space<vmem>> -> memref<512xi32, #tpu.memory_space<vmem>>
    %dma_wait3A_874 = arith.constant 560000 : i32
    %dma_wait3A_875 = tpu.memref_slice %arg8[%dma_wait3A_874] : memref<688128xf32, #tpu.memory_space<vmem_shared>> -> memref<40000xf32, #tpu.memory_space<vmem_shared>>
    %dma_wait3A_876 = arith.constant 0 : i32
    %dma_wait3A_877 = tpu.memref_slice %dma_wait3A_875[%dma_wait3A_876] : memref<40000xf32, #tpu.memory_space<vmem_shared>> -> memref<40000xf32, #tpu.memory_space<vmem_shared>>
    tpu.wait_indirect_dma semaphore(%arg10 : memref<!tpu.dma_semaphore, #tpu.memory_space<semaphore_mem>>) src(%dma_wait3A_877 : memref<40000xf32, #tpu.memory_space<vmem_shared>>) dst(%dma_wait3A_871 : memref<512xf32, #tpu.memory_space<vmem>>)
    %dma_wait3A_878 = arith.constant 7680 : i32
    %dma_wait3A_879 = tpu.memref_slice %arg6[%dma_wait3A_878] : memref<13312xf32, #tpu.memory_space<vmem>> -> memref<512xf32, #tpu.memory_space<vmem>>
    %dma_wait3A_880 = arith.constant 7680 : i32
    %dma_wait3A_881 = tpu.memref_slice %arg5[%dma_wait3A_880] : memref<13312xi32, #tpu.memory_space<vmem>> -> memref<512xi32, #tpu.memory_space<vmem>>
    %dma_wait3A_882 = arith.constant 600000 : i32
    %dma_wait3A_883 = tpu.memref_slice %arg8[%dma_wait3A_882] : memref<688128xf32, #tpu.memory_space<vmem_shared>> -> memref<40000xf32, #tpu.memory_space<vmem_shared>>
    %dma_wait3A_884 = arith.constant 0 : i32
    %dma_wait3A_885 = tpu.memref_slice %dma_wait3A_883[%dma_wait3A_884] : memref<40000xf32, #tpu.memory_space<vmem_shared>> -> memref<40000xf32, #tpu.memory_space<vmem_shared>>
    tpu.wait_indirect_dma semaphore(%arg10 : memref<!tpu.dma_semaphore, #tpu.memory_space<semaphore_mem>>) src(%dma_wait3A_885 : memref<40000xf32, #tpu.memory_space<vmem_shared>>) dst(%dma_wait3A_879 : memref<512xf32, #tpu.memory_space<vmem>>)
    %dma_wait3A_886 = arith.constant 8192 : i32
    %dma_wait3A_887 = tpu.memref_slice %arg6[%dma_wait3A_886] : memref<13312xf32, #tpu.memory_space<vmem>> -> memref<512xf32, #tpu.memory_space<vmem>>
    %dma_wait3A_888 = arith.constant 8192 : i32
    %dma_wait3A_889 = tpu.memref_slice %arg5[%dma_wait3A_888] : memref<13312xi32, #tpu.memory_space<vmem>> -> memref<512xi32, #tpu.memory_space<vmem>>
    %dma_wait3A_890 = arith.constant 640000 : i32
    %dma_wait3A_891 = tpu.memref_slice %arg8[%dma_wait3A_890] : memref<688128xf32, #tpu.memory_space<vmem_shared>> -> memref<40000xf32, #tpu.memory_space<vmem_shared>>
    %dma_wait3A_892 = arith.constant 0 : i32
    %dma_wait3A_893 = tpu.memref_slice %dma_wait3A_891[%dma_wait3A_892] : memref<40000xf32, #tpu.memory_space<vmem_shared>> -> memref<40000xf32, #tpu.memory_space<vmem_shared>>
    tpu.wait_indirect_dma semaphore(%arg10 : memref<!tpu.dma_semaphore, #tpu.memory_space<semaphore_mem>>) src(%dma_wait3A_893 : memref<40000xf32, #tpu.memory_space<vmem_shared>>) dst(%dma_wait3A_887 : memref<512xf32, #tpu.memory_space<vmem>>)
    %dma_wait3A_894 = arith.constant 8704 : i32
    %dma_wait3A_895 = tpu.memref_slice %arg6[%dma_wait3A_894] : memref<13312xf32, #tpu.memory_space<vmem>> -> memref<512xf32, #tpu.memory_space<vmem>>
    %dma_wait3A_896 = arith.constant 8704 : i32
    %dma_wait3A_897 = tpu.memref_slice %arg5[%dma_wait3A_896] : memref<13312xi32, #tpu.memory_space<vmem>> -> memref<512xi32, #tpu.memory_space<vmem>>
    %dma_wait3A_898 = arith.constant 680000 : i32
    %dma_wait3A_899 = tpu.memref_slice %arg3[%dma_wait3A_898] : memref<1040384xf32, #tpu.memory_space<hbm>> -> memref<40000xf32, #tpu.memory_space<hbm>>
    %dma_wait3A_900 = arith.constant 0 : i32
    %dma_wait3A_901 = tpu.memref_slice %dma_wait3A_899[%dma_wait3A_900] : memref<40000xf32, #tpu.memory_space<hbm>> -> memref<40000xf32, #tpu.memory_space<hbm>>
    tpu.wait_indirect_dma semaphore(%arg11 : memref<!tpu.dma_semaphore, #tpu.memory_space<semaphore_mem>>) src(%dma_wait3A_901 : memref<40000xf32, #tpu.memory_space<hbm>>) dst(%dma_wait3A_895 : memref<512xf32, #tpu.memory_space<vmem>>)
    %dma_wait3A_902 = arith.constant 9216 : i32
    %dma_wait3A_903 = tpu.memref_slice %arg6[%dma_wait3A_902] : memref<13312xf32, #tpu.memory_space<vmem>> -> memref<512xf32, #tpu.memory_space<vmem>>
    %dma_wait3A_904 = arith.constant 9216 : i32
    %dma_wait3A_905 = tpu.memref_slice %arg5[%dma_wait3A_904] : memref<13312xi32, #tpu.memory_space<vmem>> -> memref<512xi32, #tpu.memory_space<vmem>>
    %dma_wait3A_906 = arith.constant 720000 : i32
    %dma_wait3A_907 = tpu.memref_slice %arg3[%dma_wait3A_906] : memref<1040384xf32, #tpu.memory_space<hbm>> -> memref<40000xf32, #tpu.memory_space<hbm>>
    %dma_wait3A_908 = arith.constant 0 : i32
    %dma_wait3A_909 = tpu.memref_slice %dma_wait3A_907[%dma_wait3A_908] : memref<40000xf32, #tpu.memory_space<hbm>> -> memref<40000xf32, #tpu.memory_space<hbm>>
    tpu.wait_indirect_dma semaphore(%arg11 : memref<!tpu.dma_semaphore, #tpu.memory_space<semaphore_mem>>) src(%dma_wait3A_909 : memref<40000xf32, #tpu.memory_space<hbm>>) dst(%dma_wait3A_903 : memref<512xf32, #tpu.memory_space<vmem>>)
    %dma_wait3A_910 = arith.constant 9728 : i32
    %dma_wait3A_911 = tpu.memref_slice %arg6[%dma_wait3A_910] : memref<13312xf32, #tpu.memory_space<vmem>> -> memref<512xf32, #tpu.memory_space<vmem>>
    %dma_wait3A_912 = arith.constant 9728 : i32
    %dma_wait3A_913 = tpu.memref_slice %arg5[%dma_wait3A_912] : memref<13312xi32, #tpu.memory_space<vmem>> -> memref<512xi32, #tpu.memory_space<vmem>>
    %dma_wait3A_914 = arith.constant 760000 : i32
    %dma_wait3A_915 = tpu.memref_slice %arg3[%dma_wait3A_914] : memref<1040384xf32, #tpu.memory_space<hbm>> -> memref<40000xf32, #tpu.memory_space<hbm>>
    %dma_wait3A_916 = arith.constant 0 : i32
    %dma_wait3A_917 = tpu.memref_slice %dma_wait3A_915[%dma_wait3A_916] : memref<40000xf32, #tpu.memory_space<hbm>> -> memref<40000xf32, #tpu.memory_space<hbm>>
    tpu.wait_indirect_dma semaphore(%arg11 : memref<!tpu.dma_semaphore, #tpu.memory_space<semaphore_mem>>) src(%dma_wait3A_917 : memref<40000xf32, #tpu.memory_space<hbm>>) dst(%dma_wait3A_911 : memref<512xf32, #tpu.memory_space<vmem>>)
    %dma_wait3A_918 = arith.constant 10240 : i32
    %dma_wait3A_919 = tpu.memref_slice %arg6[%dma_wait3A_918] : memref<13312xf32, #tpu.memory_space<vmem>> -> memref<512xf32, #tpu.memory_space<vmem>>
    %dma_wait3A_920 = arith.constant 10240 : i32
    %dma_wait3A_921 = tpu.memref_slice %arg5[%dma_wait3A_920] : memref<13312xi32, #tpu.memory_space<vmem>> -> memref<512xi32, #tpu.memory_space<vmem>>
    %dma_wait3A_922 = arith.constant 800000 : i32
    %dma_wait3A_923 = tpu.memref_slice %arg3[%dma_wait3A_922] : memref<1040384xf32, #tpu.memory_space<hbm>> -> memref<40000xf32, #tpu.memory_space<hbm>>
    %dma_wait3A_924 = arith.constant 0 : i32
    %dma_wait3A_925 = tpu.memref_slice %dma_wait3A_923[%dma_wait3A_924] : memref<40000xf32, #tpu.memory_space<hbm>> -> memref<40000xf32, #tpu.memory_space<hbm>>
    tpu.wait_indirect_dma semaphore(%arg11 : memref<!tpu.dma_semaphore, #tpu.memory_space<semaphore_mem>>) src(%dma_wait3A_925 : memref<40000xf32, #tpu.memory_space<hbm>>) dst(%dma_wait3A_919 : memref<512xf32, #tpu.memory_space<vmem>>)
    %dma_wait3A_926 = arith.constant 10752 : i32
    %dma_wait3A_927 = tpu.memref_slice %arg6[%dma_wait3A_926] : memref<13312xf32, #tpu.memory_space<vmem>> -> memref<512xf32, #tpu.memory_space<vmem>>
    %dma_wait3A_928 = arith.constant 10752 : i32
    %dma_wait3A_929 = tpu.memref_slice %arg5[%dma_wait3A_928] : memref<13312xi32, #tpu.memory_space<vmem>> -> memref<512xi32, #tpu.memory_space<vmem>>
    %dma_wait3A_930 = arith.constant 840000 : i32
    %dma_wait3A_931 = tpu.memref_slice %arg3[%dma_wait3A_930] : memref<1040384xf32, #tpu.memory_space<hbm>> -> memref<40000xf32, #tpu.memory_space<hbm>>
    %dma_wait3A_932 = arith.constant 0 : i32
    %dma_wait3A_933 = tpu.memref_slice %dma_wait3A_931[%dma_wait3A_932] : memref<40000xf32, #tpu.memory_space<hbm>> -> memref<40000xf32, #tpu.memory_space<hbm>>
    tpu.wait_indirect_dma semaphore(%arg11 : memref<!tpu.dma_semaphore, #tpu.memory_space<semaphore_mem>>) src(%dma_wait3A_933 : memref<40000xf32, #tpu.memory_space<hbm>>) dst(%dma_wait3A_927 : memref<512xf32, #tpu.memory_space<vmem>>)
    %dma_wait3A_934 = arith.constant 11264 : i32
    %dma_wait3A_935 = tpu.memref_slice %arg6[%dma_wait3A_934] : memref<13312xf32, #tpu.memory_space<vmem>> -> memref<512xf32, #tpu.memory_space<vmem>>
    %dma_wait3A_936 = arith.constant 11264 : i32
    %dma_wait3A_937 = tpu.memref_slice %arg5[%dma_wait3A_936] : memref<13312xi32, #tpu.memory_space<vmem>> -> memref<512xi32, #tpu.memory_space<vmem>>
    %dma_wait3A_938 = arith.constant 880000 : i32
    %dma_wait3A_939 = tpu.memref_slice %arg3[%dma_wait3A_938] : memref<1040384xf32, #tpu.memory_space<hbm>> -> memref<40000xf32, #tpu.memory_space<hbm>>
    %dma_wait3A_940 = arith.constant 0 : i32
    %dma_wait3A_941 = tpu.memref_slice %dma_wait3A_939[%dma_wait3A_940] : memref<40000xf32, #tpu.memory_space<hbm>> -> memref<40000xf32, #tpu.memory_space<hbm>>
    tpu.wait_indirect_dma semaphore(%arg11 : memref<!tpu.dma_semaphore, #tpu.memory_space<semaphore_mem>>) src(%dma_wait3A_941 : memref<40000xf32, #tpu.memory_space<hbm>>) dst(%dma_wait3A_935 : memref<512xf32, #tpu.memory_space<vmem>>)
    %dma_wait3A_942 = arith.constant 11776 : i32
    %dma_wait3A_943 = tpu.memref_slice %arg6[%dma_wait3A_942] : memref<13312xf32, #tpu.memory_space<vmem>> -> memref<512xf32, #tpu.memory_space<vmem>>
    %dma_wait3A_944 = arith.constant 11776 : i32
    %dma_wait3A_945 = tpu.memref_slice %arg5[%dma_wait3A_944] : memref<13312xi32, #tpu.memory_space<vmem>> -> memref<512xi32, #tpu.memory_space<vmem>>
    %dma_wait3A_946 = arith.constant 920000 : i32
    %dma_wait3A_947 = tpu.memref_slice %arg3[%dma_wait3A_946] : memref<1040384xf32, #tpu.memory_space<hbm>> -> memref<40000xf32, #tpu.memory_space<hbm>>
    %dma_wait3A_948 = arith.constant 0 : i32
    %dma_wait3A_949 = tpu.memref_slice %dma_wait3A_947[%dma_wait3A_948] : memref<40000xf32, #tpu.memory_space<hbm>> -> memref<40000xf32, #tpu.memory_space<hbm>>
    tpu.wait_indirect_dma semaphore(%arg11 : memref<!tpu.dma_semaphore, #tpu.memory_space<semaphore_mem>>) src(%dma_wait3A_949 : memref<40000xf32, #tpu.memory_space<hbm>>) dst(%dma_wait3A_943 : memref<512xf32, #tpu.memory_space<vmem>>)
    %dma_wait3A_950 = arith.constant 12288 : i32
    %dma_wait3A_951 = tpu.memref_slice %arg6[%dma_wait3A_950] : memref<13312xf32, #tpu.memory_space<vmem>> -> memref<512xf32, #tpu.memory_space<vmem>>
    %dma_wait3A_952 = arith.constant 12288 : i32
    %dma_wait3A_953 = tpu.memref_slice %arg5[%dma_wait3A_952] : memref<13312xi32, #tpu.memory_space<vmem>> -> memref<512xi32, #tpu.memory_space<vmem>>
    %dma_wait3A_954 = arith.constant 960000 : i32
    %dma_wait3A_955 = tpu.memref_slice %arg3[%dma_wait3A_954] : memref<1040384xf32, #tpu.memory_space<hbm>> -> memref<40000xf32, #tpu.memory_space<hbm>>
    %dma_wait3A_956 = arith.constant 0 : i32
    %dma_wait3A_957 = tpu.memref_slice %dma_wait3A_955[%dma_wait3A_956] : memref<40000xf32, #tpu.memory_space<hbm>> -> memref<40000xf32, #tpu.memory_space<hbm>>
    tpu.wait_indirect_dma semaphore(%arg11 : memref<!tpu.dma_semaphore, #tpu.memory_space<semaphore_mem>>) src(%dma_wait3A_957 : memref<40000xf32, #tpu.memory_space<hbm>>) dst(%dma_wait3A_951 : memref<512xf32, #tpu.memory_space<vmem>>)
    %dma_wait3A_958 = arith.constant 12800 : i32
    %dma_wait3A_959 = tpu.memref_slice %arg6[%dma_wait3A_958] : memref<13312xf32, #tpu.memory_space<vmem>> -> memref<512xf32, #tpu.memory_space<vmem>>
    %dma_wait3A_960 = arith.constant 12800 : i32
    %dma_wait3A_961 = tpu.memref_slice %arg5[%dma_wait3A_960] : memref<13312xi32, #tpu.memory_space<vmem>> -> memref<512xi32, #tpu.memory_space<vmem>>
    %dma_wait3A_962 = arith.constant 1000000 : i32
    %dma_wait3A_963 = tpu.memref_slice %arg3[%dma_wait3A_962] : memref<1040384xf32, #tpu.memory_space<hbm>> -> memref<40000xf32, #tpu.memory_space<hbm>>
    %dma_wait3A_964 = arith.constant 0 : i32
    %dma_wait3A_965 = tpu.memref_slice %dma_wait3A_963[%dma_wait3A_964] : memref<40000xf32, #tpu.memory_space<hbm>> -> memref<40000xf32, #tpu.memory_space<hbm>>
    tpu.wait_indirect_dma semaphore(%arg11 : memref<!tpu.dma_semaphore, #tpu.memory_space<semaphore_mem>>) src(%dma_wait3A_965 : memref<40000xf32, #tpu.memory_space<hbm>>) dst(%dma_wait3A_959 : memref<512xf32, #tpu.memory_space<vmem>>)
    %scan3A = arith.constant 0 : i32
    %scan3A_966 = arith.constant 0 : i32
    %scan3A_967 = arith.constant 32 : i32
    %scan3A_968 = arith.addi %scan3A_966, %scan3A_967 : i32
    %scan3A_969 = arith.constant 1 : i32
    %scan3A_970 = scf.for %scan3A_972 = %scan3A_966 to %scan3A_968 step %scan3A_969 iter_args(%scan3A_973 = %scan3A) -> (i32)  : i32 {
      %mul3A_974 = arith.constant 16 : i32
      %mul3A_975 = arith.muli %scan3A_972, %mul3A_974 : i32
      %get3A = arith.index_cast %mul3A_975 : i32 to index
      %get3A_976 = tpu.vector_load %arg6[%get3A] {strides = array<i32>} : memref<13312xf32, #tpu.memory_space<vmem>>, vector<16xf32>,
      %add3A_977 = arith.constant 512 : i32
      %add3A_978 = arith.addi %add3A_977, %mul3A_975 : i32
      %get3A_979 = arith.index_cast %add3A_978 : i32 to index
      %get3A_980 = tpu.vector_load %arg6[%get3A_979] {strides = array<i32>} : memref<13312xf32, #tpu.memory_space<vmem>>, vector<16xf32>,
      %add3A_981 = arith.addf %get3A_976, %get3A_980 : vector<16xf32>
      %add3A_982 = arith.constant 1024 : i32
      %add3A_983 = arith.addi %add3A_982, %mul3A_975 : i32
      %get3A_984 = arith.index_cast %add3A_983 : i32 to index
      %get3A_985 = tpu.vector_load %arg6[%get3A_984] {strides = array<i32>} : memref<13312xf32, #tpu.memory_space<vmem>>, vector<16xf32>,
      %add3A_986 = arith.addf %add3A_981, %get3A_985 : vector<16xf32>
      %add3A_987 = arith.constant 1536 : i32
      %add3A_988 = arith.addi %add3A_987, %mul3A_975 : i32
      %get3A_989 = arith.index_cast %add3A_988 : i32 to index
      %get3A_990 = tpu.vector_load %arg6[%get3A_989] {strides = array<i32>} : memref<13312xf32, #tpu.memory_space<vmem>>, vector<16xf32>,
      %add3A_991 = arith.addf %add3A_986, %get3A_990 : vector<16xf32>
      %add3A_992 = arith.constant 2048 : i32
      %add3A_993 = arith.addi %add3A_992, %mul3A_975 : i32
      %get3A_994 = arith.index_cast %add3A_993 : i32 to index
      %get3A_995 = tpu.vector_load %arg6[%get3A_994] {strides = array<i32>} : memref<13312xf32, #tpu.memory_space<vmem>>, vector<16xf32>,
      %add3A_996 = arith.addf %add3A_991, %get3A_995 : vector<16xf32>
      %add3A_997 = arith.constant 2560 : i32
      %add3A_998 = arith.addi %add3A_997, %mul3A_975 : i32
      %get3A_999 = arith.index_cast %add3A_998 : i32 to index
      %get3A_1000 = tpu.vector_load %arg6[%get3A_999] {strides = array<i32>} : memref<13312xf32, #tpu.memory_space<vmem>>, vector<16xf32>,
      %add3A_1001 = arith.addf %add3A_996, %get3A_1000 : vector<16xf32>
      %add3A_1002 = arith.constant 3072 : i32
      %add3A_1003 = arith.addi %add3A_1002, %mul3A_975 : i32
      %get3A_1004 = arith.index_cast %add3A_1003 : i32 to index
      %get3A_1005 = tpu.vector_load %arg6[%get3A_1004] {strides = array<i32>} : memref<13312xf32, #tpu.memory_space<vmem>>, vector<16xf32>,
      %add3A_1006 = arith.addf %add3A_1001, %get3A_1005 : vector<16xf32>
      %add3A_1007 = arith.constant 3584 : i32
      %add3A_1008 = arith.addi %add3A_1007, %mul3A_975 : i32
      %get3A_1009 = arith.index_cast %add3A_1008 : i32 to index
      %get3A_1010 = tpu.vector_load %arg6[%get3A_1009] {strides = array<i32>} : memref<13312xf32, #tpu.memory_space<vmem>>, vector<16xf32>,
      %add3A_1011 = arith.addf %add3A_1006, %get3A_1010 : vector<16xf32>
      %add3A_1012 = arith.constant 4096 : i32
      %add3A_1013 = arith.addi %add3A_1012, %mul3A_975 : i32
      %get3A_1014 = arith.index_cast %add3A_1013 : i32 to index
      %get3A_1015 = tpu.vector_load %arg6[%get3A_1014] {strides = array<i32>} : memref<13312xf32, #tpu.memory_space<vmem>>, vector<16xf32>,
      %add3A_1016 = arith.addf %add3A_1011, %get3A_1015 : vector<16xf32>
      %add3A_1017 = arith.constant 4608 : i32
      %add3A_1018 = arith.addi %add3A_1017, %mul3A_975 : i32
      %get3A_1019 = arith.index_cast %add3A_1018 : i32 to index
      %get3A_1020 = tpu.vector_load %arg6[%get3A_1019] {strides = array<i32>} : memref<13312xf32, #tpu.memory_space<vmem>>, vector<16xf32>,
      %add3A_1021 = arith.addf %add3A_1016, %get3A_1020 : vector<16xf32>
      %add3A_1022 = arith.constant 5120 : i32
      %add3A_1023 = arith.addi %add3A_1022, %mul3A_975 : i32
      %get3A_1024 = arith.index_cast %add3A_1023 : i32 to index
      %get3A_1025 = tpu.vector_load %arg6[%get3A_1024] {strides = array<i32>} : memref<13312xf32, #tpu.memory_space<vmem>>, vector<16xf32>,
      %add3A_1026 = arith.addf %add3A_1021, %get3A_1025 : vector<16xf32>
      %add3A_1027 = arith.constant 5632 : i32
      %add3A_1028 = arith.addi %add3A_1027, %mul3A_975 : i32
      %get3A_1029 = arith.index_cast %add3A_1028 : i32 to index
      %get3A_1030 = tpu.vector_load %arg6[%get3A_1029] {strides = array<i32>} : memref<13312xf32, #tpu.memory_space<vmem>>, vector<16xf32>,
      %add3A_1031 = arith.addf %add3A_1026, %get3A_1030 : vector<16xf32>
      %add3A_1032 = arith.constant 6144 : i32
      %add3A_1033 = arith.addi %add3A_1032, %mul3A_975 : i32
      %get3A_1034 = arith.index_cast %add3A_1033 : i32 to index
      %get3A_1035 = tpu.vector_load %arg6[%get3A_1034] {strides = array<i32>} : memref<13312xf32, #tpu.memory_space<vmem>>, vector<16xf32>,
      %add3A_1036 = arith.addf %add3A_1031, %get3A_1035 : vector<16xf32>
      %add3A_1037 = arith.constant 6656 : i32
      %add3A_1038 = arith.addi %add3A_1037, %mul3A_975 : i32
      %get3A_1039 = arith.index_cast %add3A_1038 : i32 to index
      %get3A_1040 = tpu.vector_load %arg6[%get3A_1039] {strides = array<i32>} : memref<13312xf32, #tpu.memory_space<vmem>>, vector<16xf32>,
      %add3A_1041 = arith.addf %add3A_1036, %get3A_1040 : vector<16xf32>
      %add3A_1042 = arith.constant 7168 : i32
      %add3A_1043 = arith.addi %add3A_1042, %mul3A_975 : i32
      %get3A_1044 = arith.index_cast %add3A_1043 : i32 to index
      %get3A_1045 = tpu.vector_load %arg6[%get3A_1044] {strides = array<i32>} : memref<13312xf32, #tpu.memory_space<vmem>>, vector<16xf32>,
      %add3A_1046 = arith.addf %add3A_1041, %get3A_1045 : vector<16xf32>
      %add3A_1047 = arith.constant 7680 : i32
      %add3A_1048 = arith.addi %add3A_1047, %mul3A_975 : i32
      %get3A_1049 = arith.index_cast %add3A_1048 : i32 to index
      %get3A_1050 = tpu.vector_load %arg6[%get3A_1049] {strides = array<i32>} : memref<13312xf32, #tpu.memory_space<vmem>>, vector<16xf32>,
      %add3A_1051 = arith.addf %add3A_1046, %get3A_1050 : vector<16xf32>
      %add3A_1052 = arith.constant 8192 : i32
      %add3A_1053 = arith.addi %add3A_1052, %mul3A_975 : i32
      %get3A_1054 = arith.index_cast %add3A_1053 : i32 to index
      %get3A_1055 = tpu.vector_load %arg6[%get3A_1054] {strides = array<i32>} : memref<13312xf32, #tpu.memory_space<vmem>>, vector<16xf32>,
      %add3A_1056 = arith.addf %add3A_1051, %get3A_1055 : vector<16xf32>
      %add3A_1057 = arith.constant 8704 : i32
      %add3A_1058 = arith.addi %add3A_1057, %mul3A_975 : i32
      %get3A_1059 = arith.index_cast %add3A_1058 : i32 to index
      %get3A_1060 = tpu.vector_load %arg6[%get3A_1059] {strides = array<i32>} : memref<13312xf32, #tpu.memory_space<vmem>>, vector<16xf32>,
      %add3A_1061 = arith.addf %add3A_1056, %get3A_1060 : vector<16xf32>
      %add3A_1062 = arith.constant 9216 : i32
      %add3A_1063 = arith.addi %add3A_1062, %mul3A_975 : i32
      %get3A_1064 = arith.index_cast %add3A_1063 : i32 to index
      %get3A_1065 = tpu.vector_load %arg6[%get3A_1064] {strides = array<i32>} : memref<13312xf32, #tpu.memory_space<vmem>>, vector<16xf32>,
      %add3A_1066 = arith.addf %add3A_1061, %get3A_1065 : vector<16xf32>
      %add3A_1067 = arith.constant 9728 : i32
      %add3A_1068 = arith.addi %add3A_1067, %mul3A_975 : i32
      %get3A_1069 = arith.index_cast %add3A_1068 : i32 to index
      %get3A_1070 = tpu.vector_load %arg6[%get3A_1069] {strides = array<i32>} : memref<13312xf32, #tpu.memory_space<vmem>>, vector<16xf32>,
      %add3A_1071 = arith.addf %add3A_1066, %get3A_1070 : vector<16xf32>
      %add3A_1072 = arith.constant 10240 : i32
      %add3A_1073 = arith.addi %add3A_1072, %mul3A_975 : i32
      %get3A_1074 = arith.index_cast %add3A_1073 : i32 to index
      %get3A_1075 = tpu.vector_load %arg6[%get3A_1074] {strides = array<i32>} : memref<13312xf32, #tpu.memory_space<vmem>>, vector<16xf32>,
      %add3A_1076 = arith.addf %add3A_1071, %get3A_1075 : vector<16xf32>
      %add3A_1077 = arith.constant 10752 : i32
      %add3A_1078 = arith.addi %add3A_1077, %mul3A_975 : i32
      %get3A_1079 = arith.index_cast %add3A_1078 : i32 to index
      %get3A_1080 = tpu.vector_load %arg6[%get3A_1079] {strides = array<i32>} : memref<13312xf32, #tpu.memory_space<vmem>>, vector<16xf32>,
      %add3A_1081 = arith.addf %add3A_1076, %get3A_1080 : vector<16xf32>
      %add3A_1082 = arith.constant 11264 : i32
      %add3A_1083 = arith.addi %add3A_1082, %mul3A_975 : i32
      %get3A_1084 = arith.index_cast %add3A_1083 : i32 to index
      %get3A_1085 = tpu.vector_load %arg6[%get3A_1084] {strides = array<i32>} : memref<13312xf32, #tpu.memory_space<vmem>>, vector<16xf32>,
      %add3A_1086 = arith.addf %add3A_1081, %get3A_1085 : vector<16xf32>
      %add3A_1087 = arith.constant 11776 : i32
      %add3A_1088 = arith.addi %add3A_1087, %mul3A_975 : i32
      %get3A_1089 = arith.index_cast %add3A_1088 : i32 to index
      %get3A_1090 = tpu.vector_load %arg6[%get3A_1089] {strides = array<i32>} : memref<13312xf32, #tpu.memory_space<vmem>>, vector<16xf32>,
      %add3A_1091 = arith.addf %add3A_1086, %get3A_1090 : vector<16xf32>
      %add3A_1092 = arith.constant 12288 : i32
      %add3A_1093 = arith.addi %add3A_1092, %mul3A_975 : i32
      %get3A_1094 = arith.index_cast %add3A_1093 : i32 to index
      %get3A_1095 = tpu.vector_load %arg6[%get3A_1094] {strides = array<i32>} : memref<13312xf32, #tpu.memory_space<vmem>>, vector<16xf32>,
      %add3A_1096 = arith.addf %add3A_1091, %get3A_1095 : vector<16xf32>
      %add3A_1097 = arith.constant 12800 : i32
      %add3A_1098 = arith.addi %add3A_1097, %mul3A_975 : i32
      %get3A_1099 = arith.index_cast %add3A_1098 : i32 to index
      %get3A_1100 = tpu.vector_load %arg6[%get3A_1099] {strides = array<i32>} : memref<13312xf32, #tpu.memory_space<vmem>>, vector<16xf32>,
      %add3A_1101 = arith.addf %add3A_1096, %get3A_1100 : vector<16xf32>
      %swap3A = arith.index_cast %mul3A_975 : i32 to index
      %swap3A_1102 = tpu.vector_load %arg7[%swap3A] {strides = array<i32>} : memref<512xf32, #tpu.memory_space<vmem>>, vector<16xf32>,
      tpu.vector_store %arg7[%swap3A], %add3A_1101 {strides = array<i32>} : memref<512xf32, #tpu.memory_space<vmem>>, vector<16xf32>,
      %scan3A_1103 = arith.constant 0 : i32
      scf.yield %scan3A_1103 : i32
    }
    %scan3A_971 = arith.constant 32 : i32
    "tpu.region"() ({
      %run_scoped3A = tpu.sem_alloc : memref<!tpu.dma_semaphore, #tpu.memory_space<semaphore_mem>>
      %dma_start3A_972 = tpu.memref_slice %arg4[%mul3A_2] : memref<16384xf32, #tpu.memory_space<hbm>> -> memref<512xf32, #tpu.memory_space<hbm>>
      %dma_start3A_973 = tpu.memref_slice %arg4[%mul3A_2] : memref<16384xf32, #tpu.memory_space<hbm>> -> memref<512xf32, #tpu.memory_space<hbm>>
      tpu.enqueue_dma source(%arg7 : memref<512xf32, #tpu.memory_space<vmem>>) target(%dma_start3A_973 : memref<512xf32, #tpu.memory_space<hbm>>) target_semaphore(%run_scoped3A : memref<!tpu.dma_semaphore, #tpu.memory_space<semaphore_mem>>)
      %dma_wait3A_974 = tpu.memref_slice %arg4[%mul3A_2] : memref<16384xf32, #tpu.memory_space<hbm>> -> memref<512xf32, #tpu.memory_space<hbm>>
      %dma_wait3A_975 = tpu.memref_slice %arg4[%mul3A_2] : memref<16384xf32, #tpu.memory_space<hbm>> -> memref<512xf32, #tpu.memory_space<hbm>>
      tpu.wait_dma2 semaphore(%run_scoped3A : memref<!tpu.dma_semaphore, #tpu.memory_space<semaphore_mem>>) src(%arg7 : memref<512xf32, #tpu.memory_space<vmem>>) dst(%dma_wait3A_975 : memref<512xf32, #tpu.memory_space<hbm>>)
      tpu.yield
    }) : () -> ()
    return
  }
}

</mosaic_0001>

<sc_bundles>
// kernel: _fmlinear.3.cloned.1.call-start
scs
__scs_entry_jumppad:
0x0: {  	(pc) =	sbr.rel $0x88, $3  }
0x1: {  	(tag) =	ssettag $0x0;
	lr =	simm.s32 $0x1  }
0x2: {  	[smem:$0x3F9F] =	sst lr;
	_ =	strace $0xD0000000  }
0x3: {  	_ = 	snop  }
0x4: {  	_ = 	snop  }
0x5: {  	_ = 	snop  }
0x6: {  	_ = 	snop  }
0x7: {  	_ = 	snop  }
__scs_overlays_trampoline_lowered:
0x8: {  	[smem:$0x3FAE] =	sst s0  }
0x9: {  	[smem:$0x3FAF] =	sst s1  }
0xa: {  	[smem:$0x3FB0] =	sst s2  }
0xb: {  	[smem:$0x3FB1] =	sst s3  }
0xc: {  	[smem:$0x3FB2] =	sst s4  }
0xd: {  	[smem:$0x3FB3] =	sst s5  }
0xe: {  	[smem:$0x3FB4] =	sst s6  }
0xf: {  	[smem:$0x3FB5] =	sst s7  }
0x10: {  	[smem:$0x3FB6] =	sst s8  }
0x11: {  	[smem:$0x3FB7] =	sst s9;
	s0 =	simm.s32 @!p0 $0x0  }
0x12: {  	s1 =	sld [smem:$0x3F9D];
	s0 =	simm.s32 @p0 $0x1  }
0x13: {  	[smem:$0x3FB8] =	sst s0;
	s0 =	simm.s32 @!p1 $0x0  }
0x14: {  	s2 =	sld [smem:$0x3F9C];
	s0 =	simm.s32 @p1 $0x1  }
0x15: {  	[smem:$0x3FB9] =	sst s0;
	s0 =	simm.s32 @!p2 $0x0  }
0x16: {  	s3 =	sld [smem:$0x3FDB];
	s0 =	simm.s32 @p2 $0x1  }
0x17: {  	s4 =	simm.s32 $0x1BF5;
	[smem:$0x3FBB] =	sst s0  }
0x18: {  	s0 =	sld [smem:$0x3F9E];
	_ =	swait.ge [sflag:s4], $0x0  }
0x19: {  	s7 =	sld [smem:$0x3F9F]  }
0x1a: {  	s8 =	sadd.s32 $0xFFFFE003, lr  }
0x1b: {  	s9 =	sadd.s32 $0xFFFFFEF7, lr;
	s5 =	simm.s32 $0xFFFFFFFF;
	p2 =	slt.u32 s8, $0xFFFFF086  }
0x1c: {  	p1 =	slt.u32 s9, $0xF7A;
	s5 =	simm.s32 @!p2 $0x0  }
0x1d: {  	s5 =	simm.s32 @p1 $0x1;
	p0 =	seq.s32 s7, s2  }
0x1e: {  	s7 =	smul.u32 @!p0 $0xF7A, s2;
	p2 =	seq.s32 @!p0 s5, $0x0  }
0x1f: {  	s9 =	smul.u32 $0xF7A, s1;
	s8 =	simm.s32 @!p0 $0x1BF5;
	p2 =	por !p2, p0  }
0x20: {  	[sflag:s8] =	ssyncset.s32 @!p0 $0xFFFFF086;
	s6 =	sadd.s32 @!p0 s3, s7;
	s7 =	simm.s32 @!p0 $0x108  }
0x21: {  	s3 =	sadd.s32 s3, s9;
	s6 =	sadd.s32 @!p0 $0x88, s6;
	s7 =	simm.s32 @p2 $0x1082  }
0x22: {  	[simem:s7], [sflag:s8] =	dma.local @!p0 [hbm:s6], $0xF7A  }
0x23: {  	s9 =	sor.u32 $0xD0000000, s2;
	s6 =	simm.s32 $0x108;
	_ =	swait.ge @!p0 [sflag:s8], $0x0  }
0x24: {  	s3 =	sadd.s32 $0x88, s3;
	s6 =	simm.s32 @!p1 $0x1082;
	[sflag:s4] =	ssyncset.s32 $0xFFFFF086  }
0x25: {  	[simem:s6], [sflag:s4] =	dma.local [hbm:s3], $0xF7A  }
0x26: {  	[smem:$0x3F9F] =	sst s1;
	(tag) =	ssettag s2;
	_ =	strace s9  }
0x27: {  	s1 =	sld [smem:$0x3FAF]  }
0x28: {  	s2 =	sld [smem:$0x3FB0]  }
0x29: {  	s4 =	sld [smem:$0x3FB2]  }
0x2a: {  	p0 =	seq.s32 s5, $0x0;
	s5 =	sld [smem:$0x3FB3]  }
0x2b: {  	s6 =	sld [smem:$0x3FB4]  }
0x2c: {  	s7 =	sld [smem:$0x3FB5]  }
0x2d: {  	s3 =	simm.s32 $0x108;
	s8 =	sld [smem:$0x3FB6]  }
0x2e: {  	s3 =	simm.s32 @!p0 $0x1082;
	s9 =	sld [smem:$0x3FB7]  }
0x2f: {  	lr =	sadd.s32 s0, s3;
	s0 =	sld [smem:$0x3FAE]  }
0x30: {  	s3 =	sld [smem:$0x3FB1]  }
0x31: {  	[smem:$0x3FBA] =	sst s10  }
0x32: {  	s10 =	sld [smem:$0x3FB8];
	_ =	sdelay $0x3  }
0x33: {  	p0 =	seq.s32 s10, $0x1;
	s10 =	sld [smem:$0x3FBA];
	_ =	sdelay $0x3  }
0x34: {  	[smem:$0x3FBA] =	sst s10  }
0x35: {  	s10 =	sld [smem:$0x3FB9];
	_ =	sdelay $0x3  }
0x36: {  	p1 =	seq.s32 s10, $0x1;
	s10 =	sld [smem:$0x3FBA];
	_ =	sdelay $0x3  }
0x37: {  	[smem:$0x3FBA] =	sst s10  }
0x38: {  	s10 =	sld [smem:$0x3FBB]  }
0x39: {  	_ = 	snop;
	(pc) =	sbr.ind lr, $3  }
0x3a: {  	_ = 	snop  }
0x3b: {  	_ = 	snop  }
0x3c: {  	p2 =	seq.s32 s10, $0x1;
	s10 =	sld [smem:$0x3FBA]  }
0x3d: {  	_ =	shalt  }
0x3e: {  	_ =	shalt  }
0x3f: {  	_ =	shalt  }
0x40: {  	_ =	shalt  }
0x41: {  	_ =	shalt  }
0x42: {  	_ =	shalt  }
0x43: {  	_ =	shalt  }
0x44: {  	_ =	shalt  }
0x45: {  	_ =	shalt  }
0x46: {  	_ =	shalt  }
0x47: {  	_ =	shalt  }
0x48: {  	_ =	shalt  }
0x49: {  	_ =	shalt  }
0x4a: {  	_ =	shalt  }
0x4b: {  	_ =	shalt  }
0x4c: {  	_ =	shalt  }
0x4d: {  	_ =	shalt  }
0x4e: {  	_ =	shalt  }
0x4f: {  	_ =	shalt  }
0x50: {  	_ =	shalt  }
0x51: {  	_ =	shalt  }
0x52: {  	_ =	shalt  }
0x53: {  	_ =	shalt  }
0x54: {  	_ =	shalt  }
0x55: {  	_ =	shalt  }
0x56: {  	_ =	shalt  }
0x57: {  	_ =	shalt  }
0x58: {  	_ =	shalt  }
0x59: {  	_ =	shalt  }
0x5a: {  	_ =	shalt  }
0x5b: {  	_ =	shalt  }
0x5c: {  	_ =	shalt  }
0x5d: {  	_ =	shalt  }
0x5e: {  	_ =	shalt  }
0x5f: {  	_ =	shalt  }
0x60: {  	_ =	shalt  }
0x61: {  	_ =	shalt  }
0x62: {  	_ =	shalt  }
0x63: {  	_ =	shalt  }
0x64: {  	_ =	shalt  }
0x65: {  	_ =	shalt  }
0x66: {  	_ =	shalt  }
0x67: {  	_ =	shalt  }
0x68: {  	_ =	shalt  }
0x69: {  	_ =	shalt  }
0x6a: {  	_ =	shalt  }
0x6b: {  	_ =	shalt  }
0x6c: {  	_ =	shalt  }
0x6d: {  	_ =	shalt  }
0x6e: {  	_ =	shalt  }
0x6f: {  	_ =	shalt  }
0x70: {  	_ =	shalt  }
0x71: {  	_ =	shalt  }
0x72: {  	_ =	shalt  }
0x73: {  	_ =	shalt  }
0x74: {  	_ =	shalt  }
0x75: {  	_ =	shalt  }
0x76: {  	_ =	shalt  }
0x77: {  	_ =	shalt  }
0x78: {  	_ =	shalt  }
0x79: {  	_ =	shalt  }
0x7a: {  	_ =	shalt  }
0x7b: {  	_ =	shalt  }
0x7c: {  	_ =	shalt  }
0x7d: {  	_ =	shalt  }
0x7e: {  	_ =	shalt  }
0x7f: {  	_ =	shalt  }
0x80: {  	_ =	shalt  }
0x81: {  	_ =	shalt  }
0x82: {  	_ =	shalt  }
0x83: {  	_ =	shalt  }
0x84: {  	_ =	shalt  }
0x85: {  	_ =	shalt  }
0x86: {  	_ =	shalt  }
0x87: {  	_ =	shalt  }
.Lfunc_end0:
.L_simem_size_0:
called_computation_lowered:
.L_overlay_start_0:
0x88: {  	s2 =	sld [smem:$0x3FD9]  }
0x89: {  	s3 =	sld [smem:$0x3FFE];
	_ =	sdelay $0x1  }
0x8a: {  	s1 =	srdreg.scid  }
0x8b: {  	s0 =	sand.u32 $0x1, s1  }
0x8c: {  	s18 =	sshll.u32 s0, $0xA;
	s2 =	sadd.s32 s3, s2  }
0x8d: {  	s2 =	sadd.s32 s2, s18  }
0x8e: {  	[smem:$0x3FC6] =	sst s2  }
0x8f: {  	_ = 	snop  }
0x90: {  	s2 =	sld [smem:$0x3FC9]  }
0x91: {  	s19 =	sld [smem:$0x3FC8]  }
0x92: {  	s4 =	sld [smem:$0x3FD0];
	(tm) =	ssettm $0x1  }
0x93: {  	s5 =	sld [smem:$0x3FFB];
	_ =	sdelay $0x3  }
0x94: {  	_ =	strace s5  }
0x95: {  	s5 =	sld [smem:$0x3FFC];
	_ =	sdelay $0x3  }
0x96: {  	_ =	strace s5  }
0x97: {  	s5 =	sld [smem:$0x3FFD];
	_ =	sdelay $0x3  }
0x98: {  	_ =	strace s5  }
0x99: {  	_ =	strace $0x8FFFFFFF  }
0x9a: {  	s20 =	sld [smem:$0x3FDB];
	_ =	sdelay $0x1  }
0x9b: {  	s6 =	simm.s32 $_scs_section_size  }
0x9c: {  	s7 =	simm.s32 $_size__tile_overlayer_lowered;
	s8 =	simm.s32 $_tile_overlayer_lowered  }
0x9d: {  	s23 =	simm.s32 $0x1BFF;
	s22 =	sshll.u32 s8, $0x1;
	s5 =	sadd.s32 s6, s20  }
0x9e: {  	s9 =	simm.s32 $0x0;
	s21 =	sshll.u32 s7, $0x1;
	s7 =	sadd.s32 s22, s5  }
0x9f: {  	[timem:s9], [sflag:s23] =	dma.local [hbm:s7], s21  }
0xa0: {  	_ =	swait.ge [sflag:s23], s21  }
0xa1: {  	s6 =	ssub.s32 $0x0, s21;
	[sflag:s23] =	ssyncset.done $0x0  }
0xa2: {  	[sflag:s23] =	ssyncadd.s32 s6;
	_ =	sdelay $0x1  }
0xa3: {  	s24 =	simm.s32 $0x1B8B  }
0xa4: {  	_ =	swait.ge [sflag:s24], $0x1  }
0xa5: {  	[sflag:s24] =	ssyncset.done $0x0  }
0xa6: {  	s25 =	simm.s32 $0x1B8E;
	[sflag:s24] =	ssyncadd.s32 $0xFFFFFFFF  }
0xa7: {  	s26 =	simm.s32 $execute0_lowered;
	[smem:$0x3FD2] =	sst s25  }
0xa8: {  	s6 =	sshll.u32 s26, $0x1;
	_ =	strace $0x80000046;
	[dreg:$0x1] =	wrdreg $0xFFFFFFFF  }
0xa9: {  	s28 =	simm.s32 $_size_execute0_lowered;
	s5 =	sadd.s32 s5, s6;
	[dreg:$0x0] =	wrdreg $0x0  }
0xaa: {  	s6 =	sshll.u32 s28, $0x1;
	[dreg:$0x2] =	wrdreg s5  }
0xab: {  	[dreg:$0x3] =	wrdreg s6  }
0xac: {  	[dreg:$0x4] =	wrdreg $0xC0  }
0xad: {  	_ =	task [dreg:s9], $0x5FFFF  }
0xae: {  	[dreg:$0x1] =	wrdreg $0xFFFFFFFF  }
0xaf: {  	[dreg:$0x0] =	wrdreg $0x60  }
0xb0: {  	[dreg:$0x2] =	wrdreg s2  }
0xb1: {  	[dreg:$0x3] =	wrdreg s19  }
0xb2: {  	[dreg:$0x4] =	wrdreg s4  }
0xb3: {  	[dreg:$0x5] =	wrdreg $0x6A000  }
0xb4: {  	[dreg:$0x6] =	wrdreg $0x9  }
0xb5: {  	_ =	task.clear_ibuf [dreg:s9], $0x7FFFF;
	_ =	strace $0x90000046  }
0xb6: {  	s29 =	simm.s32 $0x9;
	_ =	strace $0x80000048  }
0xb7: {  	_ =	swait.ge [sflag:s29], $0x1  }
0xb8: {  	[sflag:s29] =	ssyncadd.s32 $0xFFFFFFFF  }
0xb9: {  	_ =	strace $0x90000048  }
0xba: {  	_ =	sfence  }
0xbb: {  	s30 =	sld [smem:$0x0];
	_ =	sdelay $0x2  }
0xbc: {  	s31 =	sshll.u32 s1, $0xD;
	s1 =	sshrl.u32 s1, $0x2  }
0xbd: {  	s3 =	sand.u32 $0x4000, s31;
	s1 =	sadd.s32 s1, s30  }
0xbe: {  	s0 =	sor.u32 s3, s0;
	s1 =	sshll.u32 s1, $0x11  }
0xbf: {  	s0 =	sor.u32 s1, s0  }
0xc0: {  	s0 =	sadd.s32 $0x8F2B, s0  }
0xc1: {  	[sflag:s0] =	ssyncadd.remote.s32 $0x1  }
0xc2: {  	_ =	sfence.sel $0xFFFF  }
0xc3: {  	[dreg:$0x0] =	wrdreg $0xFFFFFFFF;
	(pc) =	sbr.abs _section_cstart, $3  }
0xc4: {  	[dreg:$0x1] =	wrdreg $0xFFFFFFFF  }
0xc5: {  	_ =	task.clear_ibuf [dreg:s9], $0x2FFFF;
	_ =	strace $0x9FFFFFFF  }
0xc6: {  	(tm) =	ssettm $0x7FFFFFFF  }
0xc7: {  	_ =	shalt  }
tec
execute0_lowered:
.L_overlay_start_1:
0x0: {  	(tag) =	ssettag $0x1  }
0x1: {  	s20 =	stileid.u32  }
0x2: {  	p0 =	sgt.s32 s20, $0x3  }
0x3: {  	p2 =	sgt.s32 @p0 s20, $0x5  }
0x4: {  	p1 =	por !p2, !p0  }
0x5: {  	p3 =	seq.s32 @!p1 s20, $0x6  }
0x6: {  	p4 =	por p2, !p0;
	p1 =	por @p0 !p3, !p2  }
0x7: {  	p5 =	sgt.s32 @!p0 s20, $0x1;
	p4 =	seq.s32 @!p4 s20, $0x4;
	s0 =	simm.s32 @!p1 $0x0  }
0x8: {  	s0 =	simm.s32 @p1 $0x1;
	p1 =	por @p0 p3, !p2;
	p3 =	por p5, p0  }
0x9: {  	[smem:$0x7B4] =	sst s0;
	s0 =	simm.s32 @!p1 $0x0;
	p3 =	seq.s32 @!p3 s20, $0x0  }
0xa: {  	s0 =	simm.s32 @p1 $0x1;
	p1 =	por @p0 !p4, p2;
	s23 =	sld [smem:$0x7B4]  }
0xb: {  	p2 =	por @p0 p4, p2;
	[smem:$0x7B5] =	sst s0;
	s0 =	simm.s32 @!p1 $0x0  }
0xc: {  	p6 =	por @!p0 !p3, p5;
	s0 =	simm.s32 @p1 $0x1;
	p1 =	por !p5, p0  }
0xd: {  	p3 =	por @!p0 p3, p5;
	s24 =	sld [smem:$0x7B5];
	p1 =	seq.s32 @!p1 s20, $0x2  }
0xe: {  	p4 =	por @!p0 !p1, !p5;
	p1 =	por @!p0 p1, !p5;
	p5 =	seq.s32 s23, $0x1  }
0xf: {  	p5 =	por p5, !p0  }
0x10: {  	[smem:$0x7B6] =	sst s0;
	s0 =	simm.s32 @!p5 $0x0  }
0x11: {  	s25 =	sld [smem:$0x7B6];
	s0 =	simm.s32 @p5 $0x1;
	p5 =	seq.s32 s24, $0x1  }
0x12: {  	p5 =	por p5, !p0  }
0x13: {  	[smem:$0x7BB] =	sst s0;
	s0 =	simm.s32 @!p5 $0x0  }
0x14: {  	s0 =	simm.s32 @p5 $0x1;
	p5 =	seq.s32 s25, $0x1  }
0x15: {  	p5 =	por p5, !p0  }
0x16: {  	[smem:$0x7BC] =	sst s0;
	s0 =	simm.s32 @!p5 $0x0  }
0x17: {  	p2 =	por p2, !p0;
	s0 =	simm.s32 @p5 $0x1  }
0x18: {  	[smem:$0x7BD] =	sst s0;
	s0 =	simm.s32 @!p2 $0x0  }
0x19: {  	p4 =	por p4, p0;
	s0 =	simm.s32 @p2 $0x1  }
0x1a: {  	[smem:$0x7BE] =	sst s0;
	s0 =	simm.s32 @!p4 $0x0  }
0x1b: {  	p6 =	por p6, p0;
	p1 =	por p1, p0;
	s0 =	simm.s32 @p4 $0x1  }
0x1c: {  	p2 =	sgt.s32 s20, $0xB;
	[smem:$0x7BF] =	sst s0;
	s0 =	simm.s32 @!p1 $0x0  }
0x1d: {  	p0 =	por p3, p0;
	s0 =	simm.s32 @p1 $0x1;
	p1 =	sgt.s32 @p2 s20, $0xD  }
0x1e: {  	[smem:$0x7C0] =	sst s0;
	p4 =	por !p1, !p2;
	s0 =	simm.s32 @!p0 $0x0  }
0x1f: {  	s0 =	simm.s32 @p0 $0x1;
	p0 =	seq.s32 @!p4 s20, $0xE  }
0x20: {  	p4 =	por @p2 !p0, !p1  }
0x21: {  	[smem:$0x7C1] =	sst s0;
	s0 =	simm.s32 @!p4 $0x0  }
0x22: {  	p5 =	por p1, !p2;
	p0 =	por @p2 p0, !p1;
	s0 =	simm.s32 @p4 $0x1  }
0x23: {  	p3 =	seq.s32 @!p5 s20, $0xC;
	[smem:$0x7B7] =	sst s0;
	s0 =	simm.s32 @!p0 $0x0  }
0x24: {  	s0 =	simm.s32 @p0 $0x1;
	p0 =	por @p2 !p3, p1  }
0x25: {  	[smem:$0x7B8] =	sst s0;
	s0 =	simm.s32 @!p0 $0x0  }
0x26: {  	s5 =	sld [smem:$0x7B7];
	s0 =	simm.s32 @p0 $0x1;
	p0 =	por @p2 p3, p1  }
0x27: {  	p3 =	sgt.s32 @!p2 s20, $0x9;
	[smem:$0x7B9] =	sst s0;
	s0 =	simm.s32 @!p0 $0x0  }
0x28: {  	p1 =	por p3, p2;
	s0 =	simm.s32 @p0 $0x1;
	p0 =	por !p3, p2  }
0x29: {  	s26 =	rddreg [dreg:$0x0];
	p1 =	seq.s32 @!p1 s20, $0x8;
	p0 =	seq.s32 @!p0 s20, $0xA  }
0x2a: {  	s19 =	sld [smem:$0x7B8];
	p4 =	por @!p2 !p1, p3;
	p5 =	por @!p2 !p0, !p3  }
0x2b: {  	p0 =	por @!p2 p0, !p3;
	p3 =	por @!p2 p1, p3;
	p1 =	seq.s32 s5, $0x1  }
0x2c: {  	s21 =	rddreg [dreg:$0x1];
	p1 =	por p1, !p2  }
0x2d: {  	s1 =	rddreg [dreg:$0x2];
	s5 =	simm.s32 @!p1 $0x0  }
0x2e: {  	s22 =	sld [smem:$0x7B9];
	s5 =	simm.s32 @p1 $0x1;
	p1 =	seq.s32 s19, $0x1  }
0x2f: {  	[smem:$0x7BA] =	sst s0;
	p1 =	por p1, !p2  }
0x30: {  	[smem:$0x7C2] =	sst s5;
	s5 =	simm.s32 @!p1 $0x0  }
0x31: {  	s23 =	sld [smem:$0x7BA];
	s5 =	simm.s32 @p1 $0x1;
	p1 =	seq.s32 s22, $0x1  }
0x32: {  	s3 =	rddreg [dreg:$0x3];
	s2 =	srdreg.scid;
	p1 =	por p1, !p2  }
0x33: {  	s4 =	simm.s32 $0x0;
	[smem:$0x7C3] =	sst s5;
	s5 =	simm.s32 @!p1 $0x0  }
0x34: {  	s2 =	sand.u32 $0x1, s2;
	s5 =	simm.s32 @p1 $0x1;
	p1 =	seq.s32 s23, $0x1  }
0x35: {  	[smem:$0x7FF] =	sst s4;
	s6 =	sadd.s32 $0x13B00, s21;
	p1 =	por p1, !p2  }
0x36: {  	s7 =	sadd.s32 $0x12600, s21;
	[smem:$0x7C4] =	sst s5;
	s5 =	simm.s32 @!p1 $0x0  }
0x37: {  	s8 =	sadd.s32 $0x11100, s21;
	s18 =	ssub.s32 $0x2, s2;
	s5 =	simm.s32 @p1 $0x1  }
0x38: {  	s2 =	sshll.u32 s2, $0x9;
	s25 =	sshll.u32 s20, $0xA;
	[smem:$0x7C5] =	sst s5  }
0x39: {  	s2 =	sor.u32 s2, s25;
	_ =	strace $0x80000047;
	[dreg:$0x5] =	wrdreg s6  }
0x3a: {  	s24 =	sshrl.u32 s18, $0x1;
	s19 =	sshrl.u32 s2, $0x3;
	[dreg:$0x6] =	wrdreg s7  }
0x3b: {  	s4 =	ssub.s32 s18, s24;
	s1 =	sadd.s32 s1, s19;
	[dreg:$0x7] =	wrdreg s8  }
0x3c: {  	s8 =	sadd.s32 s26, s2;
	[dreg:$0x8] =	wrdreg s1;
	s26 =	smax.u32 s4, $0x1  }
0x3d: {  	[dreg:$0x9] =	wrdreg s26  }
0x3e: {  	s4 =	sld [smem:$0x7BB]  }
0x3f: {  	s19 =	sld [smem:$0x7BC]  }
0x40: {  	s22 =	sld [smem:$0x7BD]  }
0x41: {  	s23 =	sld [smem:$0x7BE]  }
0x42: {  	s24 =	sld [smem:$0x7BF]  }
0x43: {  	s15 =	sadd.s32 $0x3F000, s3;
	p5 =	por p5, p2;
	s25 =	sld [smem:$0x7C0]  }
0x44: {  	p0 =	por p0, p2;
	p1 =	por p4, p2;
	s26 =	sld [smem:$0x7C1]  }
0x45: {  	p2 =	por p3, p2;
	[smem:$0x7E3] =	sst s8;
	p3 =	seq.s32 s4, $0x1  }
0x46: {  	s4 =	sld [smem:$0x7C3];
	s2 =	sshrl.u32 @!p3 s15, $0x3  }
0x47: {  	s14 =	sadd.s32 $0x49800, s3;
	s15 =	sadd.s32 $0xBD00, s21;
	[dreg:$0xa] =	wrdreg s2  }
0x48: {  	p3 =	seq.s32 s19, $0x1;
	s19 =	sadd.s32 $0x6900, s21;
	[dreg:$0x1c] =	wrdreg s15  }
0x49: {  	s2 =	sshrl.u32 @!p3 s14, $0x3;
	[smem:$0x7C6] =	sst s19  }
0x4a: {  	s14 =	sadd.s32 $0xD200, s21;
	[dreg:$0xb] =	wrdreg s2  }
0x4b: {  	p3 =	seq.s32 s22, $0x1;
	s22 =	sadd.s32 $0x3F00, s21;
	[dreg:$0x1b] =	wrdreg s14  }
0x4c: {  	s15 =	sadd.s32 $0x4070, s8;
	[smem:$0x7C8] =	sst s22  }
0x4d: {  	s17 =	sadd.s32 $0x2A000, s3;
	s19 =	sadd.s32 $0x8030, s8;
	[smem:$0x7D9] =	sst s15  }
0x4e: {  	s2 =	sshrl.u32 @!p3 s17, $0x3;
	[smem:$0x7DD] =	sst s19  }
0x4f: {  	s17 =	sadd.s32 $0x9300, s21;
	[dreg:$0xc] =	wrdreg s2  }
0x50: {  	p3 =	seq.s32 s23, $0x1;
	s23 =	sadd.s32 $0x2A00, s21;
	[dreg:$0x1e] =	wrdreg s17  }
0x51: {  	s14 =	sadd.s32 $0x4060, s8;
	[smem:$0x7C9] =	sst s23  }
0x52: {  	s22 =	sadd.s32 $0x8050, s8;
	[smem:$0x7D8] =	sst s14  }
0x53: {  	s15 =	sadd.s32 $0x30D40, s3;
	[smem:$0x7DF] =	sst s22  }
0x54: {  	s16 =	sadd.s32 $0x34800, s3;
	s19 =	sadd.s32 $0x57E40, s3;
	[smem:$0x7F2] =	sst s15  }
0x55: {  	s2 =	sshrl.u32 @!p3 s16, $0x3;
	[smem:$0x7F6] =	sst s19  }
0x56: {  	[dreg:$0xd] =	wrdreg s2  }
0x57: {  	s16 =	sadd.s32 $0xA800, s21;
	s2 =	sld [smem:$0x7C2]  }
0x58: {  	p3 =	seq.s32 s24, $0x1;
	s24 =	sadd.s32 $0x1500, s21;
	[dreg:$0x1d] =	wrdreg s16  }
0x59: {  	s17 =	sadd.s32 $0x8010, s8;
	[smem:$0x7CA] =	sst s24  }
0x5a: {  	s23 =	sadd.s32 $0x8060, s8;
	[smem:$0x7DB] =	sst s17  }
0x5b: {  	s14 =	sadd.s32 $0x27100, s3;
	[smem:$0x7E0] =	sst s23  }
0x5c: {  	s0 =	sadd.s32 $0x15000, s3;
	s22 =	sadd.s32 $0x75300, s3;
	[smem:$0x7F1] =	sst s14  }
0x5d: {  	s0 =	sshrl.u32 @!p3 s0, $0x3;
	[smem:$0x7F9] =	sst s22  }
0x5e: {  	p3 =	seq.s32 s25, $0x1;
	s25 =	sadd.s32 $0x10, s8;
	[dreg:$0xe] =	wrdreg s0  }
0x5f: {  	s16 =	sadd.s32 $0x8000, s8;
	[smem:$0x7CB] =	sst s25  }
0x60: {  	s24 =	sadd.s32 $0x8070, s8;
	[smem:$0x7DA] =	sst s16  }
0x61: {  	s17 =	sadd.s32 $0x445C0, s3;
	[smem:$0x7E1] =	sst s24  }
0x62: {  	s18 =	sadd.s32 $0x1F800, s3;
	s23 =	sadd.s32 $0x7EF40, s3;
	[smem:$0x7F4] =	sst s17  }
0x63: {  	s0 =	sshrl.u32 @!p3 s18, $0x3;
	[smem:$0x7FA] =	sst s23  }
0x64: {  	s18 =	sadd.s32 $0x7E00, s21;
	[dreg:$0xf] =	wrdreg s0  }
0x65: {  	p3 =	seq.s32 s26, $0x1;
	s26 =	sadd.s32 $0x20, s8;
	[dreg:$0x1f] =	wrdreg s18  }
0x66: {  	s25 =	sadd.s32 $0xC000, s8;
	[smem:$0x7CC] =	sst s26  }
0x67: {  	s16 =	sadd.s32 $0x3A980, s3;
	[smem:$0x7E2] =	sst s25  }
0x68: {  	s1 =	sadd.s32 $0xA800, s3;
	s24 =	sadd.s32 $0x88B80, s3;
	[smem:$0x7F3] =	sst s16  }
0x69: {  	s0 =	sshrl.u32 @!p3 s1, $0x3;
	[smem:$0x7FB] =	sst s24  }
0x6a: {  	s1 =	sadd.s32 $0x30, s8;
	[dreg:$0x10] =	wrdreg s0  }
0x6b: {  	s18 =	sadd.s32 $0x8020, s8;
	[smem:$0x7CD] =	sst s1  }
0x6c: {  	s26 =	sadd.s32 $0xC010, s8;
	[smem:$0x7DC] =	sst s18  }
0x6d: {  	s25 =	sadd.s32 $0x927C0, s3;
	[smem:$0x7E4] =	sst s26  }
0x6e: {  	s6 =	sadd.s32 $0x93000, s3;
	p3 =	seq.s32 s2, $0x1;
	[smem:$0x7FC] =	sst s25  }
0x6f: {  	s2 =	sadd.s32 $0x40, s8;
	s0 =	sshrl.u32 @!p3 s6, $0x3;
	s6 =	sld [smem:$0x7C4]  }
0x70: {  	s1 =	sadd.s32 $0x14C08, s21;
	[smem:$0x7CE] =	sst s2  }
0x71: {  	s18 =	sadd.s32 $0x4E200, s3;
	[smem:$0x7E5] =	sst s1  }
0x72: {  	s26 =	sadd.s32 $0x9C400, s3;
	[smem:$0x7F5] =	sst s18  }
0x73: {  	[smem:$0x7FD] =	sst s26  }
0x74: {  	p3 =	seq.s32 s4, $0x1;
	s4 =	sadd.s32 $0x50, s8;
	[dreg:$0x11] =	wrdreg s0  }
0x75: {  	s5 =	sadd.s32 $0x9D800, s3;
	s2 =	sadd.s32 $0x15F90, s21;
	[smem:$0x7CF] =	sst s4  }
0x76: {  	s0 =	sshrl.u32 @!p3 s5, $0x3;
	[smem:$0x7E6] =	sst s2  }
0x77: {  	s5 =	sadd.s32 $0x60, s8;
	[dreg:$0x12] =	wrdreg s0  }
0x78: {  	s4 =	sadd.s32 $0x17318, s21;
	[smem:$0x7D0] =	sst s5  }
0x79: {  	s31 =	simm.s32 $0x3;
	[smem:$0x7E7] =	sst s4;
	s5 =	sadd.s32 $0x186A0, s21  }
0x7a: {  	s9 =	sadd.s32 $0x7E000, s3;
	p3 =	seq.s32 s6, $0x1;
	[smem:$0x7E8] =	sst s5  }
0x7b: {  	s6 =	sadd.s32 $0x70, s8;
	s0 =	sshrl.u32 @!p3 s9, $0x3;
	s9 =	sld [smem:$0x7C5]  }
0x7c: {  	s28 =	simm.s32 $0x2400;
	s29 =	simm.s32 $0x2800;
	[smem:$0x7D1] =	sst s6  }
0x7d: {  	s7 =	sadd.s32 $0x88800, s3;
	s6 =	sadd.s32 $0x19A28, s21;
	[dreg:$0x13] =	wrdreg s0  }
0x7e: {  	[smem:$0x7E9] =	sst s6;
	p3 =	seq.s32 s9, $0x1;
	s9 =	sadd.s32 $0x4010, s8  }
0x7f: {  	s30 =	simm.s32 $0x2C00;
	s0 =	sshrl.u32 @!p3 s7, $0x3;
	[smem:$0x7D3] =	sst s9  }
0x80: {  	p3 =	sgt.s32 s20, $0x7;
	s20 =	sadd.s32 $0x5400, s21;
	[dreg:$0x14] =	wrdreg s0  }
0x81: {  	s10 =	sadd.s32 $0x73800, s3;
	s7 =	sadd.s32 $0x4000, s8;
	[smem:$0x7C7] =	sst s20  }
0x82: {  	s11 =	sadd.s32 $0x69000, s3;
	s9 =	sadd.s32 $0x1D4C0, s21;
	[smem:$0x7D2] =	sst s7  }
0x83: {  	s12 =	sadd.s32 $0x5E800, s3;
	s0 =	sshrl.u32 @!p5 s11, $0x3;
	[smem:$0x7EC] =	sst s9  }
0x84: {  	s13 =	sadd.s32 $0x54000, s3;
	s11 =	sadd.s32 $0x4030, s8;
	[dreg:$0x15] =	wrdreg s0  }
0x85: {  	s15 =	simm.s32 $0x0;
	s20 =	sadd.s32 $0x8040, s8;
	[smem:$0x7D5] =	sst s11  }
0x86: {  	s19 =	simm.s32 $0x1200;
	s7 =	sadd.s32 $0x1ADB0, s21;
	[smem:$0x7DE] =	sst s20  }
0x87: {  	s22 =	simm.s32 $0x1800;
	s0 =	sshrl.u32 @!p0 s10, $0x3;
	[smem:$0x7EA] =	sst s7  }
0x88: {  	s17 =	simm.s32 $0xE00;
	s10 =	sadd.s32 $0x4020, s8;
	[dreg:$0x16] =	wrdreg s0  }
0x89: {  	s23 =	simm.s32 $0x1A00;
	s11 =	sadd.s32 $0x9C40, s3;
	[smem:$0x7D4] =	sst s10  }
0x8a: {  	s16 =	simm.s32 $0xC00;
	s20 =	sadd.s32 $0x61A80, s3;
	[smem:$0x7EE] =	sst s11  }
0x8b: {  	s24 =	simm.s32 $0x1C00;
	s0 =	sshrl.u32 @!p1 s13, $0x3;
	[smem:$0x7F7] =	sst s20  }
0x8c: {  	s25 =	simm.s32 $0x1E00;
	s13 =	sadd.s32 $0xE700, s21;
	[dreg:$0x17] =	wrdreg s0  }
0x8d: {  	s1 =	simm.s32 $0x2;
	s10 =	sadd.s32 $0x1E848, s21;
	[dreg:$0x1a] =	wrdreg s13  }
0x8e: {  	s18 =	simm.s32 $0x1000;
	s0 =	sshrl.u32 @!p2 s12, $0x3;
	[smem:$0x7ED] =	sst s10  }
0x8f: {  	s26 =	simm.s32 $0x2000;
	s12 =	sadd.s32 $0xFC00, s21;
	[dreg:$0x18] =	wrdreg s0  }
0x90: {  	s4 =	simm.s32 $0x80;
	s13 =	sadd.s32 $0x4050, s8;
	[dreg:$0x19] =	wrdreg s12  }
0x91: {  	s5 =	simm.s32 $0x400;
	s12 =	sadd.s32 $0x4040, s8;
	[smem:$0x7D7] =	sst s13  }
0x92: {  	s6 =	simm.s32 $0x200;
	s8 =	sadd.s32 $0x1C138, s21;
	[smem:$0x7D6] =	sst s12  }
0x93: {  	s9 =	simm.s32 $0x2E00;
	s13 =	sadd.s32 $0x1D4C0, s3;
	[smem:$0x7EB] =	sst s8  }
0x94: {  	s11 =	simm.s32 $0x1;
	s21 =	sadd.s32 $0x6B6C0, s3;
	[smem:$0x7F0] =	sst s13  }
0x95: {  	s20 =	simm.s32 $0x1400;
	s12 =	sadd.s32 $0x13880, s3;
	[smem:$0x7F8] =	sst s21  }
0x96: {  	s21 =	simm.s32 $0x1600;
	s8 =	simm.s32 $0x2A00;
	[smem:$0x7EF] =	sst s12  }
.LBB2_1:
.Ltmp0:
0x97: {  	(pc) =	sbr.rel @p3 .LBB2_3-.Ltmp0, $1  }
0x98: {  	_ =	sdelay $0x3  }
0x99: {  	s0 =	sld [smem:$0x7BB];
	_ =	sdelay $0x2  }
0x9a: {  	s10 =	rddreg [dreg:$0xa];
	p4 =	seq.s32 s0, $0x1  }
0x9b: {  	s12 =	rddreg [dreg:$0x1f];
	s0 =	simm.s32 @!p4 $0x1D84  }
0x9c: {  	[spmem:s10], [sflag:s0] =	dma.local @!p4 [hbm:s12], $0x1500  }
0x9d: {  	s0 =	sld [smem:$0x7BC];
	_ =	sdelay $0x2  }
0x9e: {  	s10 =	rddreg [dreg:$0xb];
	p4 =	seq.s32 s0, $0x1  }
0x9f: {  	s12 =	rddreg [dreg:$0x1e];
	s0 =	simm.s32 @!p4 $0x1DC4  }
0xa0: {  	[spmem:s10], [sflag:s0] =	dma.local @!p4 [hbm:s12], $0x1500  }
0xa1: {  	s0 =	sld [smem:$0x7BD];
	_ =	sdelay $0x1  }
0xa2: {  	s12 =	sld [smem:$0x7C7]  }
0xa3: {  	p4 =	seq.s32 s0, $0x1  }
0xa4: {  	s10 =	rddreg [dreg:$0xc];
	s0 =	simm.s32 @!p4 $0x1D04  }
0xa5: {  	[spmem:s10], [sflag:s0] =	dma.local @!p4 [hbm:s12], $0x1500  }
0xa6: {  	s0 =	sld [smem:$0x7BE];
	_ =	sdelay $0x1  }
0xa7: {  	s12 =	sld [smem:$0x7C6]  }
0xa8: {  	p4 =	seq.s32 s0, $0x1  }
0xa9: {  	s10 =	rddreg [dreg:$0xd];
	s0 =	simm.s32 @!p4 $0x1D44  }
0xaa: {  	[spmem:s10], [sflag:s0] =	dma.local @!p4 [hbm:s12], $0x1500  }
0xab: {  	s0 =	sld [smem:$0x7BF];
	_ =	sdelay $0x1  }
0xac: {  	s12 =	sld [smem:$0x7C9]  }
0xad: {  	p4 =	seq.s32 s0, $0x1  }
0xae: {  	s10 =	rddreg [dreg:$0xe];
	s0 =	simm.s32 @!p4 $0x1C84  }
0xaf: {  	[spmem:s10], [sflag:s0] =	dma.local @!p4 [hbm:s12], $0x1500  }
0xb0: {  	s0 =	sld [smem:$0x7C0];
	_ =	sdelay $0x1  }
0xb1: {  	s12 =	sld [smem:$0x7C8]  }
0xb2: {  	p4 =	seq.s32 s0, $0x1  }
0xb3: {  	s10 =	rddreg [dreg:$0xf];
	s0 =	simm.s32 @!p4 $0x1CC4  }
0xb4: {  	[spmem:s10], [sflag:s0] =	dma.local @!p4 [hbm:s12], $0x1500  }
0xb5: {  	s0 =	sshrl.u32 @!p6 s3, $0x3;
	s10 =	simm.s32 @!p6 $0x1C04;
	s12 =	rddreg [dreg:$0x1]  }
0xb6: {  	[spmem:s0], [sflag:s10] =	dma.local @!p6 [hbm:s12], $0x1500  }
0xb7: {  	s0 =	sld [smem:$0x7C1];
	_ =	sdelay $0x1  }
.Ltmp1:
0xb8: {  	s12 =	sld [smem:$0x7CA];
	(pc) =	sbr.rel .LBB2_4-.Ltmp1, $4  }
0xb9: {  	p4 =	seq.s32 s0, $0x1  }
0xba: {  	s10 =	rddreg [dreg:$0x10];
	s0 =	simm.s32 @!p4 $0x1C44  }
0xbb: {  	[spmem:s10], [sflag:s0] =	dma.local @!p4 [hbm:s12], $0x1500  }
0xbc: {  	s12 =	smov.u32 s3  }
.LBB2_3:
0xbd: {  	s0 =	sld [smem:$0x7C2];
	_ =	sdelay $0x2  }
0xbe: {  	s10 =	rddreg [dreg:$0x6];
	p4 =	seq.s32 s0, $0x1  }
0xbf: {  	s12 =	rddreg [dreg:$0x11];
	s0 =	simm.s32 @!p4 $0x1F84  }
0xc0: {  	[spmem:s12], [sflag:s0] =	dma.local @!p4 [hbm:s10], $0x1500  }
0xc1: {  	s0 =	sld [smem:$0x7C3];
	_ =	sdelay $0x2  }
0xc2: {  	s10 =	rddreg [dreg:$0x5];
	p4 =	seq.s32 s0, $0x1  }
0xc3: {  	s12 =	rddreg [dreg:$0x12];
	s0 =	simm.s32 @!p4 $0x1FC4  }
0xc4: {  	[spmem:s12], [sflag:s0] =	dma.local @!p4 [hbm:s10], $0x1500  }
0xc5: {  	s0 =	sld [smem:$0x7C4];
	_ =	sdelay $0x2  }
0xc6: {  	s10 =	rddreg [dreg:$0x13];
	p4 =	seq.s32 s0, $0x1  }
0xc7: {  	s12 =	rddreg [dreg:$0x19];
	s0 =	simm.s32 @!p4 $0x1F04  }
0xc8: {  	[spmem:s10], [sflag:s0] =	dma.local @!p4 [hbm:s12], $0x1500  }
0xc9: {  	s0 =	sld [smem:$0x7C5];
	_ =	sdelay $0x2  }
0xca: {  	s10 =	rddreg [dreg:$0x7];
	p4 =	seq.s32 s0, $0x1  }
0xcb: {  	s12 =	rddreg [dreg:$0x14];
	s0 =	simm.s32 @!p4 $0x1F44  }
0xcc: {  	[spmem:s12], [sflag:s0] =	dma.local @!p4 [hbm:s10], $0x1500  }
0xcd: {  	s10 =	rddreg [dreg:$0x15]  }
0xce: {  	s0 =	simm.s32 @!p5 $0x1E84;
	s12 =	rddreg [dreg:$0x1b]  }
0xcf: {  	[spmem:s10], [sflag:s0] =	dma.local @!p5 [hbm:s12], $0x1500  }
0xd0: {  	s10 =	rddreg [dreg:$0x16]  }
0xd1: {  	s0 =	simm.s32 @!p0 $0x1EC4;
	s12 =	rddreg [dreg:$0x1a]  }
0xd2: {  	[spmem:s10], [sflag:s0] =	dma.local @!p0 [hbm:s12], $0x1500  }
0xd3: {  	s10 =	rddreg [dreg:$0x17]  }
0xd4: {  	s0 =	simm.s32 @!p1 $0x1E04;
	s12 =	rddreg [dreg:$0x1d]  }
0xd5: {  	[spmem:s10], [sflag:s0] =	dma.local @!p1 [hbm:s12], $0x1500  }
0xd6: {  	s10 =	rddreg [dreg:$0x18]  }
0xd7: {  	s0 =	simm.s32 @!p2 $0x1E44;
	s12 =	rddreg [dreg:$0x1c]  }
0xd8: {  	[spmem:s10], [sflag:s0] =	dma.local @!p2 [hbm:s12], $0x1500  }
0xd9: {  	s12 =	smov.u32 s3  }
.LBB2_4:
0xda: {  	s0 =	sld [smem:$0x7E3];
	_ =	sdelay $0x1  }
0xdb: {  	s2 =	simm.s32 $0x0;
	s13 =	sld [smem:$0x7CB]  }
0xdc: {  	[tilespmem:s2], [sflag:$0x1] =	stream.strided.gather [hbm4b:s0+s4], $0x200, s5, s4, $0x38;
	[tilespmem:$0x11200] =	vst v63  }
0xdd: {  	s14 =	sld [smem:$0x7CC]  }
0xde: {  	[tilespmem:s6], [sflag:$0x1] =	stream.strided.gather [hbm4b:s13+s4], $0x200, s5, s4, $0x38;
	[tilespmem:$0x11200] =	vst v63  }
0xdf: {  	s2 =	sld [smem:$0x7CD]  }
0xe0: {  	[tilespmem:s5], [sflag:$0x1] =	stream.strided.gather [hbm4b:s14+s4], $0x200, s5, s4, $0x38;
	[tilespmem:$0x11200] =	vst v63  }
0xe1: {  	s3 =	simm.s32 $0x600;
	s7 =	sld [smem:$0x7CE]  }
0xe2: {  	[tilespmem:s3], [sflag:$0x1] =	stream.strided.gather [hbm4b:s2+s4], $0x200, s5, s4, $0x38;
	[tilespmem:$0x11200] =	vst v63  }
0xe3: {  	s10 =	sld [smem:$0x7CF];
	s13 =	simm.s32 $0x800  }
0xe4: {  	[tilespmem:s13], [sflag:$0x1] =	stream.strided.gather [hbm4b:s7+s4], $0x200, s5, s4, $0x38;
	[tilespmem:$0x11200] =	vst v63  }
0xe5: {  	s14 =	simm.s32 $0xA00;
	s2 =	sld [smem:$0x7D0]  }
0xe6: {  	[tilespmem:s14], [sflag:$0x1] =	stream.strided.gather [hbm4b:s10+s4], $0x200, s5, s4, $0x38;
	[tilespmem:$0x11200] =	vst v63  }
0xe7: {  	s3 =	sld [smem:$0x7D1]  }
0xe8: {  	[tilespmem:s16], [sflag:$0x1] =	stream.strided.gather [hbm4b:s2+s4], $0x200, s5, s4, $0x38;
	[tilespmem:$0x11200] =	vst v63  }
0xe9: {  	s7 =	sld [smem:$0x7D2]  }
0xea: {  	[tilespmem:s17], [sflag:$0x1] =	stream.strided.gather [hbm4b:s3+s4], $0x200, s5, s4, $0x38;
	[tilespmem:$0x11200] =	vst v63  }
0xeb: {  	s10 =	sld [smem:$0x7D3]  }
0xec: {  	[tilespmem:s18], [sflag:$0x1] =	stream.strided.gather [hbm4b:s7+s4], $0x200, s5, s4, $0x38;
	[tilespmem:$0x11200] =	vst v63  }
0xed: {  	s14 =	sld [smem:$0x7D4]  }
0xee: {  	[tilespmem:s19], [sflag:$0x1] =	stream.strided.gather [hbm4b:s10+s4], $0x200, s5, s4, $0x38;
	[tilespmem:$0x11200] =	vst v63  }
0xef: {  	s2 =	sld [smem:$0x7D5]  }
0xf0: {  	[tilespmem:s20], [sflag:$0x1] =	stream.strided.gather [hbm4b:s14+s4], $0x200, s5, s4, $0x38;
	[tilespmem:$0x11200] =	vst v63  }
0xf1: {  	s3 =	sld [smem:$0x7D6]  }
0xf2: {  	[tilespmem:s21], [sflag:$0x1] =	stream.strided.gather [hbm4b:s2+s4], $0x200, s5, s4, $0x38;
	[tilespmem:$0x11200] =	vst v63  }
0xf3: {  	s7 =	sld [smem:$0x7D7]  }
0xf4: {  	[tilespmem:s22], [sflag:$0x1] =	stream.strided.gather [hbm4b:s3+s4], $0x200, s5, s4, $0x38;
	[tilespmem:$0x11200] =	vst v63  }
0xf5: {  	s10 =	sld [smem:$0x7D8]  }
0xf6: {  	[tilespmem:s23], [sflag:$0x1] =	stream.strided.gather [hbm4b:s7+s4], $0x200, s5, s4, $0x38;
	[tilespmem:$0x11200] =	vst v63  }
0xf7: {  	s14 =	sld [smem:$0x7D9]  }
0xf8: {  	[tilespmem:s24], [sflag:$0x1] =	stream.strided.gather [hbm4b:s10+s4], $0x200, s5, s4, $0x38;
	[tilespmem:$0x11200] =	vst v63  }
0xf9: {  	s2 =	sld [smem:$0x7DA]  }
0xfa: {  	[tilespmem:s25], [sflag:$0x1] =	stream.strided.gather [hbm4b:s14+s4], $0x200, s5, s4, $0x38;
	[tilespmem:$0x11200] =	vst v63  }
0xfb: {  	s3 =	sld [smem:$0x7DB]  }
0xfc: {  	[tilespmem:s26], [sflag:$0x1] =	stream.strided.gather [hbm4b:s2+s4], $0x200, s5, s4, $0x38;
	[tilespmem:$0x11200] =	vst v63  }
0xfd: {  	s7 =	sld [smem:$0x7DC];
	s14 =	simm.s32 $0x2200  }
0xfe: {  	[tilespmem:s14], [sflag:$0x1] =	stream.strided.gather [hbm4b:s3+s4], $0x200, s5, s4, $0x38;
	[tilespmem:$0x11200] =	vst v63  }
0xff: {  	s10 =	sld [smem:$0x7DD]  }
0x100: {  	[tilespmem:s28], [sflag:$0x1] =	stream.strided.gather [hbm4b:s7+s4], $0x200, s5, s4, $0x38;
	[tilespmem:$0x11200] =	vst v63  }
0x101: {  	s2 =	sld [smem:$0x7DE];
	s7 =	simm.s32 $0x2600  }
0x102: {  	[tilespmem:s7], [sflag:$0x1] =	stream.strided.gather [hbm4b:s10+s4], $0x200, s5, s4, $0x38;
	[tilespmem:$0x11200] =	vst v63  }
0x103: {  	s3 =	sld [smem:$0x7DF]  }
0x104: {  	[tilespmem:s29], [sflag:$0x1] =	stream.strided.gather [hbm4b:s2+s4], $0x200, s5, s4, $0x38;
	[tilespmem:$0x11200] =	vst v63  }
0x105: {  	s10 =	sld [smem:$0x7E0]  }
0x106: {  	[tilespmem:s8], [sflag:$0x1] =	stream.strided.gather [hbm4b:s3+s4], $0x200, s5, s4, $0x38;
	[tilespmem:$0x11200] =	vst v63  }
0x107: {  	s2 =	sld [smem:$0x7E1]  }
0x108: {  	[tilespmem:s30], [sflag:$0x1] =	stream.strided.gather [hbm4b:s10+s4], $0x200, s5, s4, $0x38;
	[tilespmem:$0x11200] =	vst v63  }
0x109: {  	s3 =	sld [smem:$0x7E2]  }
0x10a: {  	[tilespmem:s9], [sflag:$0x1] =	stream.strided.gather [hbm4b:s2+s4], $0x200, s5, s4, $0x38;
	[tilespmem:$0x11200] =	vst v63  }
0x10b: {  	s10 =	sld [smem:$0x7E4];
	s2 =	simm.s32 $0x3000  }
0x10c: {  	[tilespmem:s2], [sflag:$0x1] =	stream.strided.gather [hbm4b:s3+s4], $0x200, s5, s4, $0x38;
	[tilespmem:$0x11200] =	vst v63  }
0x10d: {  	s3 =	simm.s32 $0x3200  }
0x10e: {  	[tilespmem:s3], [sflag:$0x1] =	stream.strided.gather [hbm4b:s10+s4], $0x200, s5, s4, $0x38;
	[tilespmem:$0x11200] =	vst v63  }
0x10f: {  	_ =	swait.ge [sflag:s11], $0x200  }
0x110: {  	[sflag:s11] =	ssyncset.done $0x0  }
0x111: {  	[sflag:s11] =	ssyncadd.s32 $0xFFFFFE00  }
0x112: {  	_ =	swait.ge [sflag:s11], $0x200  }
0x113: {  	[sflag:s11] =	ssyncset.done $0x0  }
0x114: {  	[sflag:s11] =	ssyncadd.s32 $0xFFFFFE00  }
0x115: {  	_ =	swait.ge [sflag:s11], $0x200  }
0x116: {  	[sflag:s11] =	ssyncset.done $0x0  }
0x117: {  	[sflag:s11] =	ssyncadd.s32 $0xFFFFFE00  }
0x118: {  	_ =	swait.ge [sflag:s11], $0x200  }
0x119: {  	[sflag:s11] =	ssyncset.done $0x0  }
0x11a: {  	[sflag:s11] =	ssyncadd.s32 $0xFFFFFE00  }
0x11b: {  	_ =	swait.ge [sflag:s11], $0x200  }
0x11c: {  	[sflag:s11] =	ssyncset.done $0x0  }
0x11d: {  	[sflag:s11] =	ssyncadd.s32 $0xFFFFFE00  }
0x11e: {  	_ =	swait.ge [sflag:s11], $0x200  }
0x11f: {  	[sflag:s11] =	ssyncset.done $0x0  }
0x120: {  	[sflag:s11] =	ssyncadd.s32 $0xFFFFFE00  }
0x121: {  	_ =	swait.ge [sflag:s11], $0x200  }
0x122: {  	[sflag:s11] =	ssyncset.done $0x0  }
0x123: {  	[sflag:s11] =	ssyncadd.s32 $0xFFFFFE00  }
0x124: {  	_ =	swait.ge [sflag:s11], $0x200  }
0x125: {  	[sflag:s11] =	ssyncset.done $0x0  }
0x126: {  	[sflag:s11] =	ssyncadd.s32 $0xFFFFFE00  }
0x127: {  	_ =	swait.ge [sflag:s11], $0x200  }
0x128: {  	[sflag:s11] =	ssyncset.done $0x0  }
0x129: {  	[sflag:s11] =	ssyncadd.s32 $0xFFFFFE00  }
0x12a: {  	_ =	swait.ge [sflag:s11], $0x200  }
0x12b: {  	[sflag:s11] =	ssyncset.done $0x0  }
0x12c: {  	[sflag:s11] =	ssyncadd.s32 $0xFFFFFE00  }
0x12d: {  	_ =	swait.ge [sflag:s11], $0x200  }
0x12e: {  	[sflag:s11] =	ssyncset.done $0x0  }
0x12f: {  	[sflag:s11] =	ssyncadd.s32 $0xFFFFFE00  }
0x130: {  	_ =	swait.ge [sflag:s11], $0x200  }
0x131: {  	[sflag:s11] =	ssyncset.done $0x0  }
0x132: {  	[sflag:s11] =	ssyncadd.s32 $0xFFFFFE00  }
0x133: {  	_ =	swait.ge [sflag:s11], $0x200  }
0x134: {  	[sflag:s11] =	ssyncset.done $0x0  }
0x135: {  	[sflag:s11] =	ssyncadd.s32 $0xFFFFFE00  }
0x136: {  	_ =	swait.ge [sflag:s11], $0x200  }
0x137: {  	[sflag:s11] =	ssyncset.done $0x0  }
0x138: {  	[sflag:s11] =	ssyncadd.s32 $0xFFFFFE00  }
0x139: {  	_ =	swait.ge [sflag:s11], $0x200  }
0x13a: {  	[sflag:s11] =	ssyncset.done $0x0  }
0x13b: {  	[sflag:s11] =	ssyncadd.s32 $0xFFFFFE00  }
0x13c: {  	_ =	swait.ge [sflag:s11], $0x200  }
0x13d: {  	[sflag:s11] =	ssyncset.done $0x0  }
0x13e: {  	[sflag:s11] =	ssyncadd.s32 $0xFFFFFE00  }
0x13f: {  	_ =	swait.ge [sflag:s11], $0x200  }
0x140: {  	[sflag:s11] =	ssyncset.done $0x0  }
0x141: {  	[sflag:s11] =	ssyncadd.s32 $0xFFFFFE00  }
0x142: {  	_ =	swait.ge [sflag:s11], $0x200  }
0x143: {  	[sflag:s11] =	ssyncset.done $0x0  }
0x144: {  	[sflag:s11] =	ssyncadd.s32 $0xFFFFFE00  }
0x145: {  	_ =	swait.ge [sflag:s11], $0x200  }
0x146: {  	[sflag:s11] =	ssyncset.done $0x0  }
0x147: {  	[sflag:s11] =	ssyncadd.s32 $0xFFFFFE00  }
0x148: {  	_ =	swait.ge [sflag:s11], $0x200  }
0x149: {  	[sflag:s11] =	ssyncset.done $0x0  }
0x14a: {  	[sflag:s11] =	ssyncadd.s32 $0xFFFFFE00  }
0x14b: {  	_ =	swait.ge [sflag:s11], $0x200  }
0x14c: {  	[sflag:s11] =	ssyncset.done $0x0  }
0x14d: {  	[sflag:s11] =	ssyncadd.s32 $0xFFFFFE00  }
0x14e: {  	_ =	swait.ge [sflag:s11], $0x200  }
0x14f: {  	[sflag:s11] =	ssyncset.done $0x0  }
0x150: {  	[sflag:s11] =	ssyncadd.s32 $0xFFFFFE00  }
0x151: {  	_ =	swait.ge [sflag:s11], $0x200  }
0x152: {  	[sflag:s11] =	ssyncset.done $0x0  }
0x153: {  	[sflag:s11] =	ssyncadd.s32 $0xFFFFFE00  }
0x154: {  	_ =	swait.ge [sflag:s11], $0x200  }
0x155: {  	[sflag:s11] =	ssyncset.done $0x0  }
0x156: {  	[sflag:s11] =	ssyncadd.s32 $0xFFFFFE00  }
0x157: {  	_ =	swait.ge [sflag:s11], $0x200  }
0x158: {  	[sflag:s11] =	ssyncset.done $0x0  }
0x159: {  	[sflag:s11] =	ssyncadd.s32 $0xFFFFFE00  }
0x15a: {  	_ =	swait.ge [sflag:s11], $0x200  }
0x15b: {  	s0 =	sld [smem:$0x7E5]  }
0x15c: {  	[sflag:s11] =	ssyncset.done $0x0  }
0x15d: {  	s10 =	simm.s32 $0x5600;
	[sflag:s11] =	ssyncadd.s32 $0xFFFFFE00  }
0x15e: {  	[tilespmem:s10], [sflag:$0x3] =	stream.indirect.gather [hbm4b:s0+s6], $0x1, s14, s6, $0xb8;
	[tilespmem:$0x11200] =	vst v63  }
0x15f: {  	s10 =	sld [smem:$0x7E6];
	_ =	sdelay $0x1  }
0x160: {  	s14 =	simm.s32 $0x5800  }
0x161: {  	[tilespmem:s14], [sflag:$0x3] =	stream.indirect.gather [hbm4b:s10+s6], $0x1, s28, s6, $0xb8;
	[tilespmem:$0x11200] =	vst v63  }
0x162: {  	s10 =	sld [smem:$0x7E7];
	_ =	sdelay $0x1  }
0x163: {  	s14 =	simm.s32 $0x5A00  }
0x164: {  	[tilespmem:s14], [sflag:$0x3] =	stream.indirect.gather [hbm4b:s10+s6], $0x1, s7, s6, $0xb8;
	[tilespmem:$0x11200] =	vst v63  }
0x165: {  	s10 =	sld [smem:$0x7E8];
	_ =	sdelay $0x1  }
0x166: {  	s14 =	simm.s32 $0x5C00  }
0x167: {  	[tilespmem:s14], [sflag:$0x3] =	stream.indirect.gather [hbm4b:s10+s6], $0x1, s29, s6, $0xb8;
	[tilespmem:$0x11200] =	vst v63  }
0x168: {  	s10 =	sld [smem:$0x7E9];
	_ =	sdelay $0x1  }
0x169: {  	s14 =	simm.s32 $0x5E00  }
0x16a: {  	[tilespmem:s14], [sflag:$0x3] =	stream.indirect.gather [hbm4b:s10+s6], $0x1, s8, s6, $0xb8;
	[tilespmem:$0x11200] =	vst v63  }
0x16b: {  	s10 =	sld [smem:$0x7EA];
	_ =	sdelay $0x1  }
0x16c: {  	s14 =	simm.s32 $0x6000  }
0x16d: {  	[tilespmem:s14], [sflag:$0x3] =	stream.indirect.gather [hbm4b:s10+s6], $0x1, s30, s6, $0xb8;
	[tilespmem:$0x11200] =	vst v63  }
0x16e: {  	s10 =	sld [smem:$0x7EB];
	_ =	sdelay $0x1  }
0x16f: {  	s14 =	simm.s32 $0x6200  }
0x170: {  	[tilespmem:s14], [sflag:$0x3] =	stream.indirect.gather [hbm4b:s10+s6], $0x1, s9, s6, $0xb8;
	[tilespmem:$0x11200] =	vst v63  }
0x171: {  	s10 =	sld [smem:$0x7EC];
	_ =	sdelay $0x1  }
0x172: {  	s14 =	simm.s32 $0x6400  }
0x173: {  	[tilespmem:s14], [sflag:$0x3] =	stream.indirect.gather [hbm4b:s10+s6], $0x1, s2, s6, $0xb8;
	[tilespmem:$0x11200] =	vst v63  }
0x174: {  	s10 =	sld [smem:$0x7ED];
	_ =	sdelay $0x1  }
0x175: {  	s14 =	simm.s32 $0x6600  }
0x176: {  	[tilespmem:s14], [sflag:$0x3] =	stream.indirect.gather [hbm4b:s10+s6], $0x1, s3, s6, $0xb8;
	[tilespmem:$0x11200] =	vst v63  }
0x177: {  	s3 =	simm.s32 $0x4  }
0x178: {  	_ =	swait.ge [sflag:s3], $0x1500  }
0x179: {  	[sflag:s3] =	ssyncset.done $0x0  }
0x17a: {  	[sflag:s3] =	ssyncadd.s32 $0xFFFFEB00  }
0x17b: {  	[bflag:$0x0] =	sbarrier.arrive $0xFFFF  }
0x17c: {  	s0 =	simm.s32 $0x3400;
	s3 =	simm.s32 $0x0;
	s7 =	sld [smem:$0x7EE]  }
0x17d: {  	[tilespmem:s0], [sflag:$0x2] =	stream.indirect.gather [spmem:s12], $0x1, s3, s6, $0xb8;
	[tilespmem:$0x11200] =	vst v63  }
0x17e: {  	s10 =	simm.s32 $0x3600  }
0x17f: {  	[tilespmem:s10], [sflag:$0x2] =	stream.indirect.gather [spmem:s7], $0x1, s6, s6, $0xb8;
	[tilespmem:$0x11200] =	vst v63  }
0x180: {  	s7 =	sld [smem:$0x7EF];
	_ =	sdelay $0x1  }
0x181: {  	s2 =	sld [smem:$0x7F0];
	s10 =	simm.s32 $0x3800  }
0x182: {  	[tilespmem:s10], [sflag:$0x2] =	stream.indirect.gather [spmem:s7], $0x1, s5, s6, $0xb8;
	[tilespmem:$0x11200] =	vst v63  }
0x183: {  	s7 =	simm.s32 $0x3A00;
	s10 =	simm.s32 $0x600  }
0x184: {  	[tilespmem:s7], [sflag:$0x2] =	stream.indirect.gather [spmem:s2], $0x1, s10, s6, $0xb8;
	[tilespmem:$0x11200] =	vst v63  }
0x185: {  	s7 =	sld [smem:$0x7F1];
	_ =	sdelay $0x1  }
0x186: {  	s10 =	simm.s32 $0x3C00  }
0x187: {  	[tilespmem:s10], [sflag:$0x2] =	stream.indirect.gather [spmem:s7], $0x1, s13, s6, $0xb8;
	[tilespmem:$0x11200] =	vst v63  }
0x188: {  	s7 =	sld [smem:$0x7F2];
	_ =	sdelay $0x1  }
0x189: {  	s2 =	sld [smem:$0x7F3];
	s10 =	simm.s32 $0x3E00;
	s13 =	simm.s32 $0xA00  }
0x18a: {  	[tilespmem:s10], [sflag:$0x2] =	stream.indirect.gather [spmem:s7], $0x1, s13, s6, $0xb8;
	[tilespmem:$0x11200] =	vst v63  }
0x18b: {  	s7 =	simm.s32 $0x4000;
	s10 =	sld [smem:$0x7F4]  }
0x18c: {  	[tilespmem:s7], [sflag:$0x2] =	stream.indirect.gather [spmem:s2], $0x1, s16, s6, $0xb8;
	[tilespmem:$0x11200] =	vst v63  }
0x18d: {  	s13 =	simm.s32 $0x4200;
	s2 =	sld [smem:$0x7F5]  }
0x18e: {  	[tilespmem:s13], [sflag:$0x2] =	stream.indirect.gather [spmem:s10], $0x1, s17, s6, $0xb8;
	[tilespmem:$0x11200] =	vst v63  }
0x18f: {  	s7 =	simm.s32 $0x4400;
	s10 =	sld [smem:$0x7F6]  }
0x190: {  	[tilespmem:s7], [sflag:$0x2] =	stream.indirect.gather [spmem:s2], $0x1, s18, s6, $0xb8;
	[tilespmem:$0x11200] =	vst v63  }
0x191: {  	s13 =	simm.s32 $0x4600;
	s2 =	sld [smem:$0x7F7]  }
0x192: {  	[tilespmem:s13], [sflag:$0x2] =	stream.indirect.gather [spmem:s10], $0x1, s19, s6, $0xb8;
	[tilespmem:$0x11200] =	vst v63  }
0x193: {  	s7 =	simm.s32 $0x4800;
	s10 =	sld [smem:$0x7F8]  }
0x194: {  	[tilespmem:s7], [sflag:$0x2] =	stream.indirect.gather [spmem:s2], $0x1, s20, s6, $0xb8;
	[tilespmem:$0x11200] =	vst v63  }
0x195: {  	s13 =	simm.s32 $0x4A00;
	s2 =	sld [smem:$0x7F9]  }
0x196: {  	[tilespmem:s13], [sflag:$0x2] =	stream.indirect.gather [spmem:s10], $0x1, s21, s6, $0xb8;
	[tilespmem:$0x11200] =	vst v63  }
0x197: {  	s7 =	simm.s32 $0x4C00;
	s10 =	sld [smem:$0x7FA]  }
0x198: {  	[tilespmem:s7], [sflag:$0x2] =	stream.indirect.gather [spmem:s2], $0x1, s22, s6, $0xb8;
	[tilespmem:$0x11200] =	vst v63  }
0x199: {  	s13 =	simm.s32 $0x4E00;
	s2 =	sld [smem:$0x7FB]  }
0x19a: {  	[tilespmem:s13], [sflag:$0x2] =	stream.indirect.gather [spmem:s10], $0x1, s23, s6, $0xb8;
	[tilespmem:$0x11200] =	vst v63  }
0x19b: {  	s7 =	simm.s32 $0x5000;
	s10 =	sld [smem:$0x7FC]  }
0x19c: {  	[tilespmem:s7], [sflag:$0x2] =	stream.indirect.gather [spmem:s2], $0x1, s24, s6, $0xb8;
	[tilespmem:$0x11200] =	vst v63  }
0x19d: {  	s13 =	simm.s32 $0x5200;
	s7 =	sld [smem:$0x7FD]  }
0x19e: {  	[tilespmem:s13], [sflag:$0x2] =	stream.indirect.gather [spmem:s10], $0x1, s25, s6, $0xb8;
	[tilespmem:$0x11200] =	vst v63  }
0x19f: {  	s10 =	simm.s32 $0x5400  }
0x1a0: {  	[tilespmem:s10], [sflag:$0x2] =	stream.indirect.gather [spmem:s7], $0x1, s26, s6, $0xb8;
	[tilespmem:$0x11200] =	vst v63  }
0x1a1: {  	_ =	swait.ge [sflag:s1], $0x200  }
0x1a2: {  	[sflag:s1] =	ssyncset.done $0x0  }
0x1a3: {  	[sflag:s1] =	ssyncadd.s32 $0xFFFFFE00  }
0x1a4: {  	_ =	swait.ge [sflag:s1], $0x200  }
0x1a5: {  	[sflag:s1] =	ssyncset.done $0x0  }
0x1a6: {  	[sflag:s1] =	ssyncadd.s32 $0xFFFFFE00  }
0x1a7: {  	_ =	swait.ge [sflag:s1], $0x200  }
0x1a8: {  	[sflag:s1] =	ssyncset.done $0x0  }
0x1a9: {  	[sflag:s1] =	ssyncadd.s32 $0xFFFFFE00  }
0x1aa: {  	_ =	swait.ge [sflag:s1], $0x200  }
0x1ab: {  	[sflag:s1] =	ssyncset.done $0x0  }
0x1ac: {  	[sflag:s1] =	ssyncadd.s32 $0xFFFFFE00  }
0x1ad: {  	_ =	swait.ge [sflag:s1], $0x200  }
0x1ae: {  	[sflag:s1] =	ssyncset.done $0x0  }
0x1af: {  	[sflag:s1] =	ssyncadd.s32 $0xFFFFFE00  }
0x1b0: {  	_ =	swait.ge [sflag:s1], $0x200  }
0x1b1: {  	[sflag:s1] =	ssyncset.done $0x0  }
0x1b2: {  	[sflag:s1] =	ssyncadd.s32 $0xFFFFFE00  }
0x1b3: {  	_ =	swait.ge [sflag:s1], $0x200  }
0x1b4: {  	[sflag:s1] =	ssyncset.done $0x0  }
0x1b5: {  	[sflag:s1] =	ssyncadd.s32 $0xFFFFFE00  }
0x1b6: {  	_ =	swait.ge [sflag:s1], $0x200  }
0x1b7: {  	[sflag:s1] =	ssyncset.done $0x0  }
0x1b8: {  	[sflag:s1] =	ssyncadd.s32 $0xFFFFFE00  }
0x1b9: {  	_ =	swait.ge [sflag:s1], $0x200  }
0x1ba: {  	[sflag:s1] =	ssyncset.done $0x0  }
0x1bb: {  	[sflag:s1] =	ssyncadd.s32 $0xFFFFFE00  }
0x1bc: {  	_ =	swait.ge [sflag:s1], $0x200  }
0x1bd: {  	[sflag:s1] =	ssyncset.done $0x0  }
0x1be: {  	[sflag:s1] =	ssyncadd.s32 $0xFFFFFE00  }
0x1bf: {  	_ =	swait.ge [sflag:s1], $0x200  }
0x1c0: {  	[sflag:s1] =	ssyncset.done $0x0  }
0x1c1: {  	[sflag:s1] =	ssyncadd.s32 $0xFFFFFE00  }
0x1c2: {  	_ =	swait.ge [sflag:s1], $0x200  }
0x1c3: {  	[sflag:s1] =	ssyncset.done $0x0  }
0x1c4: {  	[sflag:s1] =	ssyncadd.s32 $0xFFFFFE00  }
0x1c5: {  	_ =	swait.ge [sflag:s1], $0x200  }
0x1c6: {  	[sflag:s1] =	ssyncset.done $0x0  }
0x1c7: {  	[sflag:s1] =	ssyncadd.s32 $0xFFFFFE00  }
0x1c8: {  	_ =	swait.ge [sflag:s1], $0x200  }
0x1c9: {  	[sflag:s1] =	ssyncset.done $0x0  }
0x1ca: {  	[sflag:s1] =	ssyncadd.s32 $0xFFFFFE00  }
0x1cb: {  	_ =	swait.ge [sflag:s1], $0x200  }
0x1cc: {  	[sflag:s1] =	ssyncset.done $0x0  }
0x1cd: {  	[sflag:s1] =	ssyncadd.s32 $0xFFFFFE00  }
0x1ce: {  	_ =	swait.ge [sflag:s1], $0x200  }
0x1cf: {  	[sflag:s1] =	ssyncset.done $0x0  }
0x1d0: {  	[sflag:s1] =	ssyncadd.s32 $0xFFFFFE00  }
0x1d1: {  	_ =	swait.ge [sflag:s1], $0x200  }
0x1d2: {  	[sflag:s1] =	ssyncset.done $0x0  }
0x1d3: {  	[sflag:s1] =	ssyncadd.s32 $0xFFFFFE00  }
0x1d4: {  	_ =	swait.ge [sflag:s31], $0x200  }
0x1d5: {  	[sflag:s31] =	ssyncset.done $0x0  }
0x1d6: {  	[sflag:s31] =	ssyncadd.s32 $0xFFFFFE00  }
0x1d7: {  	_ =	swait.ge [sflag:s31], $0x200  }
0x1d8: {  	[sflag:s31] =	ssyncset.done $0x0  }
0x1d9: {  	[sflag:s31] =	ssyncadd.s32 $0xFFFFFE00  }
0x1da: {  	_ =	swait.ge [sflag:s31], $0x200  }
0x1db: {  	[sflag:s31] =	ssyncset.done $0x0  }
0x1dc: {  	[sflag:s31] =	ssyncadd.s32 $0xFFFFFE00  }
0x1dd: {  	_ =	swait.ge [sflag:s31], $0x200  }
0x1de: {  	[sflag:s31] =	ssyncset.done $0x0  }
0x1df: {  	[sflag:s31] =	ssyncadd.s32 $0xFFFFFE00  }
0x1e0: {  	_ =	swait.ge [sflag:s31], $0x200  }
0x1e1: {  	[sflag:s31] =	ssyncset.done $0x0  }
0x1e2: {  	[sflag:s31] =	ssyncadd.s32 $0xFFFFFE00  }
0x1e3: {  	_ =	swait.ge [sflag:s31], $0x200  }
0x1e4: {  	[sflag:s31] =	ssyncset.done $0x0  }
0x1e5: {  	[sflag:s31] =	ssyncadd.s32 $0xFFFFFE00  }
0x1e6: {  	_ =	swait.ge [sflag:s31], $0x200  }
0x1e7: {  	[sflag:s31] =	ssyncset.done $0x0  }
0x1e8: {  	[sflag:s31] =	ssyncadd.s32 $0xFFFFFE00  }
0x1e9: {  	_ =	swait.ge [sflag:s31], $0x200  }
0x1ea: {  	[sflag:s31] =	ssyncset.done $0x0  }
0x1eb: {  	[sflag:s31] =	ssyncadd.s32 $0xFFFFFE00  }
0x1ec: {  	_ =	swait.ge [sflag:s31], $0x200  }
0x1ed: {  	[sflag:s31] =	ssyncset.done $0x0  }
0x1ee: {  	s14 =	smov.u32 s12;
	s12 =	sand.u32 $0x1F0, s3;
	[sflag:s31] =	ssyncadd.s32 $0xFFFFFE00  }
0x1ef: {  	v0 =	vld [tilespmem:s12+$0x3600]  }
0x1f0: {  	v1 =	vld [tilespmem:s0+$0x0];
	_ =	sdelay $0x1  }
0x1f1: {  	v2 =	vld [tilespmem:s12+$0x3800];
	_ =	sdelay $0x1  }
0x1f2: {  	v3 =	vld [tilespmem:s12+$0x3A00]  }
0x1f3: {  	v0 =	vadd.f32 v0, v1  }
0x1f4: {  	v1 =	vld [tilespmem:s12+$0x3C00]  }
0x1f5: {  	v0 =	vadd.f32 v2, v0  }
0x1f6: {  	v2 =	vld [tilespmem:s12+$0x3E00]  }
0x1f7: {  	v0 =	vadd.f32 v3, v0  }
0x1f8: {  	v3 =	vld [tilespmem:s12+$0x4000]  }
0x1f9: {  	v0 =	vadd.f32 v1, v0  }
0x1fa: {  	v1 =	vld [tilespmem:s12+$0x4200]  }
0x1fb: {  	v0 =	vadd.f32 v2, v0  }
0x1fc: {  	v2 =	vld [tilespmem:s12+$0x4400]  }
0x1fd: {  	v0 =	vadd.f32 v3, v0  }
0x1fe: {  	v3 =	vld [tilespmem:s12+$0x4600]  }
0x1ff: {  	v0 =	vadd.f32 v1, v0  }
0x200: {  	v1 =	vld [tilespmem:s12+$0x4800]  }
0x201: {  	v0 =	vadd.f32 v2, v0  }
0x202: {  	v2 =	vld [tilespmem:s12+$0x4A00]  }
0x203: {  	v0 =	vadd.f32 v3, v0  }
0x204: {  	v3 =	vld [tilespmem:s12+$0x4C00]  }
0x205: {  	v0 =	vadd.f32 v1, v0  }
0x206: {  	v1 =	vld [tilespmem:s12+$0x4E00]  }
0x207: {  	v0 =	vadd.f32 v2, v0  }
0x208: {  	v2 =	vld [tilespmem:s12+$0x5000]  }
0x209: {  	v0 =	vadd.f32 v3, v0  }
0x20a: {  	v3 =	vld [tilespmem:s12+$0x5200]  }
0x20b: {  	v0 =	vadd.f32 v1, v0  }
0x20c: {  	v1 =	vld [tilespmem:s12+$0x5400]  }
0x20d: {  	v0 =	vadd.f32 v2, v0  }
0x20e: {  	v2 =	vld [tilespmem:s12+$0x5600]  }
0x20f: {  	v0 =	vadd.f32 v3, v0  }
0x210: {  	v3 =	vld [tilespmem:s12+$0x5800]  }
0x211: {  	v0 =	vadd.f32 v1, v0  }
0x212: {  	v1 =	vld [tilespmem:s12+$0x5A00]  }
0x213: {  	v0 =	vadd.f32 v2, v0  }
0x214: {  	v2 =	vld [tilespmem:s12+$0x5C00]  }
0x215: {  	v0 =	vadd.f32 v3, v0  }
0x216: {  	v3 =	vld [tilespmem:s12+$0x5E00]  }
0x217: {  	v0 =	vadd.f32 v1, v0  }
0x218: {  	v1 =	vld [tilespmem:s12+$0x6000]  }
0x219: {  	v0 =	vadd.f32 v2, v0  }
0x21a: {  	v2 =	vld [tilespmem:s12+$0x6200]  }
0x21b: {  	v0 =	vadd.f32 v3, v0  }
0x21c: {  	v3 =	vld [tilespmem:s12+$0x6400]  }
0x21d: {  	v0 =	vadd.f32 v1, v0  }
0x21e: {  	v1 =	vld [tilespmem:s12+$0x6600]  }
0x21f: {  	v0 =	vadd.f32 v2, v0;
	_ =	sdelay $0x1  }
0x220: {  	v0 =	vadd.f32 v3, v0;
	_ =	sdelay $0x1  }
0x221: {  	v0 =	vadd.f32 v1, v0  }
0x222: {  	s13 =	simm.s32 $0x10;
	s10 =	simm.s32 $0x6800  }
0x223: {  	s0 =	sand.u32 $0x1F0, s13;
	[tilespmem:s10+$0x0] =	vst v0  }
0x224: {  	s13 =	simm.s32 $0x20;
	s12 =	simm.s32 $0x3410;
	v0 =	vld [tilespmem:s0+$0x3600]  }
.LBB2_5:
0x225: {  	p4 =	sne.s32 s13, $0x1F0;
	v1 =	vld [tilespmem:s12+$0x0];
	_ =	sdelay $0x1  }
0x226: {  	v2 =	vld [tilespmem:s0+$0x3800];
	_ =	sdelay $0x1  }
0x227: {  	v3 =	vld [tilespmem:s0+$0x3A00]  }
0x228: {  	v0 =	vadd.f32 v0, v1  }
0x229: {  	v1 =	vld [tilespmem:s0+$0x3C00]  }
0x22a: {  	v0 =	vadd.f32 v2, v0  }
0x22b: {  	v2 =	vld [tilespmem:s0+$0x3E00]  }
0x22c: {  	v0 =	vadd.f32 v3, v0  }
0x22d: {  	v3 =	vld [tilespmem:s0+$0x4000]  }
0x22e: {  	v0 =	vadd.f32 v1, v0  }
0x22f: {  	v1 =	vld [tilespmem:s0+$0x4200]  }
0x230: {  	v0 =	vadd.f32 v2, v0  }
0x231: {  	v2 =	vld [tilespmem:s0+$0x4400]  }
0x232: {  	v0 =	vadd.f32 v3, v0  }
0x233: {  	v3 =	vld [tilespmem:s0+$0x4600]  }
0x234: {  	v0 =	vadd.f32 v1, v0  }
0x235: {  	v1 =	vld [tilespmem:s0+$0x4800]  }
0x236: {  	v0 =	vadd.f32 v2, v0  }
0x237: {  	v2 =	vld [tilespmem:s0+$0x4A00]  }
0x238: {  	v0 =	vadd.f32 v3, v0  }
0x239: {  	v3 =	vld [tilespmem:s0+$0x4C00]  }
0x23a: {  	v0 =	vadd.f32 v1, v0  }
0x23b: {  	v1 =	vld [tilespmem:s0+$0x4E00]  }
0x23c: {  	v0 =	vadd.f32 v2, v0  }
0x23d: {  	v2 =	vld [tilespmem:s0+$0x5000]  }
0x23e: {  	v0 =	vadd.f32 v3, v0  }
0x23f: {  	v3 =	vld [tilespmem:s0+$0x5200]  }
0x240: {  	v0 =	vadd.f32 v1, v0  }
0x241: {  	v1 =	vld [tilespmem:s0+$0x5400]  }
0x242: {  	v0 =	vadd.f32 v2, v0  }
0x243: {  	v2 =	vld [tilespmem:s0+$0x5600]  }
0x244: {  	v0 =	vadd.f32 v3, v0  }
0x245: {  	v3 =	vld [tilespmem:s0+$0x5800]  }
0x246: {  	v0 =	vadd.f32 v1, v0  }
0x247: {  	v1 =	vld [tilespmem:s0+$0x5A00]  }
0x248: {  	v0 =	vadd.f32 v2, v0  }
0x249: {  	v2 =	vld [tilespmem:s0+$0x5C00]  }
0x24a: {  	v0 =	vadd.f32 v3, v0  }
0x24b: {  	v3 =	vld [tilespmem:s0+$0x5E00]  }
0x24c: {  	v0 =	vadd.f32 v1, v0  }
0x24d: {  	v1 =	vld [tilespmem:s0+$0x6000]  }
0x24e: {  	v0 =	vadd.f32 v2, v0  }
0x24f: {  	v2 =	vld [tilespmem:s0+$0x6200]  }
0x250: {  	v0 =	vadd.f32 v3, v0  }
0x251: {  	v3 =	vld [tilespmem:s0+$0x6400]  }
0x252: {  	v0 =	vadd.f32 v1, v0  }
0x253: {  	v1 =	vld [tilespmem:s0+$0x6600]  }
0x254: {  	v0 =	vadd.f32 v2, v0;
	_ =	sdelay $0x1  }
0x255: {  	v0 =	vadd.f32 v3, v0  }
.Ltmp2:
0x256: {  	(pc) =	sbr.rel @p4 .LBB2_5-.Ltmp2, $4  }
0x257: {  	v0 =	vadd.f32 v1, v0  }
0x258: {  	s10 =	sadd.s32 $0x10, s10  }
0x259: {  	s0 =	sand.u32 $0x1F0, s13;
	[tilespmem:s10+$0x0] =	vst v0  }
0x25a: {  	s12 =	sadd.s32 $0x10, s12;
	s13 =	sadd.s32 $0x10, s13;
	v0 =	vld [tilespmem:s0+$0x3600]  }
0x25b: {  	v1 =	vld [tilespmem:s12+$0x0];
	_ =	sdelay $0x1  }
0x25c: {  	v2 =	vld [tilespmem:s0+$0x3800];
	_ =	sdelay $0x1  }
0x25d: {  	v3 =	vld [tilespmem:s0+$0x3A00]  }
0x25e: {  	v0 =	vadd.f32 v0, v1  }
0x25f: {  	v42 =	vld [tilespmem:s0+$0x3C00]  }
0x260: {  	v0 =	vadd.f32 v2, v0  }
0x261: {  	v43 =	vld [tilespmem:s0+$0x3E00]  }
0x262: {  	v0 =	vadd.f32 v3, v0  }
0x263: {  	v44 =	vld [tilespmem:s0+$0x4000]  }
0x264: {  	v0 =	vadd.f32 v42, v0  }
0x265: {  	v45 =	vld [tilespmem:s0+$0x4200]  }
0x266: {  	v0 =	vadd.f32 v43, v0  }
0x267: {  	v46 =	vld [tilespmem:s0+$0x4400]  }
0x268: {  	v0 =	vadd.f32 v44, v0  }
0x269: {  	v47 =	vld [tilespmem:s0+$0x4600]  }
0x26a: {  	v0 =	vadd.f32 v45, v0  }
0x26b: {  	v48 =	vld [tilespmem:s0+$0x4800]  }
0x26c: {  	v0 =	vadd.f32 v46, v0  }
0x26d: {  	v49 =	vld [tilespmem:s0+$0x4A00]  }
0x26e: {  	v0 =	vadd.f32 v47, v0  }
0x26f: {  	v50 =	vld [tilespmem:s0+$0x4C00]  }
0x270: {  	v0 =	vadd.f32 v48, v0  }
0x271: {  	v51 =	vld [tilespmem:s0+$0x4E00]  }
0x272: {  	v0 =	vadd.f32 v49, v0  }
0x273: {  	v52 =	vld [tilespmem:s0+$0x5000]  }
0x274: {  	v0 =	vadd.f32 v50, v0  }
0x275: {  	v53 =	vld [tilespmem:s0+$0x5200]  }
0x276: {  	v0 =	vadd.f32 v51, v0  }
0x277: {  	v54 =	vld [tilespmem:s0+$0x5400]  }
0x278: {  	v0 =	vadd.f32 v52, v0  }
0x279: {  	v55 =	vld [tilespmem:s0+$0x5600]  }
0x27a: {  	v0 =	vadd.f32 v53, v0  }
0x27b: {  	v56 =	vld [tilespmem:s0+$0x5800]  }
0x27c: {  	v0 =	vadd.f32 v54, v0  }
0x27d: {  	v57 =	vld [tilespmem:s0+$0x5A00]  }
0x27e: {  	v0 =	vadd.f32 v55, v0  }
0x27f: {  	v58 =	vld [tilespmem:s0+$0x5C00]  }
0x280: {  	v0 =	vadd.f32 v56, v0  }
0x281: {  	v59 =	vld [tilespmem:s0+$0x5E00]  }
0x282: {  	v0 =	vadd.f32 v57, v0  }
0x283: {  	v60 =	vld [tilespmem:s0+$0x6000]  }
0x284: {  	v0 =	vadd.f32 v58, v0  }
0x285: {  	v61 =	vld [tilespmem:s0+$0x6200]  }
0x286: {  	v0 =	vadd.f32 v59, v0  }
0x287: {  	v62 =	vld [tilespmem:s0+$0x6400]  }
0x288: {  	v0 =	vadd.f32 v60, v0  }
0x289: {  	v63 =	vld [tilespmem:s0+$0x6600]  }
0x28a: {  	v0 =	vadd.f32 v61, v0;
	_ =	sdelay $0x1  }
0x28b: {  	v0 =	vadd.f32 v62, v0;
	_ =	sdelay $0x1  }
0x28c: {  	v0 =	vadd.f32 v63, v0  }
0x28d: {  	s2 =	sadd.s32 $0x10, s10;
	s3 =	simm.s32 $0x0  }
0x28e: {  	s7 =	rddreg [dreg:$0x8];
	s12 =	simm.s32 $0x5;
	[tilespmem:s2+$0x0] =	vst v0;
	s2 =	simm.s32 $0x6800  }
0x28f: {  	[hbm4b:s7+s3] =	stream.linear.scatter [tilespmem:s2], [sflag:$0x5], $0x200, $0x38;
	[tilespmem:$0x11200] =	vst v63  }
0x290: {  	_ =	swait.ge [sflag:s12], $0x200  }
0x291: {  	s15 =	sadd.s32 $0x1, s15;
	s13 =	rddreg [dreg:$0x9]  }
0x292: {  	p4 =	sne.s32 s15, s13  }
.Ltmp3:
0x293: {  	_ = 	snop;
	(pc) =	sbr.rel @p4 .LBB2_1-.Ltmp3, $3  }
0x294: {  	_ =	sdelay $0x1  }
0x295: {  	[sflag:s12] =	ssyncset.done $0x0  }
0x296: {  	s3 =	smov.u32 s14;
	[sflag:s12] =	ssyncadd.s32 $0xFFFFFE00  }
0x297: {  	_ =	sfence.sel $0x180000  }
0x298: {  	[bflag:$0x0] =	sbarrier.arrive $0xFFFF  }
0x299: {  	_ =	strace $0x90000047  }
0x29a: {  	s0 =	stileid.u32;
	[bflag:$0x2] =	sbarrier.arrive $0xFFFF  }
0x29b: {  	p0 =	sne.s32 s0, $0x0;
	s0 =	rddreg [dreg:$0x4]  }
0x29c: {  	s0 =	sadd.s32 @!p0 $0x100000, s0  }
0x29d: {  	[sflag:s0] =	ssyncadd.tile.s32 @!p0 $0x1;
	_ =	shalt  }
.Lfunc_end2:
_tile_overlayer_lowered:
.L_overlay_start_2:
0x29e: {  	(tag) =	ssettag $0x2  }
0x29f: {  	s0 =	rddreg [dreg:$0x0];
	s2 =	stileid.u32  }
0x2a0: {  	s1 =	rddreg [dreg:$0x1];
	p0 =	sne.s32 s2, $0x0  }
0x2a1: {  	s3 =	rddreg [dreg:$0x2];
	[bflag:$0x3] =	sbarrier.arrive $0xFFFF;
	s2 =	simm.s32 @!p0 $0x1C05  }
0x2a2: {  	[timem:s3], [sflag:s2] =	dma.local @!p0 [hbm:s0], s1  }
0x2a3: {  	s0 =	simm.s32 @!p0 $0x5  }
0x2a4: {  	_ =	swait.ge @!p0 [sflag:s0], s1  }
0x2a5: {  	s1 =	ssub.s32 @!p0 $0x0, s1;
	[sflag:s0] =	ssyncset.done @!p0 $0x0  }
0x2a6: {  	[sflag:s0] =	ssyncadd.s32 @!p0 s1  }
0x2a7: {  	[bflag:$0x3] =	sbarrier.arrive $0xFFFF  }
0x2a8: {  	_ =	shalt  }

</sc_bundles>
